<compile_context>
chip_gen: v7x
topology: tpu7x:2x2x1
jax: 0.10.2.dev20260603
libtpu: 0.0.44.dev20260713+nightly
codegen_flags: <defaults>
</compile_context>

<pallas_src>
import functools

import jax
import jax.numpy as jnp
from jax import lax
from jax.experimental import pallas as pl
from jax.experimental.pallas import tpu as pltpu
from jax.experimental.pallas import tpu_sc as plsc

_NUM_BINS = 256
_L = 16
_NC = 2
_NS = 16
_NW = _NC * _NS

_ROWS = 32
_NBUF = 2


@functools.lru_cache(maxsize=None)
def _make_lookup(nplanes, h, w):
    per_w = nplanes // _NW
    ch_per_plane = h // _ROWS
    nch = per_w * ch_per_plane
    npairs = nch // _NBUF
    assert per_w * _NW == nplanes and npairs * _NBUF == nch

    mesh = plsc.VectorSubcoreMesh(core_axis_name="c", subcore_axis_name="s")

    @functools.partial(
        pl.kernel,
        mesh=mesh,
        out_type=jax.ShapeDtypeStruct((nplanes, h, w), jnp.float32),
        compiler_params=pltpu.CompilerParams(needs_layout_passes=False),
        scratch_types=[
            pltpu.VMEM((_NUM_BINS,), jnp.float32),
            pltpu.VMEM((_ROWS, w), jnp.int32),
            pltpu.VMEM((_ROWS, w), jnp.int32),
            pltpu.VMEM((_ROWS, w), jnp.float32),
            pltpu.VMEM((_ROWS, w), jnp.float32),
            pltpu.SemaphoreType.DMA,
            pltpu.SemaphoreType.DMA,
            pltpu.SemaphoreType.DMA,
            pltpu.SemaphoreType.DMA,
        ],
    )
    def lookup(idx_hbm, tab_hbm, out_hbm, tab_v, idx_v0, idx_v1,
               val_v0, val_v1, sem_in0, sem_in1, sem_out0, sem_out1):
        idx_v = (idx_v0, idx_v1)
        val_v = (val_v0, val_v1)
        sem_in = (sem_in0, sem_in1)
        sem_out = (sem_out0, sem_out1)
        wid = lax.axis_index("s") * _NC + lax.axis_index("c")
        pbase = wid * per_w

        def slab(t):
            plane = pbase + t // ch_per_plane
            row = (t % ch_per_plane) * _ROWS
            return plane, row

        pltpu.sync_copy(tab_hbm, tab_v)
        for b in range(_NBUF):
            plane, row = slab(b)
            pltpu.async_copy(idx_hbm.at[plane, pl.ds(row, _ROWS), :],
                             idx_v[b], sem_in[b])

        def pair(p, carry):
            for b in range(_NBUF):
                g = p * _NBUF + b
                plane, row = slab(g)
                pltpu.make_async_copy(idx_hbm.at[0, pl.ds(0, _ROWS), :],
                                      idx_v[b], sem_in[b]).wait()
                @pl.when(p > 0)
                def _():
                    pltpu.make_async_copy(val_v[b],
                                          out_hbm.at[0, pl.ds(0, _ROWS), :],
                                          sem_out[b]).wait()

                ib = idx_v[b]
                vb = val_v[b]

                @plsc.parallel_loop(0, _ROWS, step=1, unroll=2)
                def _(r):
                    for c in range(w // _L):
                        sl = pl.ds(c * _L, _L)
                        vb[r, sl] = plsc.load_gather(tab_v, [ib[r, sl]])

                pltpu.async_copy(vb, out_hbm.at[plane, pl.ds(row, _ROWS), :],
                                 sem_out[b])

                @pl.when(p < npairs - 1)
                def _():
                    nplane, nrow = slab(g + _NBUF)
                    pltpu.async_copy(
                        idx_hbm.at[nplane, pl.ds(nrow, _ROWS), :],
                        idx_v[b], sem_in[b])
            return carry

        lax.fori_loop(0, npairs, pair, 0)
        for b in range(_NBUF):
            pltpu.make_async_copy(val_v[b], out_hbm.at[0, pl.ds(0, _ROWS), :],
                                  sem_out[b]).wait()

    return lookup


def kernel(images, pixel_probabilities):
    b, c, h, w = images.shape
    planes = images.reshape(b * c, h, w)
    out = _make_lookup(b * c, h, w)(planes, pixel_probabilities)
    return out.reshape(images.shape)

# --- scband reference (transcript-rebuilt; emitter-appended) ---
"""Pipeline reference for scband-pixel-frequency-layer-39109972198307 (READ-ONLY COPY).

The authoritative reference and input builder live on the scoring server;
editing this copy changes nothing except your own understanding.
"""

import jax, jax.numpy as jnp
import numpy as np

NUM_BINS = 256

def setup_inputs(seed: int = 0) -> dict:
    key = jax.random.key(seed)
    k1, k2 = jax.random.split(key)
    images = jax.random.randint(k1, (32, 3, 512, 512), 0, 256, dtype=jnp.int32)
    # learned/buffer state: pixel probability table (initialized uniform as in __init__)
    pixel_probabilities = jnp.ones((NUM_BINS,), dtype=jnp.float32) / NUM_BINS
    return {"images": images, "pixel_probabilities": pixel_probabilities}

def reference(images, pixel_probabilities):
    # forward: images.long() -> gather from 1-D probability table
    pixel_indices = images.astype(jnp.int32)
    probabilities = jnp.take(pixel_probabilities, pixel_indices, axis=0)
    return probabilities

if __name__ == "__main__":
    import jax
    _d = setup_inputs()
    print(jax.jit(kernel)(*tuple(_d.values())))

</pallas_src>

<mosaic_0001>
#map = affine_map<(d0, d1) -> (0, 0, 0)>
#map1 = affine_map<(d0, d1) -> (0)>
module attributes {stable_mosaic.version = 14 : i64} {
  func.func @lookup(%arg0: i32, %arg1: i32, %arg2: memref<96x512x512xi32, #tpu.memory_space<hbm>>, %arg3: memref<256xf32, #tpu.memory_space<hbm>>, %arg4: memref<96x512x512xf32, #tpu.memory_space<hbm>>, %arg5: memref<256xf32, #tpu.memory_space<vmem>>, %arg6: memref<32x512xi32, #tpu.memory_space<vmem>>, %arg7: memref<32x512xi32, #tpu.memory_space<vmem>>, %arg8: memref<32x512xf32, #tpu.memory_space<vmem>>, %arg9: memref<32x512xf32, #tpu.memory_space<vmem>>, %arg10: memref<!tpu.dma_semaphore, #tpu.memory_space<semaphore_mem>>, %arg11: memref<!tpu.dma_semaphore, #tpu.memory_space<semaphore_mem>>, %arg12: memref<!tpu.dma_semaphore, #tpu.memory_space<semaphore_mem>>, %arg13: memref<!tpu.dma_semaphore, #tpu.memory_space<semaphore_mem>>) attributes {dimension_semantics = [#tpu.dimension_semantics<core_parallel>, #tpu.dimension_semantics<subcore_parallel>], iteration_bounds = array<i64: 2, 16>, scalar_prefetch = 0 : i64, scratch_operands = 9 : i64, tpu.core_type = #tpu.core_type<sc_vector_subcore>, window_params = [{transform_indices = #map}, {transform_indices = #map1}, {transform_indices = #map}]} {
    %mul3A = arith.constant 2 : i32
    %mul3A_0 = arith.muli %arg1, %mul3A : i32
    %add3A = arith.addi %mul3A_0, %arg0 : i32
    %mul3A_1 = arith.constant 3 : i32
    %mul3A_2 = arith.muli %add3A, %mul3A_1 : i32
    "tpu.region"() ({
      %run_scoped3A = tpu.sem_alloc : memref<!tpu.dma_semaphore, #tpu.memory_space<semaphore_mem>>
      tpu.enqueue_dma source(%arg3 : memref<256xf32, #tpu.memory_space<hbm>>) target(%arg5 : memref<256xf32, #tpu.memory_space<vmem>>) target_semaphore(%run_scoped3A : memref<!tpu.dma_semaphore, #tpu.memory_space<semaphore_mem>>)
      tpu.wait_dma2 semaphore(%run_scoped3A : memref<!tpu.dma_semaphore, #tpu.memory_space<semaphore_mem>>) src(%arg3 : memref<256xf32, #tpu.memory_space<hbm>>) dst(%arg5 : memref<256xf32, #tpu.memory_space<vmem>>)
      tpu.yield
    }) : () -> ()
    %add3A_3 = arith.constant 0 : i32
    %add3A_4 = arith.addi %mul3A_2, %add3A_3 : i32
    %dma_start3A = arith.constant 0 : i32
    %dma_start3A_5 = arith.constant 0 : i32
    %dma_start3A_6 = tpu.memref_slice %arg2[%add3A_4, %dma_start3A, %dma_start3A_5] : memref<96x512x512xi32, #tpu.memory_space<hbm>> -> memref<1x32x512xi32, #tpu.memory_space<hbm>>
    %dma_start3A_7 = tpu.memref_squeeze %dma_start3A_6 : memref<1x32x512xi32, #tpu.memory_space<hbm>> -> memref<32x512xi32, #tpu.memory_space<hbm>>
    %dma_start3A_8 = arith.constant 0 : i32
    %dma_start3A_9 = arith.constant 0 : i32
    %dma_start3A_10 = tpu.memref_slice %arg2[%add3A_4, %dma_start3A_8, %dma_start3A_9] : memref<96x512x512xi32, #tpu.memory_space<hbm>> -> memref<1x32x512xi32, #tpu.memory_space<hbm>>
    %dma_start3A_11 = tpu.memref_squeeze %dma_start3A_10 : memref<1x32x512xi32, #tpu.memory_space<hbm>> -> memref<32x512xi32, #tpu.memory_space<hbm>>
    tpu.enqueue_dma source(%dma_start3A_11 : memref<32x512xi32, #tpu.memory_space<hbm>>) target(%arg6 : memref<32x512xi32, #tpu.memory_space<vmem>>) target_semaphore(%arg10 : memref<!tpu.dma_semaphore, #tpu.memory_space<semaphore_mem>>)
    %add3A_12 = arith.constant 0 : i32
    %add3A_13 = arith.addi %mul3A_2, %add3A_12 : i32
    %dma_start3A_14 = arith.constant 32 : i32
    %dma_start3A_15 = arith.constant 0 : i32
    %dma_start3A_16 = tpu.memref_slice %arg2[%add3A_13, %dma_start3A_14, %dma_start3A_15] : memref<96x512x512xi32, #tpu.memory_space<hbm>> -> memref<1x32x512xi32, #tpu.memory_space<hbm>>
    %dma_start3A_17 = tpu.memref_squeeze %dma_start3A_16 : memref<1x32x512xi32, #tpu.memory_space<hbm>> -> memref<32x512xi32, #tpu.memory_space<hbm>>
    %dma_start3A_18 = arith.constant 32 : i32
    %dma_start3A_19 = arith.constant 0 : i32
    %dma_start3A_20 = tpu.memref_slice %arg2[%add3A_13, %dma_start3A_18, %dma_start3A_19] : memref<96x512x512xi32, #tpu.memory_space<hbm>> -> memref<1x32x512xi32, #tpu.memory_space<hbm>>
    %dma_start3A_21 = tpu.memref_squeeze %dma_start3A_20 : memref<1x32x512xi32, #tpu.memory_space<hbm>> -> memref<32x512xi32, #tpu.memory_space<hbm>>
    tpu.enqueue_dma source(%dma_start3A_21 : memref<32x512xi32, #tpu.memory_space<hbm>>) target(%arg7 : memref<32x512xi32, #tpu.memory_space<vmem>>) target_semaphore(%arg11 : memref<!tpu.dma_semaphore, #tpu.memory_space<semaphore_mem>>)
    %scan3A = arith.constant 0 : i32
    %scan3A_22 = arith.constant 0 : i32
    %scan3A_23 = arith.constant 24 : i32
    %scan3A_24 = arith.addi %scan3A_22, %scan3A_23 : i32
    %scan3A_25 = arith.constant 1 : i32
    scf.for %scan3A_44 = %scan3A_22 to %scan3A_24 step %scan3A_25  : i32 {
      %mul3A_45 = arith.constant 2 : i32
      %mul3A_46 = arith.muli %scan3A_44, %mul3A_45 : i32
      %add3A_47 = arith.constant 0 : i32
      %add3A_48 = arith.addi %mul3A_46, %add3A_47 : i32
      %jit3A = arith.constant 16 : i32
      %div3A = arith.divsi %add3A_48, %jit3A : i32
      %sign3A = arith.constant 0 : i32
      %sign3A_49 = arith.cmpi sgt, %add3A_48, %sign3A : i32
      %sign3A_50 = arith.extui %sign3A_49 : i1 to i32
      %sign3A_51 = arith.constant 0 : i32
      %sign3A_52 = arith.cmpi slt, %add3A_48, %sign3A_51 : i32
      %sign3A_53 = arith.extui %sign3A_52 : i1 to i32
      %sign3A_54 = arith.subi %sign3A_50, %sign3A_53 : i32
      %sign3A_55 = arith.constant 0 : i32
      %sign3A_56 = arith.cmpi sgt, %jit3A, %sign3A_55 : i32
      %sign3A_57 = arith.extui %sign3A_56 : i1 to i32
      %sign3A_58 = arith.constant 0 : i32
      %sign3A_59 = arith.cmpi slt, %jit3A, %sign3A_58 : i32
      %sign3A_60 = arith.extui %sign3A_59 : i1 to i32
      %sign3A_61 = arith.subi %sign3A_57, %sign3A_60 : i32
      %ne3A = arith.cmpi ne, %sign3A_54, %sign3A_61 : i32
      %rem3A = arith.remsi %add3A_48, %jit3A : i32
      %ne3A_62 = arith.constant 0 : i32
      %ne3A_63 = arith.cmpi ne, %rem3A, %ne3A_62 : i32
      %and3A = arith.andi %ne3A, %ne3A_63 : i1
      %sub3A = arith.constant 1 : i32
      %sub3A_64 = arith.subi %div3A, %sub3A : i32
      %select_n3A = arith.select %and3A, %sub3A_64, %div3A : i32
      %add3A_65 = arith.addi %mul3A_2, %select_n3A : i32
      %jit3A_66 = arith.constant 16 : i32
      %eq3A = arith.constant 0 : i32
      %eq3A_67 = arith.cmpi eq, %jit3A_66, %eq3A : i32
      %jit3A_68 = arith.constant 1 : i32
      %select_n3A_69 = arith.select %eq3A_67, %jit3A_68, %jit3A_66 : i32
      %rem3A_70 = arith.remsi %add3A_48, %select_n3A_69 : i32
      %ne3A_71 = arith.constant 0 : i32
      %ne3A_72 = arith.cmpi ne, %rem3A_70, %ne3A_71 : i32
      %lt3A = arith.constant 0 : i32
      %lt3A_73 = arith.cmpi slt, %rem3A_70, %lt3A : i32
      %lt3A_74 = arith.constant 0 : i32
      %lt3A_75 = arith.cmpi slt, %select_n3A_69, %lt3A_74 : i32
      %ne3A_76 = arith.xori %lt3A_73, %lt3A_75 : i1
      %and3A_77 = arith.andi %ne3A_76, %ne3A_72 : i1
      %add3A_78 = arith.addi %rem3A_70, %select_n3A_69 : i32
      %select_n3A_79 = arith.select %and3A_77, %add3A_78, %rem3A_70 : i32
      %mul3A_80 = arith.constant 32 : i32
      %mul3A_81 = arith.muli %select_n3A_79, %mul3A_80 : i32
      %dma_wait3A_82 = arith.constant 0 : i32
      %dma_wait3A_83 = arith.constant 0 : i32
      %dma_wait3A_84 = arith.constant 0 : i32
      %dma_wait3A_85 = tpu.memref_slice %arg2[%dma_wait3A_82, %dma_wait3A_83, %dma_wait3A_84] : memref<96x512x512xi32, #tpu.memory_space<hbm>> -> memref<1x32x512xi32, #tpu.memory_space<hbm>>
      %dma_wait3A_86 = tpu.memref_squeeze %dma_wait3A_85 : memref<1x32x512xi32, #tpu.memory_space<hbm>> -> memref<32x512xi32, #tpu.memory_space<hbm>>
      %dma_wait3A_87 = arith.constant 0 : i32
      %dma_wait3A_88 = arith.constant 0 : i32
      %dma_wait3A_89 = tpu.memref_slice %arg2[%dma_wait3A_82, %dma_wait3A_87, %dma_wait3A_88] : memref<96x512x512xi32, #tpu.memory_space<hbm>> -> memref<1x32x512xi32, #tpu.memory_space<hbm>>
      %dma_wait3A_90 = tpu.memref_squeeze %dma_wait3A_89 : memref<1x32x512xi32, #tpu.memory_space<hbm>> -> memref<32x512xi32, #tpu.memory_space<hbm>>
      tpu.wait_dma2 semaphore(%arg10 : memref<!tpu.dma_semaphore, #tpu.memory_space<semaphore_mem>>) src(%dma_wait3A_90 : memref<32x512xi32, #tpu.memory_space<hbm>>) dst(%arg6 : memref<32x512xi32, #tpu.memory_space<vmem>>)
      %gt3A = arith.constant 0 : i32
      %gt3A_91 = arith.cmpi sgt, %scan3A_44, %gt3A : i32
      %convert_element_type3A = arith.extui %gt3A_91 : i1 to i32
      %cond3A = arith.constant 0 : i32
      %cond3A_92 = arith.cmpi ne, %convert_element_type3A, %cond3A : i32
      scf.if %cond3A_92 {
        %dma_wait3A_181 = arith.constant 0 : i32
        %dma_wait3A_182 = arith.constant 0 : i32
        %dma_wait3A_183 = arith.constant 0 : i32
        %dma_wait3A_184 = tpu.memref_slice %arg4[%dma_wait3A_181, %dma_wait3A_182, %dma_wait3A_183] : memref<96x512x512xf32, #tpu.memory_space<hbm>> -> memref<1x32x512xf32, #tpu.memory_space<hbm>>
        %dma_wait3A_185 = tpu.memref_squeeze %dma_wait3A_184 : memref<1x32x512xf32, #tpu.memory_space<hbm>> -> memref<32x512xf32, #tpu.memory_space<hbm>>
        %dma_wait3A_186 = arith.constant 0 : i32
        %dma_wait3A_187 = arith.constant 0 : i32
        %dma_wait3A_188 = tpu.memref_slice %arg4[%dma_wait3A_181, %dma_wait3A_186, %dma_wait3A_187] : memref<96x512x512xf32, #tpu.memory_space<hbm>> -> memref<1x32x512xf32, #tpu.memory_space<hbm>>
        %dma_wait3A_189 = tpu.memref_squeeze %dma_wait3A_188 : memref<1x32x512xf32, #tpu.memory_space<hbm>> -> memref<32x512xf32, #tpu.memory_space<hbm>>
        tpu.wait_dma2 semaphore(%arg12 : memref<!tpu.dma_semaphore, #tpu.memory_space<semaphore_mem>>) src(%arg8 : memref<32x512xf32, #tpu.memory_space<vmem>>) dst(%dma_wait3A_189 : memref<32x512xf32, #tpu.memory_space<hbm>>)
      } else {
      }
      %parallel_loop3A = arith.constant 0 : i32
      %parallel_loop3A_93 = arith.constant 32 : i32
      %parallel_loop3A_94 = arith.constant 1 : i32
      scf.for %parallel_loop3A_181 = %parallel_loop3A to %parallel_loop3A_93 step %parallel_loop3A_94  : i32 {
        %parallel_loop3A_182 = arith.index_cast %parallel_loop3A_181 : i32 to index
        %parallel_loop3A_183 = arith.constant 0 : index
        %parallel_loop3A_184 = tpu.vector_load %arg6[%parallel_loop3A_182, %parallel_loop3A_183] {strides = array<i32>} : memref<32x512xi32, #tpu.memory_space<vmem>>, vector<16xi32>,
        %parallel_loop3A_185 = tpu.vector_load_idx %arg5[%parallel_loop3A_184] : memref<256xf32, #tpu.memory_space<vmem>>[vector<16xi32>], vector<16xf32>,
        %parallel_loop3A_186 = arith.index_cast %parallel_loop3A_181 : i32 to index
        %parallel_loop3A_187 = arith.constant 0 : index
        %parallel_loop3A_188 = tpu.vector_load %arg8[%parallel_loop3A_186, %parallel_loop3A_187] {strides = array<i32>} : memref<32x512xf32, #tpu.memory_space<vmem>>, vector<16xf32>,
        tpu.vector_store %arg8[%parallel_loop3A_186, %parallel_loop3A_187], %parallel_loop3A_185 {strides = array<i32>} : memref<32x512xf32, #tpu.memory_space<vmem>>, vector<16xf32>,
        %parallel_loop3A_189 = arith.index_cast %parallel_loop3A_181 : i32 to index
        %parallel_loop3A_190 = arith.constant 16 : index
        %parallel_loop3A_191 = tpu.vector_load %arg6[%parallel_loop3A_189, %parallel_loop3A_190] {strides = array<i32>} : memref<32x512xi32, #tpu.memory_space<vmem>>, vector<16xi32>,
        %parallel_loop3A_192 = tpu.vector_load_idx %arg5[%parallel_loop3A_191] : memref<256xf32, #tpu.memory_space<vmem>>[vector<16xi32>], vector<16xf32>,
        %parallel_loop3A_193 = arith.index_cast %parallel_loop3A_181 : i32 to index
        %parallel_loop3A_194 = arith.constant 16 : index
        %parallel_loop3A_195 = tpu.vector_load %arg8[%parallel_loop3A_193, %parallel_loop3A_194] {strides = array<i32>} : memref<32x512xf32, #tpu.memory_space<vmem>>, vector<16xf32>,
        tpu.vector_store %arg8[%parallel_loop3A_193, %parallel_loop3A_194], %parallel_loop3A_192 {strides = array<i32>} : memref<32x512xf32, #tpu.memory_space<vmem>>, vector<16xf32>,
        %parallel_loop3A_196 = arith.index_cast %parallel_loop3A_181 : i32 to index
        %parallel_loop3A_197 = arith.constant 32 : index
        %parallel_loop3A_198 = tpu.vector_load %arg6[%parallel_loop3A_196, %parallel_loop3A_197] {strides = array<i32>} : memref<32x512xi32, #tpu.memory_space<vmem>>, vector<16xi32>,
        %parallel_loop3A_199 = tpu.vector_load_idx %arg5[%parallel_loop3A_198] : memref<256xf32, #tpu.memory_space<vmem>>[vector<16xi32>], vector<16xf32>,
        %parallel_loop3A_200 = arith.index_cast %parallel_loop3A_181 : i32 to index
        %parallel_loop3A_201 = arith.constant 32 : index
        %parallel_loop3A_202 = tpu.vector_load %arg8[%parallel_loop3A_200, %parallel_loop3A_201] {strides = array<i32>} : memref<32x512xf32, #tpu.memory_space<vmem>>, vector<16xf32>,
        tpu.vector_store %arg8[%parallel_loop3A_200, %parallel_loop3A_201], %parallel_loop3A_199 {strides = array<i32>} : memref<32x512xf32, #tpu.memory_space<vmem>>, vector<16xf32>,
        %parallel_loop3A_203 = arith.index_cast %parallel_loop3A_181 : i32 to index
        %parallel_loop3A_204 = arith.constant 48 : index
        %parallel_loop3A_205 = tpu.vector_load %arg6[%parallel_loop3A_203, %parallel_loop3A_204] {strides = array<i32>} : memref<32x512xi32, #tpu.memory_space<vmem>>, vector<16xi32>,
        %parallel_loop3A_206 = tpu.vector_load_idx %arg5[%parallel_loop3A_205] : memref<256xf32, #tpu.memory_space<vmem>>[vector<16xi32>], vector<16xf32>,
        %parallel_loop3A_207 = arith.index_cast %parallel_loop3A_181 : i32 to index
        %parallel_loop3A_208 = arith.constant 48 : index
        %parallel_loop3A_209 = tpu.vector_load %arg8[%parallel_loop3A_207, %parallel_loop3A_208] {strides = array<i32>} : memref<32x512xf32, #tpu.memory_space<vmem>>, vector<16xf32>,
        tpu.vector_store %arg8[%parallel_loop3A_207, %parallel_loop3A_208], %parallel_loop3A_206 {strides = array<i32>} : memref<32x512xf32, #tpu.memory_space<vmem>>, vector<16xf32>,
        %parallel_loop3A_210 = arith.index_cast %parallel_loop3A_181 : i32 to index
        %parallel_loop3A_211 = arith.constant 64 : index
        %parallel_loop3A_212 = tpu.vector_load %arg6[%parallel_loop3A_210, %parallel_loop3A_211] {strides = array<i32>} : memref<32x512xi32, #tpu.memory_space<vmem>>, vector<16xi32>,
        %parallel_loop3A_213 = tpu.vector_load_idx %arg5[%parallel_loop3A_212] : memref<256xf32, #tpu.memory_space<vmem>>[vector<16xi32>], vector<16xf32>,
        %parallel_loop3A_214 = arith.index_cast %parallel_loop3A_181 : i32 to index
        %parallel_loop3A_215 = arith.constant 64 : index
        %parallel_loop3A_216 = tpu.vector_load %arg8[%parallel_loop3A_214, %parallel_loop3A_215] {strides = array<i32>} : memref<32x512xf32, #tpu.memory_space<vmem>>, vector<16xf32>,
        tpu.vector_store %arg8[%parallel_loop3A_214, %parallel_loop3A_215], %parallel_loop3A_213 {strides = array<i32>} : memref<32x512xf32, #tpu.memory_space<vmem>>, vector<16xf32>,
        %parallel_loop3A_217 = arith.index_cast %parallel_loop3A_181 : i32 to index
        %parallel_loop3A_218 = arith.constant 80 : index
        %parallel_loop3A_219 = tpu.vector_load %arg6[%parallel_loop3A_217, %parallel_loop3A_218] {strides = array<i32>} : memref<32x512xi32, #tpu.memory_space<vmem>>, vector<16xi32>,
        %parallel_loop3A_220 = tpu.vector_load_idx %arg5[%parallel_loop3A_219] : memref<256xf32, #tpu.memory_space<vmem>>[vector<16xi32>], vector<16xf32>,
        %parallel_loop3A_221 = arith.index_cast %parallel_loop3A_181 : i32 to index
        %parallel_loop3A_222 = arith.constant 80 : index
        %parallel_loop3A_223 = tpu.vector_load %arg8[%parallel_loop3A_221, %parallel_loop3A_222] {strides = array<i32>} : memref<32x512xf32, #tpu.memory_space<vmem>>, vector<16xf32>,
        tpu.vector_store %arg8[%parallel_loop3A_221, %parallel_loop3A_222], %parallel_loop3A_220 {strides = array<i32>} : memref<32x512xf32, #tpu.memory_space<vmem>>, vector<16xf32>,
        %parallel_loop3A_224 = arith.index_cast %parallel_loop3A_181 : i32 to index
        %parallel_loop3A_225 = arith.constant 96 : index
        %parallel_loop3A_226 = tpu.vector_load %arg6[%parallel_loop3A_224, %parallel_loop3A_225] {strides = array<i32>} : memref<32x512xi32, #tpu.memory_space<vmem>>, vector<16xi32>,
        %parallel_loop3A_227 = tpu.vector_load_idx %arg5[%parallel_loop3A_226] : memref<256xf32, #tpu.memory_space<vmem>>[vector<16xi32>], vector<16xf32>,
        %parallel_loop3A_228 = arith.index_cast %parallel_loop3A_181 : i32 to index
        %parallel_loop3A_229 = arith.constant 96 : index
        %parallel_loop3A_230 = tpu.vector_load %arg8[%parallel_loop3A_228, %parallel_loop3A_229] {strides = array<i32>} : memref<32x512xf32, #tpu.memory_space<vmem>>, vector<16xf32>,
        tpu.vector_store %arg8[%parallel_loop3A_228, %parallel_loop3A_229], %parallel_loop3A_227 {strides = array<i32>} : memref<32x512xf32, #tpu.memory_space<vmem>>, vector<16xf32>,
        %parallel_loop3A_231 = arith.index_cast %parallel_loop3A_181 : i32 to index
        %parallel_loop3A_232 = arith.constant 112 : index
        %parallel_loop3A_233 = tpu.vector_load %arg6[%parallel_loop3A_231, %parallel_loop3A_232] {strides = array<i32>} : memref<32x512xi32, #tpu.memory_space<vmem>>, vector<16xi32>,
        %parallel_loop3A_234 = tpu.vector_load_idx %arg5[%parallel_loop3A_233] : memref<256xf32, #tpu.memory_space<vmem>>[vector<16xi32>], vector<16xf32>,
        %parallel_loop3A_235 = arith.index_cast %parallel_loop3A_181 : i32 to index
        %parallel_loop3A_236 = arith.constant 112 : index
        %parallel_loop3A_237 = tpu.vector_load %arg8[%parallel_loop3A_235, %parallel_loop3A_236] {strides = array<i32>} : memref<32x512xf32, #tpu.memory_space<vmem>>, vector<16xf32>,
        tpu.vector_store %arg8[%parallel_loop3A_235, %parallel_loop3A_236], %parallel_loop3A_234 {strides = array<i32>} : memref<32x512xf32, #tpu.memory_space<vmem>>, vector<16xf32>,
        %parallel_loop3A_238 = arith.index_cast %parallel_loop3A_181 : i32 to index
        %parallel_loop3A_239 = arith.constant 128 : index
        %parallel_loop3A_240 = tpu.vector_load %arg6[%parallel_loop3A_238, %parallel_loop3A_239] {strides = array<i32>} : memref<32x512xi32, #tpu.memory_space<vmem>>, vector<16xi32>,
        %parallel_loop3A_241 = tpu.vector_load_idx %arg5[%parallel_loop3A_240] : memref<256xf32, #tpu.memory_space<vmem>>[vector<16xi32>], vector<16xf32>,
        %parallel_loop3A_242 = arith.index_cast %parallel_loop3A_181 : i32 to index
        %parallel_loop3A_243 = arith.constant 128 : index
        %parallel_loop3A_244 = tpu.vector_load %arg8[%parallel_loop3A_242, %parallel_loop3A_243] {strides = array<i32>} : memref<32x512xf32, #tpu.memory_space<vmem>>, vector<16xf32>,
        tpu.vector_store %arg8[%parallel_loop3A_242, %parallel_loop3A_243], %parallel_loop3A_241 {strides = array<i32>} : memref<32x512xf32, #tpu.memory_space<vmem>>, vector<16xf32>,
        %parallel_loop3A_245 = arith.index_cast %parallel_loop3A_181 : i32 to index
        %parallel_loop3A_246 = arith.constant 144 : index
        %parallel_loop3A_247 = tpu.vector_load %arg6[%parallel_loop3A_245, %parallel_loop3A_246] {strides = array<i32>} : memref<32x512xi32, #tpu.memory_space<vmem>>, vector<16xi32>,
        %parallel_loop3A_248 = tpu.vector_load_idx %arg5[%parallel_loop3A_247] : memref<256xf32, #tpu.memory_space<vmem>>[vector<16xi32>], vector<16xf32>,
        %parallel_loop3A_249 = arith.index_cast %parallel_loop3A_181 : i32 to index
        %parallel_loop3A_250 = arith.constant 144 : index
        %parallel_loop3A_251 = tpu.vector_load %arg8[%parallel_loop3A_249, %parallel_loop3A_250] {strides = array<i32>} : memref<32x512xf32, #tpu.memory_space<vmem>>, vector<16xf32>,
        tpu.vector_store %arg8[%parallel_loop3A_249, %parallel_loop3A_250], %parallel_loop3A_248 {strides = array<i32>} : memref<32x512xf32, #tpu.memory_space<vmem>>, vector<16xf32>,
        %parallel_loop3A_252 = arith.index_cast %parallel_loop3A_181 : i32 to index
        %parallel_loop3A_253 = arith.constant 160 : index
        %parallel_loop3A_254 = tpu.vector_load %arg6[%parallel_loop3A_252, %parallel_loop3A_253] {strides = array<i32>} : memref<32x512xi32, #tpu.memory_space<vmem>>, vector<16xi32>,
        %parallel_loop3A_255 = tpu.vector_load_idx %arg5[%parallel_loop3A_254] : memref<256xf32, #tpu.memory_space<vmem>>[vector<16xi32>], vector<16xf32>,
        %parallel_loop3A_256 = arith.index_cast %parallel_loop3A_181 : i32 to index
        %parallel_loop3A_257 = arith.constant 160 : index
        %parallel_loop3A_258 = tpu.vector_load %arg8[%parallel_loop3A_256, %parallel_loop3A_257] {strides = array<i32>} : memref<32x512xf32, #tpu.memory_space<vmem>>, vector<16xf32>,
        tpu.vector_store %arg8[%parallel_loop3A_256, %parallel_loop3A_257], %parallel_loop3A_255 {strides = array<i32>} : memref<32x512xf32, #tpu.memory_space<vmem>>, vector<16xf32>,
        %parallel_loop3A_259 = arith.index_cast %parallel_loop3A_181 : i32 to index
        %parallel_loop3A_260 = arith.constant 176 : index
        %parallel_loop3A_261 = tpu.vector_load %arg6[%parallel_loop3A_259, %parallel_loop3A_260] {strides = array<i32>} : memref<32x512xi32, #tpu.memory_space<vmem>>, vector<16xi32>,
        %parallel_loop3A_262 = tpu.vector_load_idx %arg5[%parallel_loop3A_261] : memref<256xf32, #tpu.memory_space<vmem>>[vector<16xi32>], vector<16xf32>,
        %parallel_loop3A_263 = arith.index_cast %parallel_loop3A_181 : i32 to index
        %parallel_loop3A_264 = arith.constant 176 : index
        %parallel_loop3A_265 = tpu.vector_load %arg8[%parallel_loop3A_263, %parallel_loop3A_264] {strides = array<i32>} : memref<32x512xf32, #tpu.memory_space<vmem>>, vector<16xf32>,
        tpu.vector_store %arg8[%parallel_loop3A_263, %parallel_loop3A_264], %parallel_loop3A_262 {strides = array<i32>} : memref<32x512xf32, #tpu.memory_space<vmem>>, vector<16xf32>,
        %parallel_loop3A_266 = arith.index_cast %parallel_loop3A_181 : i32 to index
        %parallel_loop3A_267 = arith.constant 192 : index
        %parallel_loop3A_268 = tpu.vector_load %arg6[%parallel_loop3A_266, %parallel_loop3A_267] {strides = array<i32>} : memref<32x512xi32, #tpu.memory_space<vmem>>, vector<16xi32>,
        %parallel_loop3A_269 = tpu.vector_load_idx %arg5[%parallel_loop3A_268] : memref<256xf32, #tpu.memory_space<vmem>>[vector<16xi32>], vector<16xf32>,
        %parallel_loop3A_270 = arith.index_cast %parallel_loop3A_181 : i32 to index
        %parallel_loop3A_271 = arith.constant 192 : index
        %parallel_loop3A_272 = tpu.vector_load %arg8[%parallel_loop3A_270, %parallel_loop3A_271] {strides = array<i32>} : memref<32x512xf32, #tpu.memory_space<vmem>>, vector<16xf32>,
        tpu.vector_store %arg8[%parallel_loop3A_270, %parallel_loop3A_271], %parallel_loop3A_269 {strides = array<i32>} : memref<32x512xf32, #tpu.memory_space<vmem>>, vector<16xf32>,
        %parallel_loop3A_273 = arith.index_cast %parallel_loop3A_181 : i32 to index
        %parallel_loop3A_274 = arith.constant 208 : index
        %parallel_loop3A_275 = tpu.vector_load %arg6[%parallel_loop3A_273, %parallel_loop3A_274] {strides = array<i32>} : memref<32x512xi32, #tpu.memory_space<vmem>>, vector<16xi32>,
        %parallel_loop3A_276 = tpu.vector_load_idx %arg5[%parallel_loop3A_275] : memref<256xf32, #tpu.memory_space<vmem>>[vector<16xi32>], vector<16xf32>,
        %parallel_loop3A_277 = arith.index_cast %parallel_loop3A_181 : i32 to index
        %parallel_loop3A_278 = arith.constant 208 : index
        %parallel_loop3A_279 = tpu.vector_load %arg8[%parallel_loop3A_277, %parallel_loop3A_278] {strides = array<i32>} : memref<32x512xf32, #tpu.memory_space<vmem>>, vector<16xf32>,
        tpu.vector_store %arg8[%parallel_loop3A_277, %parallel_loop3A_278], %parallel_loop3A_276 {strides = array<i32>} : memref<32x512xf32, #tpu.memory_space<vmem>>, vector<16xf32>,
        %parallel_loop3A_280 = arith.index_cast %parallel_loop3A_181 : i32 to index
        %parallel_loop3A_281 = arith.constant 224 : index
        %parallel_loop3A_282 = tpu.vector_load %arg6[%parallel_loop3A_280, %parallel_loop3A_281] {strides = array<i32>} : memref<32x512xi32, #tpu.memory_space<vmem>>, vector<16xi32>,
        %parallel_loop3A_283 = tpu.vector_load_idx %arg5[%parallel_loop3A_282] : memref<256xf32, #tpu.memory_space<vmem>>[vector<16xi32>], vector<16xf32>,
        %parallel_loop3A_284 = arith.index_cast %parallel_loop3A_181 : i32 to index
        %parallel_loop3A_285 = arith.constant 224 : index
        %parallel_loop3A_286 = tpu.vector_load %arg8[%parallel_loop3A_284, %parallel_loop3A_285] {strides = array<i32>} : memref<32x512xf32, #tpu.memory_space<vmem>>, vector<16xf32>,
        tpu.vector_store %arg8[%parallel_loop3A_284, %parallel_loop3A_285], %parallel_loop3A_283 {strides = array<i32>} : memref<32x512xf32, #tpu.memory_space<vmem>>, vector<16xf32>,
        %parallel_loop3A_287 = arith.index_cast %parallel_loop3A_181 : i32 to index
        %parallel_loop3A_288 = arith.constant 240 : index
        %parallel_loop3A_289 = tpu.vector_load %arg6[%parallel_loop3A_287, %parallel_loop3A_288] {strides = array<i32>} : memref<32x512xi32, #tpu.memory_space<vmem>>, vector<16xi32>,
        %parallel_loop3A_290 = tpu.vector_load_idx %arg5[%parallel_loop3A_289] : memref<256xf32, #tpu.memory_space<vmem>>[vector<16xi32>], vector<16xf32>,
        %parallel_loop3A_291 = arith.index_cast %parallel_loop3A_181 : i32 to index
        %parallel_loop3A_292 = arith.constant 240 : index
        %parallel_loop3A_293 = tpu.vector_load %arg8[%parallel_loop3A_291, %parallel_loop3A_292] {strides = array<i32>} : memref<32x512xf32, #tpu.memory_space<vmem>>, vector<16xf32>,
        tpu.vector_store %arg8[%parallel_loop3A_291, %parallel_loop3A_292], %parallel_loop3A_290 {strides = array<i32>} : memref<32x512xf32, #tpu.memory_space<vmem>>, vector<16xf32>,
        %parallel_loop3A_294 = arith.index_cast %parallel_loop3A_181 : i32 to index
        %parallel_loop3A_295 = arith.constant 256 : index
        %parallel_loop3A_296 = tpu.vector_load %arg6[%parallel_loop3A_294, %parallel_loop3A_295] {strides = array<i32>} : memref<32x512xi32, #tpu.memory_space<vmem>>, vector<16xi32>,
        %parallel_loop3A_297 = tpu.vector_load_idx %arg5[%parallel_loop3A_296] : memref<256xf32, #tpu.memory_space<vmem>>[vector<16xi32>], vector<16xf32>,
        %parallel_loop3A_298 = arith.index_cast %parallel_loop3A_181 : i32 to index
        %parallel_loop3A_299 = arith.constant 256 : index
        %parallel_loop3A_300 = tpu.vector_load %arg8[%parallel_loop3A_298, %parallel_loop3A_299] {strides = array<i32>} : memref<32x512xf32, #tpu.memory_space<vmem>>, vector<16xf32>,
        tpu.vector_store %arg8[%parallel_loop3A_298, %parallel_loop3A_299], %parallel_loop3A_297 {strides = array<i32>} : memref<32x512xf32, #tpu.memory_space<vmem>>, vector<16xf32>,
        %parallel_loop3A_301 = arith.index_cast %parallel_loop3A_181 : i32 to index
        %parallel_loop3A_302 = arith.constant 272 : index
        %parallel_loop3A_303 = tpu.vector_load %arg6[%parallel_loop3A_301, %parallel_loop3A_302] {strides = array<i32>} : memref<32x512xi32, #tpu.memory_space<vmem>>, vector<16xi32>,
        %parallel_loop3A_304 = tpu.vector_load_idx %arg5[%parallel_loop3A_303] : memref<256xf32, #tpu.memory_space<vmem>>[vector<16xi32>], vector<16xf32>,
        %parallel_loop3A_305 = arith.index_cast %parallel_loop3A_181 : i32 to index
        %parallel_loop3A_306 = arith.constant 272 : index
        %parallel_loop3A_307 = tpu.vector_load %arg8[%parallel_loop3A_305, %parallel_loop3A_306] {strides = array<i32>} : memref<32x512xf32, #tpu.memory_space<vmem>>, vector<16xf32>,
        tpu.vector_store %arg8[%parallel_loop3A_305, %parallel_loop3A_306], %parallel_loop3A_304 {strides = array<i32>} : memref<32x512xf32, #tpu.memory_space<vmem>>, vector<16xf32>,
        %parallel_loop3A_308 = arith.index_cast %parallel_loop3A_181 : i32 to index
        %parallel_loop3A_309 = arith.constant 288 : index
        %parallel_loop3A_310 = tpu.vector_load %arg6[%parallel_loop3A_308, %parallel_loop3A_309] {strides = array<i32>} : memref<32x512xi32, #tpu.memory_space<vmem>>, vector<16xi32>,
        %parallel_loop3A_311 = tpu.vector_load_idx %arg5[%parallel_loop3A_310] : memref<256xf32, #tpu.memory_space<vmem>>[vector<16xi32>], vector<16xf32>,
        %parallel_loop3A_312 = arith.index_cast %parallel_loop3A_181 : i32 to index
        %parallel_loop3A_313 = arith.constant 288 : index
        %parallel_loop3A_314 = tpu.vector_load %arg8[%parallel_loop3A_312, %parallel_loop3A_313] {strides = array<i32>} : memref<32x512xf32, #tpu.memory_space<vmem>>, vector<16xf32>,
        tpu.vector_store %arg8[%parallel_loop3A_312, %parallel_loop3A_313], %parallel_loop3A_311 {strides = array<i32>} : memref<32x512xf32, #tpu.memory_space<vmem>>, vector<16xf32>,
        %parallel_loop3A_315 = arith.index_cast %parallel_loop3A_181 : i32 to index
        %parallel_loop3A_316 = arith.constant 304 : index
        %parallel_loop3A_317 = tpu.vector_load %arg6[%parallel_loop3A_315, %parallel_loop3A_316] {strides = array<i32>} : memref<32x512xi32, #tpu.memory_space<vmem>>, vector<16xi32>,
        %parallel_loop3A_318 = tpu.vector_load_idx %arg5[%parallel_loop3A_317] : memref<256xf32, #tpu.memory_space<vmem>>[vector<16xi32>], vector<16xf32>,
        %parallel_loop3A_319 = arith.index_cast %parallel_loop3A_181 : i32 to index
        %parallel_loop3A_320 = arith.constant 304 : index
        %parallel_loop3A_321 = tpu.vector_load %arg8[%parallel_loop3A_319, %parallel_loop3A_320] {strides = array<i32>} : memref<32x512xf32, #tpu.memory_space<vmem>>, vector<16xf32>,
        tpu.vector_store %arg8[%parallel_loop3A_319, %parallel_loop3A_320], %parallel_loop3A_318 {strides = array<i32>} : memref<32x512xf32, #tpu.memory_space<vmem>>, vector<16xf32>,
        %parallel_loop3A_322 = arith.index_cast %parallel_loop3A_181 : i32 to index
        %parallel_loop3A_323 = arith.constant 320 : index
        %parallel_loop3A_324 = tpu.vector_load %arg6[%parallel_loop3A_322, %parallel_loop3A_323] {strides = array<i32>} : memref<32x512xi32, #tpu.memory_space<vmem>>, vector<16xi32>,
        %parallel_loop3A_325 = tpu.vector_load_idx %arg5[%parallel_loop3A_324] : memref<256xf32, #tpu.memory_space<vmem>>[vector<16xi32>], vector<16xf32>,
        %parallel_loop3A_326 = arith.index_cast %parallel_loop3A_181 : i32 to index
        %parallel_loop3A_327 = arith.constant 320 : index
        %parallel_loop3A_328 = tpu.vector_load %arg8[%parallel_loop3A_326, %parallel_loop3A_327] {strides = array<i32>} : memref<32x512xf32, #tpu.memory_space<vmem>>, vector<16xf32>,
        tpu.vector_store %arg8[%parallel_loop3A_326, %parallel_loop3A_327], %parallel_loop3A_325 {strides = array<i32>} : memref<32x512xf32, #tpu.memory_space<vmem>>, vector<16xf32>,
        %parallel_loop3A_329 = arith.index_cast %parallel_loop3A_181 : i32 to index
        %parallel_loop3A_330 = arith.constant 336 : index
        %parallel_loop3A_331 = tpu.vector_load %arg6[%parallel_loop3A_329, %parallel_loop3A_330] {strides = array<i32>} : memref<32x512xi32, #tpu.memory_space<vmem>>, vector<16xi32>,
        %parallel_loop3A_332 = tpu.vector_load_idx %arg5[%parallel_loop3A_331] : memref<256xf32, #tpu.memory_space<vmem>>[vector<16xi32>], vector<16xf32>,
        %parallel_loop3A_333 = arith.index_cast %parallel_loop3A_181 : i32 to index
        %parallel_loop3A_334 = arith.constant 336 : index
        %parallel_loop3A_335 = tpu.vector_load %arg8[%parallel_loop3A_333, %parallel_loop3A_334] {strides = array<i32>} : memref<32x512xf32, #tpu.memory_space<vmem>>, vector<16xf32>,
        tpu.vector_store %arg8[%parallel_loop3A_333, %parallel_loop3A_334], %parallel_loop3A_332 {strides = array<i32>} : memref<32x512xf32, #tpu.memory_space<vmem>>, vector<16xf32>,
        %parallel_loop3A_336 = arith.index_cast %parallel_loop3A_181 : i32 to index
        %parallel_loop3A_337 = arith.constant 352 : index
        %parallel_loop3A_338 = tpu.vector_load %arg6[%parallel_loop3A_336, %parallel_loop3A_337] {strides = array<i32>} : memref<32x512xi32, #tpu.memory_space<vmem>>, vector<16xi32>,
        %parallel_loop3A_339 = tpu.vector_load_idx %arg5[%parallel_loop3A_338] : memref<256xf32, #tpu.memory_space<vmem>>[vector<16xi32>], vector<16xf32>,
        %parallel_loop3A_340 = arith.index_cast %parallel_loop3A_181 : i32 to index
        %parallel_loop3A_341 = arith.constant 352 : index
        %parallel_loop3A_342 = tpu.vector_load %arg8[%parallel_loop3A_340, %parallel_loop3A_341] {strides = array<i32>} : memref<32x512xf32, #tpu.memory_space<vmem>>, vector<16xf32>,
        tpu.vector_store %arg8[%parallel_loop3A_340, %parallel_loop3A_341], %parallel_loop3A_339 {strides = array<i32>} : memref<32x512xf32, #tpu.memory_space<vmem>>, vector<16xf32>,
        %parallel_loop3A_343 = arith.index_cast %parallel_loop3A_181 : i32 to index
        %parallel_loop3A_344 = arith.constant 368 : index
        %parallel_loop3A_345 = tpu.vector_load %arg6[%parallel_loop3A_343, %parallel_loop3A_344] {strides = array<i32>} : memref<32x512xi32, #tpu.memory_space<vmem>>, vector<16xi32>,
        %parallel_loop3A_346 = tpu.vector_load_idx %arg5[%parallel_loop3A_345] : memref<256xf32, #tpu.memory_space<vmem>>[vector<16xi32>], vector<16xf32>,
        %parallel_loop3A_347 = arith.index_cast %parallel_loop3A_181 : i32 to index
        %parallel_loop3A_348 = arith.constant 368 : index
        %parallel_loop3A_349 = tpu.vector_load %arg8[%parallel_loop3A_347, %parallel_loop3A_348] {strides = array<i32>} : memref<32x512xf32, #tpu.memory_space<vmem>>, vector<16xf32>,
        tpu.vector_store %arg8[%parallel_loop3A_347, %parallel_loop3A_348], %parallel_loop3A_346 {strides = array<i32>} : memref<32x512xf32, #tpu.memory_space<vmem>>, vector<16xf32>,
        %parallel_loop3A_350 = arith.index_cast %parallel_loop3A_181 : i32 to index
        %parallel_loop3A_351 = arith.constant 384 : index
        %parallel_loop3A_352 = tpu.vector_load %arg6[%parallel_loop3A_350, %parallel_loop3A_351] {strides = array<i32>} : memref<32x512xi32, #tpu.memory_space<vmem>>, vector<16xi32>,
        %parallel_loop3A_353 = tpu.vector_load_idx %arg5[%parallel_loop3A_352] : memref<256xf32, #tpu.memory_space<vmem>>[vector<16xi32>], vector<16xf32>,
        %parallel_loop3A_354 = arith.index_cast %parallel_loop3A_181 : i32 to index
        %parallel_loop3A_355 = arith.constant 384 : index
        %parallel_loop3A_356 = tpu.vector_load %arg8[%parallel_loop3A_354, %parallel_loop3A_355] {strides = array<i32>} : memref<32x512xf32, #tpu.memory_space<vmem>>, vector<16xf32>,
        tpu.vector_store %arg8[%parallel_loop3A_354, %parallel_loop3A_355], %parallel_loop3A_353 {strides = array<i32>} : memref<32x512xf32, #tpu.memory_space<vmem>>, vector<16xf32>,
        %parallel_loop3A_357 = arith.index_cast %parallel_loop3A_181 : i32 to index
        %parallel_loop3A_358 = arith.constant 400 : index
        %parallel_loop3A_359 = tpu.vector_load %arg6[%parallel_loop3A_357, %parallel_loop3A_358] {strides = array<i32>} : memref<32x512xi32, #tpu.memory_space<vmem>>, vector<16xi32>,
        %parallel_loop3A_360 = tpu.vector_load_idx %arg5[%parallel_loop3A_359] : memref<256xf32, #tpu.memory_space<vmem>>[vector<16xi32>], vector<16xf32>,
        %parallel_loop3A_361 = arith.index_cast %parallel_loop3A_181 : i32 to index
        %parallel_loop3A_362 = arith.constant 400 : index
        %parallel_loop3A_363 = tpu.vector_load %arg8[%parallel_loop3A_361, %parallel_loop3A_362] {strides = array<i32>} : memref<32x512xf32, #tpu.memory_space<vmem>>, vector<16xf32>,
        tpu.vector_store %arg8[%parallel_loop3A_361, %parallel_loop3A_362], %parallel_loop3A_360 {strides = array<i32>} : memref<32x512xf32, #tpu.memory_space<vmem>>, vector<16xf32>,
        %parallel_loop3A_364 = arith.index_cast %parallel_loop3A_181 : i32 to index
        %parallel_loop3A_365 = arith.constant 416 : index
        %parallel_loop3A_366 = tpu.vector_load %arg6[%parallel_loop3A_364, %parallel_loop3A_365] {strides = array<i32>} : memref<32x512xi32, #tpu.memory_space<vmem>>, vector<16xi32>,
        %parallel_loop3A_367 = tpu.vector_load_idx %arg5[%parallel_loop3A_366] : memref<256xf32, #tpu.memory_space<vmem>>[vector<16xi32>], vector<16xf32>,
        %parallel_loop3A_368 = arith.index_cast %parallel_loop3A_181 : i32 to index
        %parallel_loop3A_369 = arith.constant 416 : index
        %parallel_loop3A_370 = tpu.vector_load %arg8[%parallel_loop3A_368, %parallel_loop3A_369] {strides = array<i32>} : memref<32x512xf32, #tpu.memory_space<vmem>>, vector<16xf32>,
        tpu.vector_store %arg8[%parallel_loop3A_368, %parallel_loop3A_369], %parallel_loop3A_367 {strides = array<i32>} : memref<32x512xf32, #tpu.memory_space<vmem>>, vector<16xf32>,
        %parallel_loop3A_371 = arith.index_cast %parallel_loop3A_181 : i32 to index
        %parallel_loop3A_372 = arith.constant 432 : index
        %parallel_loop3A_373 = tpu.vector_load %arg6[%parallel_loop3A_371, %parallel_loop3A_372] {strides = array<i32>} : memref<32x512xi32, #tpu.memory_space<vmem>>, vector<16xi32>,
        %parallel_loop3A_374 = tpu.vector_load_idx %arg5[%parallel_loop3A_373] : memref<256xf32, #tpu.memory_space<vmem>>[vector<16xi32>], vector<16xf32>,
        %parallel_loop3A_375 = arith.index_cast %parallel_loop3A_181 : i32 to index
        %parallel_loop3A_376 = arith.constant 432 : index
        %parallel_loop3A_377 = tpu.vector_load %arg8[%parallel_loop3A_375, %parallel_loop3A_376] {strides = array<i32>} : memref<32x512xf32, #tpu.memory_space<vmem>>, vector<16xf32>,
        tpu.vector_store %arg8[%parallel_loop3A_375, %parallel_loop3A_376], %parallel_loop3A_374 {strides = array<i32>} : memref<32x512xf32, #tpu.memory_space<vmem>>, vector<16xf32>,
        %parallel_loop3A_378 = arith.index_cast %parallel_loop3A_181 : i32 to index
        %parallel_loop3A_379 = arith.constant 448 : index
        %parallel_loop3A_380 = tpu.vector_load %arg6[%parallel_loop3A_378, %parallel_loop3A_379] {strides = array<i32>} : memref<32x512xi32, #tpu.memory_space<vmem>>, vector<16xi32>,
        %parallel_loop3A_381 = tpu.vector_load_idx %arg5[%parallel_loop3A_380] : memref<256xf32, #tpu.memory_space<vmem>>[vector<16xi32>], vector<16xf32>,
        %parallel_loop3A_382 = arith.index_cast %parallel_loop3A_181 : i32 to index
        %parallel_loop3A_383 = arith.constant 448 : index
        %parallel_loop3A_384 = tpu.vector_load %arg8[%parallel_loop3A_382, %parallel_loop3A_383] {strides = array<i32>} : memref<32x512xf32, #tpu.memory_space<vmem>>, vector<16xf32>,
        tpu.vector_store %arg8[%parallel_loop3A_382, %parallel_loop3A_383], %parallel_loop3A_381 {strides = array<i32>} : memref<32x512xf32, #tpu.memory_space<vmem>>, vector<16xf32>,
        %parallel_loop3A_385 = arith.index_cast %parallel_loop3A_181 : i32 to index
        %parallel_loop3A_386 = arith.constant 464 : index
        %parallel_loop3A_387 = tpu.vector_load %arg6[%parallel_loop3A_385, %parallel_loop3A_386] {strides = array<i32>} : memref<32x512xi32, #tpu.memory_space<vmem>>, vector<16xi32>,
        %parallel_loop3A_388 = tpu.vector_load_idx %arg5[%parallel_loop3A_387] : memref<256xf32, #tpu.memory_space<vmem>>[vector<16xi32>], vector<16xf32>,
        %parallel_loop3A_389 = arith.index_cast %parallel_loop3A_181 : i32 to index
        %parallel_loop3A_390 = arith.constant 464 : index
        %parallel_loop3A_391 = tpu.vector_load %arg8[%parallel_loop3A_389, %parallel_loop3A_390] {strides = array<i32>} : memref<32x512xf32, #tpu.memory_space<vmem>>, vector<16xf32>,
        tpu.vector_store %arg8[%parallel_loop3A_389, %parallel_loop3A_390], %parallel_loop3A_388 {strides = array<i32>} : memref<32x512xf32, #tpu.memory_space<vmem>>, vector<16xf32>,
        %parallel_loop3A_392 = arith.index_cast %parallel_loop3A_181 : i32 to index
        %parallel_loop3A_393 = arith.constant 480 : index
        %parallel_loop3A_394 = tpu.vector_load %arg6[%parallel_loop3A_392, %parallel_loop3A_393] {strides = array<i32>} : memref<32x512xi32, #tpu.memory_space<vmem>>, vector<16xi32>,
        %parallel_loop3A_395 = tpu.vector_load_idx %arg5[%parallel_loop3A_394] : memref<256xf32, #tpu.memory_space<vmem>>[vector<16xi32>], vector<16xf32>,
        %parallel_loop3A_396 = arith.index_cast %parallel_loop3A_181 : i32 to index
        %parallel_loop3A_397 = arith.constant 480 : index
        %parallel_loop3A_398 = tpu.vector_load %arg8[%parallel_loop3A_396, %parallel_loop3A_397] {strides = array<i32>} : memref<32x512xf32, #tpu.memory_space<vmem>>, vector<16xf32>,
        tpu.vector_store %arg8[%parallel_loop3A_396, %parallel_loop3A_397], %parallel_loop3A_395 {strides = array<i32>} : memref<32x512xf32, #tpu.memory_space<vmem>>, vector<16xf32>,
        %parallel_loop3A_399 = arith.index_cast %parallel_loop3A_181 : i32 to index
        %parallel_loop3A_400 = arith.constant 496 : index
        %parallel_loop3A_401 = tpu.vector_load %arg6[%parallel_loop3A_399, %parallel_loop3A_400] {strides = array<i32>} : memref<32x512xi32, #tpu.memory_space<vmem>>, vector<16xi32>,
        %parallel_loop3A_402 = tpu.vector_load_idx %arg5[%parallel_loop3A_401] : memref<256xf32, #tpu.memory_space<vmem>>[vector<16xi32>], vector<16xf32>,
        %parallel_loop3A_403 = arith.index_cast %parallel_loop3A_181 : i32 to index
        %parallel_loop3A_404 = arith.constant 496 : index
        %parallel_loop3A_405 = tpu.vector_load %arg8[%parallel_loop3A_403, %parallel_loop3A_404] {strides = array<i32>} : memref<32x512xf32, #tpu.memory_space<vmem>>, vector<16xf32>,
        tpu.vector_store %arg8[%parallel_loop3A_403, %parallel_loop3A_404], %parallel_loop3A_402 {strides = array<i32>} : memref<32x512xf32, #tpu.memory_space<vmem>>, vector<16xf32>,
      } {sc.loop_unroll_factor = 2 : i64, sc.parallel_access}
      %dma_start3A_95 = arith.constant 0 : i32
      %dma_start3A_96 = tpu.memref_slice %arg4[%add3A_65, %mul3A_81, %dma_start3A_95] : memref<96x512x512xf32, #tpu.memory_space<hbm>> -> memref<1x32x512xf32, #tpu.memory_space<hbm>>
      %dma_start3A_97 = tpu.memref_squeeze %dma_start3A_96 : memref<1x32x512xf32, #tpu.memory_space<hbm>> -> memref<32x512xf32, #tpu.memory_space<hbm>>
      %dma_start3A_98 = arith.constant 0 : i32
      %dma_start3A_99 = tpu.memref_slice %arg4[%add3A_65, %mul3A_81, %dma_start3A_98] : memref<96x512x512xf32, #tpu.memory_space<hbm>> -> memref<1x32x512xf32, #tpu.memory_space<hbm>>
      %dma_start3A_100 = tpu.memref_squeeze %dma_start3A_99 : memref<1x32x512xf32, #tpu.memory_space<hbm>> -> memref<32x512xf32, #tpu.memory_space<hbm>>
      tpu.enqueue_dma source(%arg8 : memref<32x512xf32, #tpu.memory_space<vmem>>) target(%dma_start3A_100 : memref<32x512xf32, #tpu.memory_space<hbm>>) target_semaphore(%arg12 : memref<!tpu.dma_semaphore, #tpu.memory_space<semaphore_mem>>)
      %lt3A_101 = arith.constant 23 : i32
      %lt3A_102 = arith.cmpi slt, %scan3A_44, %lt3A_101 : i32
      %convert_element_type3A_103 = arith.extui %lt3A_102 : i1 to i32
      %cond3A_104 = arith.constant 0 : i32
      %cond3A_105 = arith.cmpi ne, %convert_element_type3A_103, %cond3A_104 : i32
      scf.if %cond3A_105 {
        %add3A_181 = arith.constant 2 : i32
        %add3A_182 = arith.addi %add3A_48, %add3A_181 : i32
        %jit3A_183 = arith.constant 16 : i32
        %div3A_184 = arith.divsi %add3A_182, %jit3A_183 : i32
        %sign3A_185 = arith.constant 0 : i32
        %sign3A_186 = arith.cmpi sgt, %add3A_182, %sign3A_185 : i32
        %sign3A_187 = arith.extui %sign3A_186 : i1 to i32
        %sign3A_188 = arith.constant 0 : i32
        %sign3A_189 = arith.cmpi slt, %add3A_182, %sign3A_188 : i32
        %sign3A_190 = arith.extui %sign3A_189 : i1 to i32
        %sign3A_191 = arith.subi %sign3A_187, %sign3A_190 : i32
        %sign3A_192 = arith.constant 0 : i32
        %sign3A_193 = arith.cmpi sgt, %jit3A_183, %sign3A_192 : i32
        %sign3A_194 = arith.extui %sign3A_193 : i1 to i32
        %sign3A_195 = arith.constant 0 : i32
        %sign3A_196 = arith.cmpi slt, %jit3A_183, %sign3A_195 : i32
        %sign3A_197 = arith.extui %sign3A_196 : i1 to i32
        %sign3A_198 = arith.subi %sign3A_194, %sign3A_197 : i32
        %ne3A_199 = arith.cmpi ne, %sign3A_191, %sign3A_198 : i32
        %rem3A_200 = arith.remsi %add3A_182, %jit3A_183 : i32
        %ne3A_201 = arith.constant 0 : i32
        %ne3A_202 = arith.cmpi ne, %rem3A_200, %ne3A_201 : i32
        %and3A_203 = arith.andi %ne3A_199, %ne3A_202 : i1
        %sub3A_204 = arith.constant 1 : i32
        %sub3A_205 = arith.subi %div3A_184, %sub3A_204 : i32
        %select_n3A_206 = arith.select %and3A_203, %sub3A_205, %div3A_184 : i32
        %add3A_207 = arith.addi %mul3A_2, %select_n3A_206 : i32
        %jit3A_208 = arith.constant 16 : i32
        %eq3A_209 = arith.constant 0 : i32
        %eq3A_210 = arith.cmpi eq, %jit3A_208, %eq3A_209 : i32
        %jit3A_211 = arith.constant 1 : i32
        %select_n3A_212 = arith.select %eq3A_210, %jit3A_211, %jit3A_208 : i32
        %rem3A_213 = arith.remsi %add3A_182, %select_n3A_212 : i32
        %ne3A_214 = arith.constant 0 : i32
        %ne3A_215 = arith.cmpi ne, %rem3A_213, %ne3A_214 : i32
        %lt3A_216 = arith.constant 0 : i32
        %lt3A_217 = arith.cmpi slt, %rem3A_213, %lt3A_216 : i32
        %lt3A_218 = arith.constant 0 : i32
        %lt3A_219 = arith.cmpi slt, %select_n3A_212, %lt3A_218 : i32
        %ne3A_220 = arith.xori %lt3A_217, %lt3A_219 : i1
        %and3A_221 = arith.andi %ne3A_220, %ne3A_215 : i1
        %add3A_222 = arith.addi %rem3A_213, %select_n3A_212 : i32
        %select_n3A_223 = arith.select %and3A_221, %add3A_222, %rem3A_213 : i32
        %mul3A_224 = arith.constant 32 : i32
        %mul3A_225 = arith.muli %select_n3A_223, %mul3A_224 : i32
        %dma_start3A_226 = arith.constant 0 : i32
        %dma_start3A_227 = tpu.memref_slice %arg2[%add3A_207, %mul3A_225, %dma_start3A_226] : memref<96x512x512xi32, #tpu.memory_space<hbm>> -> memref<1x32x512xi32, #tpu.memory_space<hbm>>
        %dma_start3A_228 = tpu.memref_squeeze %dma_start3A_227 : memref<1x32x512xi32, #tpu.memory_space<hbm>> -> memref<32x512xi32, #tpu.memory_space<hbm>>
        %dma_start3A_229 = arith.constant 0 : i32
        %dma_start3A_230 = tpu.memref_slice %arg2[%add3A_207, %mul3A_225, %dma_start3A_229] : memref<96x512x512xi32, #tpu.memory_space<hbm>> -> memref<1x32x512xi32, #tpu.memory_space<hbm>>
        %dma_start3A_231 = tpu.memref_squeeze %dma_start3A_230 : memref<1x32x512xi32, #tpu.memory_space<hbm>> -> memref<32x512xi32, #tpu.memory_space<hbm>>
        tpu.enqueue_dma source(%dma_start3A_231 : memref<32x512xi32, #tpu.memory_space<hbm>>) target(%arg6 : memref<32x512xi32, #tpu.memory_space<vmem>>) target_semaphore(%arg10 : memref<!tpu.dma_semaphore, #tpu.memory_space<semaphore_mem>>)
      } else {
      }
      %mul3A_106 = arith.constant 2 : i32
      %mul3A_107 = arith.muli %scan3A_44, %mul3A_106 : i32
      %add3A_108 = arith.constant 1 : i32
      %add3A_109 = arith.addi %mul3A_107, %add3A_108 : i32
      %jit3A_110 = arith.constant 16 : i32
      %div3A_111 = arith.divsi %add3A_109, %jit3A_110 : i32
      %sign3A_112 = arith.constant 0 : i32
      %sign3A_113 = arith.cmpi sgt, %add3A_109, %sign3A_112 : i32
      %sign3A_114 = arith.extui %sign3A_113 : i1 to i32
      %sign3A_115 = arith.constant 0 : i32
      %sign3A_116 = arith.cmpi slt, %add3A_109, %sign3A_115 : i32
      %sign3A_117 = arith.extui %sign3A_116 : i1 to i32
      %sign3A_118 = arith.subi %sign3A_114, %sign3A_117 : i32
      %sign3A_119 = arith.constant 0 : i32
      %sign3A_120 = arith.cmpi sgt, %jit3A_110, %sign3A_119 : i32
      %sign3A_121 = arith.extui %sign3A_120 : i1 to i32
      %sign3A_122 = arith.constant 0 : i32
      %sign3A_123 = arith.cmpi slt, %jit3A_110, %sign3A_122 : i32
      %sign3A_124 = arith.extui %sign3A_123 : i1 to i32
      %sign3A_125 = arith.subi %sign3A_121, %sign3A_124 : i32
      %ne3A_126 = arith.cmpi ne, %sign3A_118, %sign3A_125 : i32
      %rem3A_127 = arith.remsi %add3A_109, %jit3A_110 : i32
      %ne3A_128 = arith.constant 0 : i32
      %ne3A_129 = arith.cmpi ne, %rem3A_127, %ne3A_128 : i32
      %and3A_130 = arith.andi %ne3A_126, %ne3A_129 : i1
      %sub3A_131 = arith.constant 1 : i32
      %sub3A_132 = arith.subi %div3A_111, %sub3A_131 : i32
      %select_n3A_133 = arith.select %and3A_130, %sub3A_132, %div3A_111 : i32
      %add3A_134 = arith.addi %mul3A_2, %select_n3A_133 : i32
      %jit3A_135 = arith.constant 16 : i32
      %eq3A_136 = arith.constant 0 : i32
      %eq3A_137 = arith.cmpi eq, %jit3A_135, %eq3A_136 : i32
      %jit3A_138 = arith.constant 1 : i32
      %select_n3A_139 = arith.select %eq3A_137, %jit3A_138, %jit3A_135 : i32
      %rem3A_140 = arith.remsi %add3A_109, %select_n3A_139 : i32
      %ne3A_141 = arith.constant 0 : i32
      %ne3A_142 = arith.cmpi ne, %rem3A_140, %ne3A_141 : i32
      %lt3A_143 = arith.constant 0 : i32
      %lt3A_144 = arith.cmpi slt, %rem3A_140, %lt3A_143 : i32
      %lt3A_145 = arith.constant 0 : i32
      %lt3A_146 = arith.cmpi slt, %select_n3A_139, %lt3A_145 : i32
      %ne3A_147 = arith.xori %lt3A_144, %lt3A_146 : i1
      %and3A_148 = arith.andi %ne3A_147, %ne3A_142 : i1
      %add3A_149 = arith.addi %rem3A_140, %select_n3A_139 : i32
      %select_n3A_150 = arith.select %and3A_148, %add3A_149, %rem3A_140 : i32
      %mul3A_151 = arith.constant 32 : i32
      %mul3A_152 = arith.muli %select_n3A_150, %mul3A_151 : i32
      %dma_wait3A_153 = arith.constant 0 : i32
      %dma_wait3A_154 = arith.constant 0 : i32
      %dma_wait3A_155 = arith.constant 0 : i32
      %dma_wait3A_156 = tpu.memref_slice %arg2[%dma_wait3A_153, %dma_wait3A_154, %dma_wait3A_155] : memref<96x512x512xi32, #tpu.memory_space<hbm>> -> memref<1x32x512xi32, #tpu.memory_space<hbm>>
      %dma_wait3A_157 = tpu.memref_squeeze %dma_wait3A_156 : memref<1x32x512xi32, #tpu.memory_space<hbm>> -> memref<32x512xi32, #tpu.memory_space<hbm>>
      %dma_wait3A_158 = arith.constant 0 : i32
      %dma_wait3A_159 = arith.constant 0 : i32
      %dma_wait3A_160 = tpu.memref_slice %arg2[%dma_wait3A_153, %dma_wait3A_158, %dma_wait3A_159] : memref<96x512x512xi32, #tpu.memory_space<hbm>> -> memref<1x32x512xi32, #tpu.memory_space<hbm>>
      %dma_wait3A_161 = tpu.memref_squeeze %dma_wait3A_160 : memref<1x32x512xi32, #tpu.memory_space<hbm>> -> memref<32x512xi32, #tpu.memory_space<hbm>>
      tpu.wait_dma2 semaphore(%arg11 : memref<!tpu.dma_semaphore, #tpu.memory_space<semaphore_mem>>) src(%dma_wait3A_161 : memref<32x512xi32, #tpu.memory_space<hbm>>) dst(%arg7 : memref<32x512xi32, #tpu.memory_space<vmem>>)
      %gt3A_162 = arith.constant 0 : i32
      %gt3A_163 = arith.cmpi sgt, %scan3A_44, %gt3A_162 : i32
      %convert_element_type3A_164 = arith.extui %gt3A_163 : i1 to i32
      %cond3A_165 = arith.constant 0 : i32
      %cond3A_166 = arith.cmpi ne, %convert_element_type3A_164, %cond3A_165 : i32
      scf.if %cond3A_166 {
        %dma_wait3A_181 = arith.constant 0 : i32
        %dma_wait3A_182 = arith.constant 0 : i32
        %dma_wait3A_183 = arith.constant 0 : i32
        %dma_wait3A_184 = tpu.memref_slice %arg4[%dma_wait3A_181, %dma_wait3A_182, %dma_wait3A_183] : memref<96x512x512xf32, #tpu.memory_space<hbm>> -> memref<1x32x512xf32, #tpu.memory_space<hbm>>
        %dma_wait3A_185 = tpu.memref_squeeze %dma_wait3A_184 : memref<1x32x512xf32, #tpu.memory_space<hbm>> -> memref<32x512xf32, #tpu.memory_space<hbm>>
        %dma_wait3A_186 = arith.constant 0 : i32
        %dma_wait3A_187 = arith.constant 0 : i32
        %dma_wait3A_188 = tpu.memref_slice %arg4[%dma_wait3A_181, %dma_wait3A_186, %dma_wait3A_187] : memref<96x512x512xf32, #tpu.memory_space<hbm>> -> memref<1x32x512xf32, #tpu.memory_space<hbm>>
        %dma_wait3A_189 = tpu.memref_squeeze %dma_wait3A_188 : memref<1x32x512xf32, #tpu.memory_space<hbm>> -> memref<32x512xf32, #tpu.memory_space<hbm>>
        tpu.wait_dma2 semaphore(%arg13 : memref<!tpu.dma_semaphore, #tpu.memory_space<semaphore_mem>>) src(%arg9 : memref<32x512xf32, #tpu.memory_space<vmem>>) dst(%dma_wait3A_189 : memref<32x512xf32, #tpu.memory_space<hbm>>)
      } else {
      }
      %parallel_loop3A_167 = arith.constant 0 : i32
      %parallel_loop3A_168 = arith.constant 32 : i32
      %parallel_loop3A_169 = arith.constant 1 : i32
      scf.for %parallel_loop3A_181 = %parallel_loop3A_167 to %parallel_loop3A_168 step %parallel_loop3A_169  : i32 {
        %parallel_loop3A_182 = arith.index_cast %parallel_loop3A_181 : i32 to index
        %parallel_loop3A_183 = arith.constant 0 : index
        %parallel_loop3A_184 = tpu.vector_load %arg7[%parallel_loop3A_182, %parallel_loop3A_183] {strides = array<i32>} : memref<32x512xi32, #tpu.memory_space<vmem>>, vector<16xi32>,
        %parallel_loop3A_185 = tpu.vector_load_idx %arg5[%parallel_loop3A_184] : memref<256xf32, #tpu.memory_space<vmem>>[vector<16xi32>], vector<16xf32>,
        %parallel_loop3A_186 = arith.index_cast %parallel_loop3A_181 : i32 to index
        %parallel_loop3A_187 = arith.constant 0 : index
        %parallel_loop3A_188 = tpu.vector_load %arg9[%parallel_loop3A_186, %parallel_loop3A_187] {strides = array<i32>} : memref<32x512xf32, #tpu.memory_space<vmem>>, vector<16xf32>,
        tpu.vector_store %arg9[%parallel_loop3A_186, %parallel_loop3A_187], %parallel_loop3A_185 {strides = array<i32>} : memref<32x512xf32, #tpu.memory_space<vmem>>, vector<16xf32>,
        %parallel_loop3A_189 = arith.index_cast %parallel_loop3A_181 : i32 to index
        %parallel_loop3A_190 = arith.constant 16 : index
        %parallel_loop3A_191 = tpu.vector_load %arg7[%parallel_loop3A_189, %parallel_loop3A_190] {strides = array<i32>} : memref<32x512xi32, #tpu.memory_space<vmem>>, vector<16xi32>,
        %parallel_loop3A_192 = tpu.vector_load_idx %arg5[%parallel_loop3A_191] : memref<256xf32, #tpu.memory_space<vmem>>[vector<16xi32>], vector<16xf32>,
        %parallel_loop3A_193 = arith.index_cast %parallel_loop3A_181 : i32 to index
        %parallel_loop3A_194 = arith.constant 16 : index
        %parallel_loop3A_195 = tpu.vector_load %arg9[%parallel_loop3A_193, %parallel_loop3A_194] {strides = array<i32>} : memref<32x512xf32, #tpu.memory_space<vmem>>, vector<16xf32>,
        tpu.vector_store %arg9[%parallel_loop3A_193, %parallel_loop3A_194], %parallel_loop3A_192 {strides = array<i32>} : memref<32x512xf32, #tpu.memory_space<vmem>>, vector<16xf32>,
        %parallel_loop3A_196 = arith.index_cast %parallel_loop3A_181 : i32 to index
        %parallel_loop3A_197 = arith.constant 32 : index
        %parallel_loop3A_198 = tpu.vector_load %arg7[%parallel_loop3A_196, %parallel_loop3A_197] {strides = array<i32>} : memref<32x512xi32, #tpu.memory_space<vmem>>, vector<16xi32>,
        %parallel_loop3A_199 = tpu.vector_load_idx %arg5[%parallel_loop3A_198] : memref<256xf32, #tpu.memory_space<vmem>>[vector<16xi32>], vector<16xf32>,
        %parallel_loop3A_200 = arith.index_cast %parallel_loop3A_181 : i32 to index
        %parallel_loop3A_201 = arith.constant 32 : index
        %parallel_loop3A_202 = tpu.vector_load %arg9[%parallel_loop3A_200, %parallel_loop3A_201] {strides = array<i32>} : memref<32x512xf32, #tpu.memory_space<vmem>>, vector<16xf32>,
        tpu.vector_store %arg9[%parallel_loop3A_200, %parallel_loop3A_201], %parallel_loop3A_199 {strides = array<i32>} : memref<32x512xf32, #tpu.memory_space<vmem>>, vector<16xf32>,
        %parallel_loop3A_203 = arith.index_cast %parallel_loop3A_181 : i32 to index
        %parallel_loop3A_204 = arith.constant 48 : index
        %parallel_loop3A_205 = tpu.vector_load %arg7[%parallel_loop3A_203, %parallel_loop3A_204] {strides = array<i32>} : memref<32x512xi32, #tpu.memory_space<vmem>>, vector<16xi32>,
        %parallel_loop3A_206 = tpu.vector_load_idx %arg5[%parallel_loop3A_205] : memref<256xf32, #tpu.memory_space<vmem>>[vector<16xi32>], vector<16xf32>,
        %parallel_loop3A_207 = arith.index_cast %parallel_loop3A_181 : i32 to index
        %parallel_loop3A_208 = arith.constant 48 : index
        %parallel_loop3A_209 = tpu.vector_load %arg9[%parallel_loop3A_207, %parallel_loop3A_208] {strides = array<i32>} : memref<32x512xf32, #tpu.memory_space<vmem>>, vector<16xf32>,
        tpu.vector_store %arg9[%parallel_loop3A_207, %parallel_loop3A_208], %parallel_loop3A_206 {strides = array<i32>} : memref<32x512xf32, #tpu.memory_space<vmem>>, vector<16xf32>,
        %parallel_loop3A_210 = arith.index_cast %parallel_loop3A_181 : i32 to index
        %parallel_loop3A_211 = arith.constant 64 : index
        %parallel_loop3A_212 = tpu.vector_load %arg7[%parallel_loop3A_210, %parallel_loop3A_211] {strides = array<i32>} : memref<32x512xi32, #tpu.memory_space<vmem>>, vector<16xi32>,
        %parallel_loop3A_213 = tpu.vector_load_idx %arg5[%parallel_loop3A_212] : memref<256xf32, #tpu.memory_space<vmem>>[vector<16xi32>], vector<16xf32>,
        %parallel_loop3A_214 = arith.index_cast %parallel_loop3A_181 : i32 to index
        %parallel_loop3A_215 = arith.constant 64 : index
        %parallel_loop3A_216 = tpu.vector_load %arg9[%parallel_loop3A_214, %parallel_loop3A_215] {strides = array<i32>} : memref<32x512xf32, #tpu.memory_space<vmem>>, vector<16xf32>,
        tpu.vector_store %arg9[%parallel_loop3A_214, %parallel_loop3A_215], %parallel_loop3A_213 {strides = array<i32>} : memref<32x512xf32, #tpu.memory_space<vmem>>, vector<16xf32>,
        %parallel_loop3A_217 = arith.index_cast %parallel_loop3A_181 : i32 to index
        %parallel_loop3A_218 = arith.constant 80 : index
        %parallel_loop3A_219 = tpu.vector_load %arg7[%parallel_loop3A_217, %parallel_loop3A_218] {strides = array<i32>} : memref<32x512xi32, #tpu.memory_space<vmem>>, vector<16xi32>,
        %parallel_loop3A_220 = tpu.vector_load_idx %arg5[%parallel_loop3A_219] : memref<256xf32, #tpu.memory_space<vmem>>[vector<16xi32>], vector<16xf32>,
        %parallel_loop3A_221 = arith.index_cast %parallel_loop3A_181 : i32 to index
        %parallel_loop3A_222 = arith.constant 80 : index
        %parallel_loop3A_223 = tpu.vector_load %arg9[%parallel_loop3A_221, %parallel_loop3A_222] {strides = array<i32>} : memref<32x512xf32, #tpu.memory_space<vmem>>, vector<16xf32>,
        tpu.vector_store %arg9[%parallel_loop3A_221, %parallel_loop3A_222], %parallel_loop3A_220 {strides = array<i32>} : memref<32x512xf32, #tpu.memory_space<vmem>>, vector<16xf32>,
        %parallel_loop3A_224 = arith.index_cast %parallel_loop3A_181 : i32 to index
        %parallel_loop3A_225 = arith.constant 96 : index
        %parallel_loop3A_226 = tpu.vector_load %arg7[%parallel_loop3A_224, %parallel_loop3A_225] {strides = array<i32>} : memref<32x512xi32, #tpu.memory_space<vmem>>, vector<16xi32>,
        %parallel_loop3A_227 = tpu.vector_load_idx %arg5[%parallel_loop3A_226] : memref<256xf32, #tpu.memory_space<vmem>>[vector<16xi32>], vector<16xf32>,
        %parallel_loop3A_228 = arith.index_cast %parallel_loop3A_181 : i32 to index
        %parallel_loop3A_229 = arith.constant 96 : index
        %parallel_loop3A_230 = tpu.vector_load %arg9[%parallel_loop3A_228, %parallel_loop3A_229] {strides = array<i32>} : memref<32x512xf32, #tpu.memory_space<vmem>>, vector<16xf32>,
        tpu.vector_store %arg9[%parallel_loop3A_228, %parallel_loop3A_229], %parallel_loop3A_227 {strides = array<i32>} : memref<32x512xf32, #tpu.memory_space<vmem>>, vector<16xf32>,
        %parallel_loop3A_231 = arith.index_cast %parallel_loop3A_181 : i32 to index
        %parallel_loop3A_232 = arith.constant 112 : index
        %parallel_loop3A_233 = tpu.vector_load %arg7[%parallel_loop3A_231, %parallel_loop3A_232] {strides = array<i32>} : memref<32x512xi32, #tpu.memory_space<vmem>>, vector<16xi32>,
        %parallel_loop3A_234 = tpu.vector_load_idx %arg5[%parallel_loop3A_233] : memref<256xf32, #tpu.memory_space<vmem>>[vector<16xi32>], vector<16xf32>,
        %parallel_loop3A_235 = arith.index_cast %parallel_loop3A_181 : i32 to index
        %parallel_loop3A_236 = arith.constant 112 : index
        %parallel_loop3A_237 = tpu.vector_load %arg9[%parallel_loop3A_235, %parallel_loop3A_236] {strides = array<i32>} : memref<32x512xf32, #tpu.memory_space<vmem>>, vector<16xf32>,
        tpu.vector_store %arg9[%parallel_loop3A_235, %parallel_loop3A_236], %parallel_loop3A_234 {strides = array<i32>} : memref<32x512xf32, #tpu.memory_space<vmem>>, vector<16xf32>,
        %parallel_loop3A_238 = arith.index_cast %parallel_loop3A_181 : i32 to index
        %parallel_loop3A_239 = arith.constant 128 : index
        %parallel_loop3A_240 = tpu.vector_load %arg7[%parallel_loop3A_238, %parallel_loop3A_239] {strides = array<i32>} : memref<32x512xi32, #tpu.memory_space<vmem>>, vector<16xi32>,
        %parallel_loop3A_241 = tpu.vector_load_idx %arg5[%parallel_loop3A_240] : memref<256xf32, #tpu.memory_space<vmem>>[vector<16xi32>], vector<16xf32>,
        %parallel_loop3A_242 = arith.index_cast %parallel_loop3A_181 : i32 to index
        %parallel_loop3A_243 = arith.constant 128 : index
        %parallel_loop3A_244 = tpu.vector_load %arg9[%parallel_loop3A_242, %parallel_loop3A_243] {strides = array<i32>} : memref<32x512xf32, #tpu.memory_space<vmem>>, vector<16xf32>,
        tpu.vector_store %arg9[%parallel_loop3A_242, %parallel_loop3A_243], %parallel_loop3A_241 {strides = array<i32>} : memref<32x512xf32, #tpu.memory_space<vmem>>, vector<16xf32>,
        %parallel_loop3A_245 = arith.index_cast %parallel_loop3A_181 : i32 to index
        %parallel_loop3A_246 = arith.constant 144 : index
        %parallel_loop3A_247 = tpu.vector_load %arg7[%parallel_loop3A_245, %parallel_loop3A_246] {strides = array<i32>} : memref<32x512xi32, #tpu.memory_space<vmem>>, vector<16xi32>,
        %parallel_loop3A_248 = tpu.vector_load_idx %arg5[%parallel_loop3A_247] : memref<256xf32, #tpu.memory_space<vmem>>[vector<16xi32>], vector<16xf32>,
        %parallel_loop3A_249 = arith.index_cast %parallel_loop3A_181 : i32 to index
        %parallel_loop3A_250 = arith.constant 144 : index
        %parallel_loop3A_251 = tpu.vector_load %arg9[%parallel_loop3A_249, %parallel_loop3A_250] {strides = array<i32>} : memref<32x512xf32, #tpu.memory_space<vmem>>, vector<16xf32>,
        tpu.vector_store %arg9[%parallel_loop3A_249, %parallel_loop3A_250], %parallel_loop3A_248 {strides = array<i32>} : memref<32x512xf32, #tpu.memory_space<vmem>>, vector<16xf32>,
        %parallel_loop3A_252 = arith.index_cast %parallel_loop3A_181 : i32 to index
        %parallel_loop3A_253 = arith.constant 160 : index
        %parallel_loop3A_254 = tpu.vector_load %arg7[%parallel_loop3A_252, %parallel_loop3A_253] {strides = array<i32>} : memref<32x512xi32, #tpu.memory_space<vmem>>, vector<16xi32>,
        %parallel_loop3A_255 = tpu.vector_load_idx %arg5[%parallel_loop3A_254] : memref<256xf32, #tpu.memory_space<vmem>>[vector<16xi32>], vector<16xf32>,
        %parallel_loop3A_256 = arith.index_cast %parallel_loop3A_181 : i32 to index
        %parallel_loop3A_257 = arith.constant 160 : index
        %parallel_loop3A_258 = tpu.vector_load %arg9[%parallel_loop3A_256, %parallel_loop3A_257] {strides = array<i32>} : memref<32x512xf32, #tpu.memory_space<vmem>>, vector<16xf32>,
        tpu.vector_store %arg9[%parallel_loop3A_256, %parallel_loop3A_257], %parallel_loop3A_255 {strides = array<i32>} : memref<32x512xf32, #tpu.memory_space<vmem>>, vector<16xf32>,
        %parallel_loop3A_259 = arith.index_cast %parallel_loop3A_181 : i32 to index
        %parallel_loop3A_260 = arith.constant 176 : index
        %parallel_loop3A_261 = tpu.vector_load %arg7[%parallel_loop3A_259, %parallel_loop3A_260] {strides = array<i32>} : memref<32x512xi32, #tpu.memory_space<vmem>>, vector<16xi32>,
        %parallel_loop3A_262 = tpu.vector_load_idx %arg5[%parallel_loop3A_261] : memref<256xf32, #tpu.memory_space<vmem>>[vector<16xi32>], vector<16xf32>,
        %parallel_loop3A_263 = arith.index_cast %parallel_loop3A_181 : i32 to index
        %parallel_loop3A_264 = arith.constant 176 : index
        %parallel_loop3A_265 = tpu.vector_load %arg9[%parallel_loop3A_263, %parallel_loop3A_264] {strides = array<i32>} : memref<32x512xf32, #tpu.memory_space<vmem>>, vector<16xf32>,
        tpu.vector_store %arg9[%parallel_loop3A_263, %parallel_loop3A_264], %parallel_loop3A_262 {strides = array<i32>} : memref<32x512xf32, #tpu.memory_space<vmem>>, vector<16xf32>,
        %parallel_loop3A_266 = arith.index_cast %parallel_loop3A_181 : i32 to index
        %parallel_loop3A_267 = arith.constant 192 : index
        %parallel_loop3A_268 = tpu.vector_load %arg7[%parallel_loop3A_266, %parallel_loop3A_267] {strides = array<i32>} : memref<32x512xi32, #tpu.memory_space<vmem>>, vector<16xi32>,
        %parallel_loop3A_269 = tpu.vector_load_idx %arg5[%parallel_loop3A_268] : memref<256xf32, #tpu.memory_space<vmem>>[vector<16xi32>], vector<16xf32>,
        %parallel_loop3A_270 = arith.index_cast %parallel_loop3A_181 : i32 to index
        %parallel_loop3A_271 = arith.constant 192 : index
        %parallel_loop3A_272 = tpu.vector_load %arg9[%parallel_loop3A_270, %parallel_loop3A_271] {strides = array<i32>} : memref<32x512xf32, #tpu.memory_space<vmem>>, vector<16xf32>,
        tpu.vector_store %arg9[%parallel_loop3A_270, %parallel_loop3A_271], %parallel_loop3A_269 {strides = array<i32>} : memref<32x512xf32, #tpu.memory_space<vmem>>, vector<16xf32>,
        %parallel_loop3A_273 = arith.index_cast %parallel_loop3A_181 : i32 to index
        %parallel_loop3A_274 = arith.constant 208 : index
        %parallel_loop3A_275 = tpu.vector_load %arg7[%parallel_loop3A_273, %parallel_loop3A_274] {strides = array<i32>} : memref<32x512xi32, #tpu.memory_space<vmem>>, vector<16xi32>,
        %parallel_loop3A_276 = tpu.vector_load_idx %arg5[%parallel_loop3A_275] : memref<256xf32, #tpu.memory_space<vmem>>[vector<16xi32>], vector<16xf32>,
        %parallel_loop3A_277 = arith.index_cast %parallel_loop3A_181 : i32 to index
        %parallel_loop3A_278 = arith.constant 208 : index
        %parallel_loop3A_279 = tpu.vector_load %arg9[%parallel_loop3A_277, %parallel_loop3A_278] {strides = array<i32>} : memref<32x512xf32, #tpu.memory_space<vmem>>, vector<16xf32>,
        tpu.vector_store %arg9[%parallel_loop3A_277, %parallel_loop3A_278], %parallel_loop3A_276 {strides = array<i32>} : memref<32x512xf32, #tpu.memory_space<vmem>>, vector<16xf32>,
        %parallel_loop3A_280 = arith.index_cast %parallel_loop3A_181 : i32 to index
        %parallel_loop3A_281 = arith.constant 224 : index
        %parallel_loop3A_282 = tpu.vector_load %arg7[%parallel_loop3A_280, %parallel_loop3A_281] {strides = array<i32>} : memref<32x512xi32, #tpu.memory_space<vmem>>, vector<16xi32>,
        %parallel_loop3A_283 = tpu.vector_load_idx %arg5[%parallel_loop3A_282] : memref<256xf32, #tpu.memory_space<vmem>>[vector<16xi32>], vector<16xf32>,
        %parallel_loop3A_284 = arith.index_cast %parallel_loop3A_181 : i32 to index
        %parallel_loop3A_285 = arith.constant 224 : index
        %parallel_loop3A_286 = tpu.vector_load %arg9[%parallel_loop3A_284, %parallel_loop3A_285] {strides = array<i32>} : memref<32x512xf32, #tpu.memory_space<vmem>>, vector<16xf32>,
        tpu.vector_store %arg9[%parallel_loop3A_284, %parallel_loop3A_285], %parallel_loop3A_283 {strides = array<i32>} : memref<32x512xf32, #tpu.memory_space<vmem>>, vector<16xf32>,
        %parallel_loop3A_287 = arith.index_cast %parallel_loop3A_181 : i32 to index
        %parallel_loop3A_288 = arith.constant 240 : index
        %parallel_loop3A_289 = tpu.vector_load %arg7[%parallel_loop3A_287, %parallel_loop3A_288] {strides = array<i32>} : memref<32x512xi32, #tpu.memory_space<vmem>>, vector<16xi32>,
        %parallel_loop3A_290 = tpu.vector_load_idx %arg5[%parallel_loop3A_289] : memref<256xf32, #tpu.memory_space<vmem>>[vector<16xi32>], vector<16xf32>,
        %parallel_loop3A_291 = arith.index_cast %parallel_loop3A_181 : i32 to index
        %parallel_loop3A_292 = arith.constant 240 : index
        %parallel_loop3A_293 = tpu.vector_load %arg9[%parallel_loop3A_291, %parallel_loop3A_292] {strides = array<i32>} : memref<32x512xf32, #tpu.memory_space<vmem>>, vector<16xf32>,
        tpu.vector_store %arg9[%parallel_loop3A_291, %parallel_loop3A_292], %parallel_loop3A_290 {strides = array<i32>} : memref<32x512xf32, #tpu.memory_space<vmem>>, vector<16xf32>,
        %parallel_loop3A_294 = arith.index_cast %parallel_loop3A_181 : i32 to index
        %parallel_loop3A_295 = arith.constant 256 : index
        %parallel_loop3A_296 = tpu.vector_load %arg7[%parallel_loop3A_294, %parallel_loop3A_295] {strides = array<i32>} : memref<32x512xi32, #tpu.memory_space<vmem>>, vector<16xi32>,
        %parallel_loop3A_297 = tpu.vector_load_idx %arg5[%parallel_loop3A_296] : memref<256xf32, #tpu.memory_space<vmem>>[vector<16xi32>], vector<16xf32>,
        %parallel_loop3A_298 = arith.index_cast %parallel_loop3A_181 : i32 to index
        %parallel_loop3A_299 = arith.constant 256 : index
        %parallel_loop3A_300 = tpu.vector_load %arg9[%parallel_loop3A_298, %parallel_loop3A_299] {strides = array<i32>} : memref<32x512xf32, #tpu.memory_space<vmem>>, vector<16xf32>,
        tpu.vector_store %arg9[%parallel_loop3A_298, %parallel_loop3A_299], %parallel_loop3A_297 {strides = array<i32>} : memref<32x512xf32, #tpu.memory_space<vmem>>, vector<16xf32>,
        %parallel_loop3A_301 = arith.index_cast %parallel_loop3A_181 : i32 to index
        %parallel_loop3A_302 = arith.constant 272 : index
        %parallel_loop3A_303 = tpu.vector_load %arg7[%parallel_loop3A_301, %parallel_loop3A_302] {strides = array<i32>} : memref<32x512xi32, #tpu.memory_space<vmem>>, vector<16xi32>,
        %parallel_loop3A_304 = tpu.vector_load_idx %arg5[%parallel_loop3A_303] : memref<256xf32, #tpu.memory_space<vmem>>[vector<16xi32>], vector<16xf32>,
        %parallel_loop3A_305 = arith.index_cast %parallel_loop3A_181 : i32 to index
        %parallel_loop3A_306 = arith.constant 272 : index
        %parallel_loop3A_307 = tpu.vector_load %arg9[%parallel_loop3A_305, %parallel_loop3A_306] {strides = array<i32>} : memref<32x512xf32, #tpu.memory_space<vmem>>, vector<16xf32>,
        tpu.vector_store %arg9[%parallel_loop3A_305, %parallel_loop3A_306], %parallel_loop3A_304 {strides = array<i32>} : memref<32x512xf32, #tpu.memory_space<vmem>>, vector<16xf32>,
        %parallel_loop3A_308 = arith.index_cast %parallel_loop3A_181 : i32 to index
        %parallel_loop3A_309 = arith.constant 288 : index
        %parallel_loop3A_310 = tpu.vector_load %arg7[%parallel_loop3A_308, %parallel_loop3A_309] {strides = array<i32>} : memref<32x512xi32, #tpu.memory_space<vmem>>, vector<16xi32>,
        %parallel_loop3A_311 = tpu.vector_load_idx %arg5[%parallel_loop3A_310] : memref<256xf32, #tpu.memory_space<vmem>>[vector<16xi32>], vector<16xf32>,
        %parallel_loop3A_312 = arith.index_cast %parallel_loop3A_181 : i32 to index
        %parallel_loop3A_313 = arith.constant 288 : index
        %parallel_loop3A_314 = tpu.vector_load %arg9[%parallel_loop3A_312, %parallel_loop3A_313] {strides = array<i32>} : memref<32x512xf32, #tpu.memory_space<vmem>>, vector<16xf32>,
        tpu.vector_store %arg9[%parallel_loop3A_312, %parallel_loop3A_313], %parallel_loop3A_311 {strides = array<i32>} : memref<32x512xf32, #tpu.memory_space<vmem>>, vector<16xf32>,
        %parallel_loop3A_315 = arith.index_cast %parallel_loop3A_181 : i32 to index
        %parallel_loop3A_316 = arith.constant 304 : index
        %parallel_loop3A_317 = tpu.vector_load %arg7[%parallel_loop3A_315, %parallel_loop3A_316] {strides = array<i32>} : memref<32x512xi32, #tpu.memory_space<vmem>>, vector<16xi32>,
        %parallel_loop3A_318 = tpu.vector_load_idx %arg5[%parallel_loop3A_317] : memref<256xf32, #tpu.memory_space<vmem>>[vector<16xi32>], vector<16xf32>,
        %parallel_loop3A_319 = arith.index_cast %parallel_loop3A_181 : i32 to index
        %parallel_loop3A_320 = arith.constant 304 : index
        %parallel_loop3A_321 = tpu.vector_load %arg9[%parallel_loop3A_319, %parallel_loop3A_320] {strides = array<i32>} : memref<32x512xf32, #tpu.memory_space<vmem>>, vector<16xf32>,
        tpu.vector_store %arg9[%parallel_loop3A_319, %parallel_loop3A_320], %parallel_loop3A_318 {strides = array<i32>} : memref<32x512xf32, #tpu.memory_space<vmem>>, vector<16xf32>,
        %parallel_loop3A_322 = arith.index_cast %parallel_loop3A_181 : i32 to index
        %parallel_loop3A_323 = arith.constant 320 : index
        %parallel_loop3A_324 = tpu.vector_load %arg7[%parallel_loop3A_322, %parallel_loop3A_323] {strides = array<i32>} : memref<32x512xi32, #tpu.memory_space<vmem>>, vector<16xi32>,
        %parallel_loop3A_325 = tpu.vector_load_idx %arg5[%parallel_loop3A_324] : memref<256xf32, #tpu.memory_space<vmem>>[vector<16xi32>], vector<16xf32>,
        %parallel_loop3A_326 = arith.index_cast %parallel_loop3A_181 : i32 to index
        %parallel_loop3A_327 = arith.constant 320 : index
        %parallel_loop3A_328 = tpu.vector_load %arg9[%parallel_loop3A_326, %parallel_loop3A_327] {strides = array<i32>} : memref<32x512xf32, #tpu.memory_space<vmem>>, vector<16xf32>,
        tpu.vector_store %arg9[%parallel_loop3A_326, %parallel_loop3A_327], %parallel_loop3A_325 {strides = array<i32>} : memref<32x512xf32, #tpu.memory_space<vmem>>, vector<16xf32>,
        %parallel_loop3A_329 = arith.index_cast %parallel_loop3A_181 : i32 to index
        %parallel_loop3A_330 = arith.constant 336 : index
        %parallel_loop3A_331 = tpu.vector_load %arg7[%parallel_loop3A_329, %parallel_loop3A_330] {strides = array<i32>} : memref<32x512xi32, #tpu.memory_space<vmem>>, vector<16xi32>,
        %parallel_loop3A_332 = tpu.vector_load_idx %arg5[%parallel_loop3A_331] : memref<256xf32, #tpu.memory_space<vmem>>[vector<16xi32>], vector<16xf32>,
        %parallel_loop3A_333 = arith.index_cast %parallel_loop3A_181 : i32 to index
        %parallel_loop3A_334 = arith.constant 336 : index
        %parallel_loop3A_335 = tpu.vector_load %arg9[%parallel_loop3A_333, %parallel_loop3A_334] {strides = array<i32>} : memref<32x512xf32, #tpu.memory_space<vmem>>, vector<16xf32>,
        tpu.vector_store %arg9[%parallel_loop3A_333, %parallel_loop3A_334], %parallel_loop3A_332 {strides = array<i32>} : memref<32x512xf32, #tpu.memory_space<vmem>>, vector<16xf32>,
        %parallel_loop3A_336 = arith.index_cast %parallel_loop3A_181 : i32 to index
        %parallel_loop3A_337 = arith.constant 352 : index
        %parallel_loop3A_338 = tpu.vector_load %arg7[%parallel_loop3A_336, %parallel_loop3A_337] {strides = array<i32>} : memref<32x512xi32, #tpu.memory_space<vmem>>, vector<16xi32>,
        %parallel_loop3A_339 = tpu.vector_load_idx %arg5[%parallel_loop3A_338] : memref<256xf32, #tpu.memory_space<vmem>>[vector<16xi32>], vector<16xf32>,
        %parallel_loop3A_340 = arith.index_cast %parallel_loop3A_181 : i32 to index
        %parallel_loop3A_341 = arith.constant 352 : index
        %parallel_loop3A_342 = tpu.vector_load %arg9[%parallel_loop3A_340, %parallel_loop3A_341] {strides = array<i32>} : memref<32x512xf32, #tpu.memory_space<vmem>>, vector<16xf32>,
        tpu.vector_store %arg9[%parallel_loop3A_340, %parallel_loop3A_341], %parallel_loop3A_339 {strides = array<i32>} : memref<32x512xf32, #tpu.memory_space<vmem>>, vector<16xf32>,
        %parallel_loop3A_343 = arith.index_cast %parallel_loop3A_181 : i32 to index
        %parallel_loop3A_344 = arith.constant 368 : index
        %parallel_loop3A_345 = tpu.vector_load %arg7[%parallel_loop3A_343, %parallel_loop3A_344] {strides = array<i32>} : memref<32x512xi32, #tpu.memory_space<vmem>>, vector<16xi32>,
        %parallel_loop3A_346 = tpu.vector_load_idx %arg5[%parallel_loop3A_345] : memref<256xf32, #tpu.memory_space<vmem>>[vector<16xi32>], vector<16xf32>,
        %parallel_loop3A_347 = arith.index_cast %parallel_loop3A_181 : i32 to index
        %parallel_loop3A_348 = arith.constant 368 : index
        %parallel_loop3A_349 = tpu.vector_load %arg9[%parallel_loop3A_347, %parallel_loop3A_348] {strides = array<i32>} : memref<32x512xf32, #tpu.memory_space<vmem>>, vector<16xf32>,
        tpu.vector_store %arg9[%parallel_loop3A_347, %parallel_loop3A_348], %parallel_loop3A_346 {strides = array<i32>} : memref<32x512xf32, #tpu.memory_space<vmem>>, vector<16xf32>,
        %parallel_loop3A_350 = arith.index_cast %parallel_loop3A_181 : i32 to index
        %parallel_loop3A_351 = arith.constant 384 : index
        %parallel_loop3A_352 = tpu.vector_load %arg7[%parallel_loop3A_350, %parallel_loop3A_351] {strides = array<i32>} : memref<32x512xi32, #tpu.memory_space<vmem>>, vector<16xi32>,
        %parallel_loop3A_353 = tpu.vector_load_idx %arg5[%parallel_loop3A_352] : memref<256xf32, #tpu.memory_space<vmem>>[vector<16xi32>], vector<16xf32>,
        %parallel_loop3A_354 = arith.index_cast %parallel_loop3A_181 : i32 to index
        %parallel_loop3A_355 = arith.constant 384 : index
        %parallel_loop3A_356 = tpu.vector_load %arg9[%parallel_loop3A_354, %parallel_loop3A_355] {strides = array<i32>} : memref<32x512xf32, #tpu.memory_space<vmem>>, vector<16xf32>,
        tpu.vector_store %arg9[%parallel_loop3A_354, %parallel_loop3A_355], %parallel_loop3A_353 {strides = array<i32>} : memref<32x512xf32, #tpu.memory_space<vmem>>, vector<16xf32>,
        %parallel_loop3A_357 = arith.index_cast %parallel_loop3A_181 : i32 to index
        %parallel_loop3A_358 = arith.constant 400 : index
        %parallel_loop3A_359 = tpu.vector_load %arg7[%parallel_loop3A_357, %parallel_loop3A_358] {strides = array<i32>} : memref<32x512xi32, #tpu.memory_space<vmem>>, vector<16xi32>,
        %parallel_loop3A_360 = tpu.vector_load_idx %arg5[%parallel_loop3A_359] : memref<256xf32, #tpu.memory_space<vmem>>[vector<16xi32>], vector<16xf32>,
        %parallel_loop3A_361 = arith.index_cast %parallel_loop3A_181 : i32 to index
        %parallel_loop3A_362 = arith.constant 400 : index
        %parallel_loop3A_363 = tpu.vector_load %arg9[%parallel_loop3A_361, %parallel_loop3A_362] {strides = array<i32>} : memref<32x512xf32, #tpu.memory_space<vmem>>, vector<16xf32>,
        tpu.vector_store %arg9[%parallel_loop3A_361, %parallel_loop3A_362], %parallel_loop3A_360 {strides = array<i32>} : memref<32x512xf32, #tpu.memory_space<vmem>>, vector<16xf32>,
        %parallel_loop3A_364 = arith.index_cast %parallel_loop3A_181 : i32 to index
        %parallel_loop3A_365 = arith.constant 416 : index
        %parallel_loop3A_366 = tpu.vector_load %arg7[%parallel_loop3A_364, %parallel_loop3A_365] {strides = array<i32>} : memref<32x512xi32, #tpu.memory_space<vmem>>, vector<16xi32>,
        %parallel_loop3A_367 = tpu.vector_load_idx %arg5[%parallel_loop3A_366] : memref<256xf32, #tpu.memory_space<vmem>>[vector<16xi32>], vector<16xf32>,
        %parallel_loop3A_368 = arith.index_cast %parallel_loop3A_181 : i32 to index
        %parallel_loop3A_369 = arith.constant 416 : index
        %parallel_loop3A_370 = tpu.vector_load %arg9[%parallel_loop3A_368, %parallel_loop3A_369] {strides = array<i32>} : memref<32x512xf32, #tpu.memory_space<vmem>>, vector<16xf32>,
        tpu.vector_store %arg9[%parallel_loop3A_368, %parallel_loop3A_369], %parallel_loop3A_367 {strides = array<i32>} : memref<32x512xf32, #tpu.memory_space<vmem>>, vector<16xf32>,
        %parallel_loop3A_371 = arith.index_cast %parallel_loop3A_181 : i32 to index
        %parallel_loop3A_372 = arith.constant 432 : index
        %parallel_loop3A_373 = tpu.vector_load %arg7[%parallel_loop3A_371, %parallel_loop3A_372] {strides = array<i32>} : memref<32x512xi32, #tpu.memory_space<vmem>>, vector<16xi32>,
        %parallel_loop3A_374 = tpu.vector_load_idx %arg5[%parallel_loop3A_373] : memref<256xf32, #tpu.memory_space<vmem>>[vector<16xi32>], vector<16xf32>,
        %parallel_loop3A_375 = arith.index_cast %parallel_loop3A_181 : i32 to index
        %parallel_loop3A_376 = arith.constant 432 : index
        %parallel_loop3A_377 = tpu.vector_load %arg9[%parallel_loop3A_375, %parallel_loop3A_376] {strides = array<i32>} : memref<32x512xf32, #tpu.memory_space<vmem>>, vector<16xf32>,
        tpu.vector_store %arg9[%parallel_loop3A_375, %parallel_loop3A_376], %parallel_loop3A_374 {strides = array<i32>} : memref<32x512xf32, #tpu.memory_space<vmem>>, vector<16xf32>,
        %parallel_loop3A_378 = arith.index_cast %parallel_loop3A_181 : i32 to index
        %parallel_loop3A_379 = arith.constant 448 : index
        %parallel_loop3A_380 = tpu.vector_load %arg7[%parallel_loop3A_378, %parallel_loop3A_379] {strides = array<i32>} : memref<32x512xi32, #tpu.memory_space<vmem>>, vector<16xi32>,
        %parallel_loop3A_381 = tpu.vector_load_idx %arg5[%parallel_loop3A_380] : memref<256xf32, #tpu.memory_space<vmem>>[vector<16xi32>], vector<16xf32>,
        %parallel_loop3A_382 = arith.index_cast %parallel_loop3A_181 : i32 to index
        %parallel_loop3A_383 = arith.constant 448 : index
        %parallel_loop3A_384 = tpu.vector_load %arg9[%parallel_loop3A_382, %parallel_loop3A_383] {strides = array<i32>} : memref<32x512xf32, #tpu.memory_space<vmem>>, vector<16xf32>,
        tpu.vector_store %arg9[%parallel_loop3A_382, %parallel_loop3A_383], %parallel_loop3A_381 {strides = array<i32>} : memref<32x512xf32, #tpu.memory_space<vmem>>, vector<16xf32>,
        %parallel_loop3A_385 = arith.index_cast %parallel_loop3A_181 : i32 to index
        %parallel_loop3A_386 = arith.constant 464 : index
        %parallel_loop3A_387 = tpu.vector_load %arg7[%parallel_loop3A_385, %parallel_loop3A_386] {strides = array<i32>} : memref<32x512xi32, #tpu.memory_space<vmem>>, vector<16xi32>,
        %parallel_loop3A_388 = tpu.vector_load_idx %arg5[%parallel_loop3A_387] : memref<256xf32, #tpu.memory_space<vmem>>[vector<16xi32>], vector<16xf32>,
        %parallel_loop3A_389 = arith.index_cast %parallel_loop3A_181 : i32 to index
        %parallel_loop3A_390 = arith.constant 464 : index
        %parallel_loop3A_391 = tpu.vector_load %arg9[%parallel_loop3A_389, %parallel_loop3A_390] {strides = array<i32>} : memref<32x512xf32, #tpu.memory_space<vmem>>, vector<16xf32>,
        tpu.vector_store %arg9[%parallel_loop3A_389, %parallel_loop3A_390], %parallel_loop3A_388 {strides = array<i32>} : memref<32x512xf32, #tpu.memory_space<vmem>>, vector<16xf32>,
        %parallel_loop3A_392 = arith.index_cast %parallel_loop3A_181 : i32 to index
        %parallel_loop3A_393 = arith.constant 480 : index
        %parallel_loop3A_394 = tpu.vector_load %arg7[%parallel_loop3A_392, %parallel_loop3A_393] {strides = array<i32>} : memref<32x512xi32, #tpu.memory_space<vmem>>, vector<16xi32>,
        %parallel_loop3A_395 = tpu.vector_load_idx %arg5[%parallel_loop3A_394] : memref<256xf32, #tpu.memory_space<vmem>>[vector<16xi32>], vector<16xf32>,
        %parallel_loop3A_396 = arith.index_cast %parallel_loop3A_181 : i32 to index
        %parallel_loop3A_397 = arith.constant 480 : index
        %parallel_loop3A_398 = tpu.vector_load %arg9[%parallel_loop3A_396, %parallel_loop3A_397] {strides = array<i32>} : memref<32x512xf32, #tpu.memory_space<vmem>>, vector<16xf32>,
        tpu.vector_store %arg9[%parallel_loop3A_396, %parallel_loop3A_397], %parallel_loop3A_395 {strides = array<i32>} : memref<32x512xf32, #tpu.memory_space<vmem>>, vector<16xf32>,
        %parallel_loop3A_399 = arith.index_cast %parallel_loop3A_181 : i32 to index
        %parallel_loop3A_400 = arith.constant 496 : index
        %parallel_loop3A_401 = tpu.vector_load %arg7[%parallel_loop3A_399, %parallel_loop3A_400] {strides = array<i32>} : memref<32x512xi32, #tpu.memory_space<vmem>>, vector<16xi32>,
        %parallel_loop3A_402 = tpu.vector_load_idx %arg5[%parallel_loop3A_401] : memref<256xf32, #tpu.memory_space<vmem>>[vector<16xi32>], vector<16xf32>,
        %parallel_loop3A_403 = arith.index_cast %parallel_loop3A_181 : i32 to index
        %parallel_loop3A_404 = arith.constant 496 : index
        %parallel_loop3A_405 = tpu.vector_load %arg9[%parallel_loop3A_403, %parallel_loop3A_404] {strides = array<i32>} : memref<32x512xf32, #tpu.memory_space<vmem>>, vector<16xf32>,
        tpu.vector_store %arg9[%parallel_loop3A_403, %parallel_loop3A_404], %parallel_loop3A_402 {strides = array<i32>} : memref<32x512xf32, #tpu.memory_space<vmem>>, vector<16xf32>,
      } {sc.loop_unroll_factor = 2 : i64, sc.parallel_access}
      %dma_start3A_170 = arith.constant 0 : i32
      %dma_start3A_171 = tpu.memref_slice %arg4[%add3A_134, %mul3A_152, %dma_start3A_170] : memref<96x512x512xf32, #tpu.memory_space<hbm>> -> memref<1x32x512xf32, #tpu.memory_space<hbm>>
      %dma_start3A_172 = tpu.memref_squeeze %dma_start3A_171 : memref<1x32x512xf32, #tpu.memory_space<hbm>> -> memref<32x512xf32, #tpu.memory_space<hbm>>
      %dma_start3A_173 = arith.constant 0 : i32
      %dma_start3A_174 = tpu.memref_slice %arg4[%add3A_134, %mul3A_152, %dma_start3A_173] : memref<96x512x512xf32, #tpu.memory_space<hbm>> -> memref<1x32x512xf32, #tpu.memory_space<hbm>>
      %dma_start3A_175 = tpu.memref_squeeze %dma_start3A_174 : memref<1x32x512xf32, #tpu.memory_space<hbm>> -> memref<32x512xf32, #tpu.memory_space<hbm>>
      tpu.enqueue_dma source(%arg9 : memref<32x512xf32, #tpu.memory_space<vmem>>) target(%dma_start3A_175 : memref<32x512xf32, #tpu.memory_space<hbm>>) target_semaphore(%arg13 : memref<!tpu.dma_semaphore, #tpu.memory_space<semaphore_mem>>)
      %lt3A_176 = arith.constant 23 : i32
      %lt3A_177 = arith.cmpi slt, %scan3A_44, %lt3A_176 : i32
      %convert_element_type3A_178 = arith.extui %lt3A_177 : i1 to i32
      %cond3A_179 = arith.constant 0 : i32
      %cond3A_180 = arith.cmpi ne, %convert_element_type3A_178, %cond3A_179 : i32
      scf.if %cond3A_180 {
        %add3A_181 = arith.constant 2 : i32
        %add3A_182 = arith.addi %add3A_109, %add3A_181 : i32
        %jit3A_183 = arith.constant 16 : i32
        %div3A_184 = arith.divsi %add3A_182, %jit3A_183 : i32
        %sign3A_185 = arith.constant 0 : i32
        %sign3A_186 = arith.cmpi sgt, %add3A_182, %sign3A_185 : i32
        %sign3A_187 = arith.extui %sign3A_186 : i1 to i32
        %sign3A_188 = arith.constant 0 : i32
        %sign3A_189 = arith.cmpi slt, %add3A_182, %sign3A_188 : i32
        %sign3A_190 = arith.extui %sign3A_189 : i1 to i32
        %sign3A_191 = arith.subi %sign3A_187, %sign3A_190 : i32
        %sign3A_192 = arith.constant 0 : i32
        %sign3A_193 = arith.cmpi sgt, %jit3A_183, %sign3A_192 : i32
        %sign3A_194 = arith.extui %sign3A_193 : i1 to i32
        %sign3A_195 = arith.constant 0 : i32
        %sign3A_196 = arith.cmpi slt, %jit3A_183, %sign3A_195 : i32
        %sign3A_197 = arith.extui %sign3A_196 : i1 to i32
        %sign3A_198 = arith.subi %sign3A_194, %sign3A_197 : i32
        %ne3A_199 = arith.cmpi ne, %sign3A_191, %sign3A_198 : i32
        %rem3A_200 = arith.remsi %add3A_182, %jit3A_183 : i32
        %ne3A_201 = arith.constant 0 : i32
        %ne3A_202 = arith.cmpi ne, %rem3A_200, %ne3A_201 : i32
        %and3A_203 = arith.andi %ne3A_199, %ne3A_202 : i1
        %sub3A_204 = arith.constant 1 : i32
        %sub3A_205 = arith.subi %div3A_184, %sub3A_204 : i32
        %select_n3A_206 = arith.select %and3A_203, %sub3A_205, %div3A_184 : i32
        %add3A_207 = arith.addi %mul3A_2, %select_n3A_206 : i32
        %jit3A_208 = arith.constant 16 : i32
        %eq3A_209 = arith.constant 0 : i32
        %eq3A_210 = arith.cmpi eq, %jit3A_208, %eq3A_209 : i32
        %jit3A_211 = arith.constant 1 : i32
        %select_n3A_212 = arith.select %eq3A_210, %jit3A_211, %jit3A_208 : i32
        %rem3A_213 = arith.remsi %add3A_182, %select_n3A_212 : i32
        %ne3A_214 = arith.constant 0 : i32
        %ne3A_215 = arith.cmpi ne, %rem3A_213, %ne3A_214 : i32
        %lt3A_216 = arith.constant 0 : i32
        %lt3A_217 = arith.cmpi slt, %rem3A_213, %lt3A_216 : i32
        %lt3A_218 = arith.constant 0 : i32
        %lt3A_219 = arith.cmpi slt, %select_n3A_212, %lt3A_218 : i32
        %ne3A_220 = arith.xori %lt3A_217, %lt3A_219 : i1
        %and3A_221 = arith.andi %ne3A_220, %ne3A_215 : i1
        %add3A_222 = arith.addi %rem3A_213, %select_n3A_212 : i32
        %select_n3A_223 = arith.select %and3A_221, %add3A_222, %rem3A_213 : i32
        %mul3A_224 = arith.constant 32 : i32
        %mul3A_225 = arith.muli %select_n3A_223, %mul3A_224 : i32
        %dma_start3A_226 = arith.constant 0 : i32
        %dma_start3A_227 = tpu.memref_slice %arg2[%add3A_207, %mul3A_225, %dma_start3A_226] : memref<96x512x512xi32, #tpu.memory_space<hbm>> -> memref<1x32x512xi32, #tpu.memory_space<hbm>>
        %dma_start3A_228 = tpu.memref_squeeze %dma_start3A_227 : memref<1x32x512xi32, #tpu.memory_space<hbm>> -> memref<32x512xi32, #tpu.memory_space<hbm>>
        %dma_start3A_229 = arith.constant 0 : i32
        %dma_start3A_230 = tpu.memref_slice %arg2[%add3A_207, %mul3A_225, %dma_start3A_229] : memref<96x512x512xi32, #tpu.memory_space<hbm>> -> memref<1x32x512xi32, #tpu.memory_space<hbm>>
        %dma_start3A_231 = tpu.memref_squeeze %dma_start3A_230 : memref<1x32x512xi32, #tpu.memory_space<hbm>> -> memref<32x512xi32, #tpu.memory_space<hbm>>
        tpu.enqueue_dma source(%dma_start3A_231 : memref<32x512xi32, #tpu.memory_space<hbm>>) target(%arg7 : memref<32x512xi32, #tpu.memory_space<vmem>>) target_semaphore(%arg11 : memref<!tpu.dma_semaphore, #tpu.memory_space<semaphore_mem>>)
      } else {
      }
    }
    %scan3A_26 = arith.constant 24 : i32
    %dma_wait3A = arith.constant 0 : i32
    %dma_wait3A_27 = arith.constant 0 : i32
    %dma_wait3A_28 = arith.constant 0 : i32
    %dma_wait3A_29 = tpu.memref_slice %arg4[%dma_wait3A, %dma_wait3A_27, %dma_wait3A_28] : memref<96x512x512xf32, #tpu.memory_space<hbm>> -> memref<1x32x512xf32, #tpu.memory_space<hbm>>
    %dma_wait3A_30 = tpu.memref_squeeze %dma_wait3A_29 : memref<1x32x512xf32, #tpu.memory_space<hbm>> -> memref<32x512xf32, #tpu.memory_space<hbm>>
    %dma_wait3A_31 = arith.constant 0 : i32
    %dma_wait3A_32 = arith.constant 0 : i32
    %dma_wait3A_33 = tpu.memref_slice %arg4[%dma_wait3A, %dma_wait3A_31, %dma_wait3A_32] : memref<96x512x512xf32, #tpu.memory_space<hbm>> -> memref<1x32x512xf32, #tpu.memory_space<hbm>>
    %dma_wait3A_34 = tpu.memref_squeeze %dma_wait3A_33 : memref<1x32x512xf32, #tpu.memory_space<hbm>> -> memref<32x512xf32, #tpu.memory_space<hbm>>
    tpu.wait_dma2 semaphore(%arg12 : memref<!tpu.dma_semaphore, #tpu.memory_space<semaphore_mem>>) src(%arg8 : memref<32x512xf32, #tpu.memory_space<vmem>>) dst(%dma_wait3A_34 : memref<32x512xf32, #tpu.memory_space<hbm>>)
    %dma_wait3A_35 = arith.constant 0 : i32
    %dma_wait3A_36 = arith.constant 0 : i32
    %dma_wait3A_37 = arith.constant 0 : i32
    %dma_wait3A_38 = tpu.memref_slice %arg4[%dma_wait3A_35, %dma_wait3A_36, %dma_wait3A_37] : memref<96x512x512xf32, #tpu.memory_space<hbm>> -> memref<1x32x512xf32, #tpu.memory_space<hbm>>
    %dma_wait3A_39 = tpu.memref_squeeze %dma_wait3A_38 : memref<1x32x512xf32, #tpu.memory_space<hbm>> -> memref<32x512xf32, #tpu.memory_space<hbm>>
    %dma_wait3A_40 = arith.constant 0 : i32
    %dma_wait3A_41 = arith.constant 0 : i32
    %dma_wait3A_42 = tpu.memref_slice %arg4[%dma_wait3A_35, %dma_wait3A_40, %dma_wait3A_41] : memref<96x512x512xf32, #tpu.memory_space<hbm>> -> memref<1x32x512xf32, #tpu.memory_space<hbm>>
    %dma_wait3A_43 = tpu.memref_squeeze %dma_wait3A_42 : memref<1x32x512xf32, #tpu.memory_space<hbm>> -> memref<32x512xf32, #tpu.memory_space<hbm>>
    tpu.wait_dma2 semaphore(%arg13 : memref<!tpu.dma_semaphore, #tpu.memory_space<semaphore_mem>>) src(%arg9 : memref<32x512xf32, #tpu.memory_space<vmem>>) dst(%dma_wait3A_43 : memref<32x512xf32, #tpu.memory_space<hbm>>)
    return
  }
}

</mosaic_0001>

<sc_bundles>
// kernel: kernel.3.cloned.1.call-start
scs
__scs_entry_jumppad:
0x0: {  	(pc) =	sbr.rel $0x88, $3  }
0x1: {  	(tag) =	ssettag $0x0;
	lr =	simm.s32 $0x1  }
0x2: {  	[smem:$0x3F9F] =	sst lr;
	_ =	strace $0xD0000000  }
0x3: {  	_ = 	snop  }
0x4: {  	_ = 	snop  }
0x5: {  	_ = 	snop  }
0x6: {  	_ = 	snop  }
0x7: {  	_ = 	snop  }
__scs_overlays_trampoline_lowered:
0x8: {  	[smem:$0x3FAE] =	sst s0  }
0x9: {  	[smem:$0x3FAF] =	sst s1  }
0xa: {  	[smem:$0x3FB0] =	sst s2  }
0xb: {  	[smem:$0x3FB1] =	sst s3  }
0xc: {  	[smem:$0x3FB2] =	sst s4  }
0xd: {  	[smem:$0x3FB3] =	sst s5  }
0xe: {  	[smem:$0x3FB4] =	sst s6  }
0xf: {  	[smem:$0x3FB5] =	sst s7  }
0x10: {  	[smem:$0x3FB6] =	sst s8  }
0x11: {  	[smem:$0x3FB7] =	sst s9;
	s0 =	simm.s32 @!p0 $0x0  }
0x12: {  	s1 =	sld [smem:$0x3F9D];
	s0 =	simm.s32 @p0 $0x1  }
0x13: {  	[smem:$0x3FB8] =	sst s0;
	s0 =	simm.s32 @!p1 $0x0  }
0x14: {  	s2 =	sld [smem:$0x3F9C];
	s0 =	simm.s32 @p1 $0x1  }
0x15: {  	[smem:$0x3FB9] =	sst s0;
	s0 =	simm.s32 @!p2 $0x0  }
0x16: {  	s3 =	sld [smem:$0x3FDB];
	s0 =	simm.s32 @p2 $0x1  }
0x17: {  	s4 =	simm.s32 $0x1BF5;
	[smem:$0x3FBB] =	sst s0  }
0x18: {  	s0 =	sld [smem:$0x3F9E];
	_ =	swait.ge [sflag:s4], $0x0  }
0x19: {  	s7 =	sld [smem:$0x3F9F]  }
0x1a: {  	s8 =	sadd.s32 $0xFFFFE003, lr  }
0x1b: {  	s9 =	sadd.s32 $0xFFFFFEF7, lr;
	s5 =	simm.s32 $0xFFFFFFFF;
	p2 =	slt.u32 s8, $0xFFFFF086  }
0x1c: {  	p1 =	slt.u32 s9, $0xF7A;
	s5 =	simm.s32 @!p2 $0x0  }
0x1d: {  	s5 =	simm.s32 @p1 $0x1;
	p0 =	seq.s32 s7, s2  }
0x1e: {  	s7 =	smul.u32 @!p0 $0xF7A, s2;
	p2 =	seq.s32 @!p0 s5, $0x0  }
0x1f: {  	s9 =	smul.u32 $0xF7A, s1;
	s8 =	simm.s32 @!p0 $0x1BF5;
	p2 =	por !p2, p0  }
0x20: {  	[sflag:s8] =	ssyncset.s32 @!p0 $0xFFFFF086;
	s6 =	sadd.s32 @!p0 s3, s7;
	s7 =	simm.s32 @!p0 $0x108  }
0x21: {  	s3 =	sadd.s32 s3, s9;
	s6 =	sadd.s32 @!p0 $0x88, s6;
	s7 =	simm.s32 @p2 $0x1082  }
0x22: {  	[simem:s7], [sflag:s8] =	dma.local @!p0 [hbm:s6], $0xF7A  }
0x23: {  	s9 =	sor.u32 $0xD0000000, s2;
	s6 =	simm.s32 $0x108;
	_ =	swait.ge @!p0 [sflag:s8], $0x0  }
0x24: {  	s3 =	sadd.s32 $0x88, s3;
	s6 =	simm.s32 @!p1 $0x1082;
	[sflag:s4] =	ssyncset.s32 $0xFFFFF086  }
0x25: {  	[simem:s6], [sflag:s4] =	dma.local [hbm:s3], $0xF7A  }
0x26: {  	[smem:$0x3F9F] =	sst s1;
	(tag) =	ssettag s2;
	_ =	strace s9  }
0x27: {  	s1 =	sld [smem:$0x3FAF]  }
0x28: {  	s2 =	sld [smem:$0x3FB0]  }
0x29: {  	s4 =	sld [smem:$0x3FB2]  }
0x2a: {  	p0 =	seq.s32 s5, $0x0;
	s5 =	sld [smem:$0x3FB3]  }
0x2b: {  	s6 =	sld [smem:$0x3FB4]  }
0x2c: {  	s7 =	sld [smem:$0x3FB5]  }
0x2d: {  	s3 =	simm.s32 $0x108;
	s8 =	sld [smem:$0x3FB6]  }
0x2e: {  	s3 =	simm.s32 @!p0 $0x1082;
	s9 =	sld [smem:$0x3FB7]  }
0x2f: {  	lr =	sadd.s32 s0, s3;
	s0 =	sld [smem:$0x3FAE]  }
0x30: {  	s3 =	sld [smem:$0x3FB1]  }
0x31: {  	[smem:$0x3FBA] =	sst s10  }
0x32: {  	s10 =	sld [smem:$0x3FB8];
	_ =	sdelay $0x3  }
0x33: {  	p0 =	seq.s32 s10, $0x1;
	s10 =	sld [smem:$0x3FBA];
	_ =	sdelay $0x3  }
0x34: {  	[smem:$0x3FBA] =	sst s10  }
0x35: {  	s10 =	sld [smem:$0x3FB9];
	_ =	sdelay $0x3  }
0x36: {  	p1 =	seq.s32 s10, $0x1;
	s10 =	sld [smem:$0x3FBA];
	_ =	sdelay $0x3  }
0x37: {  	[smem:$0x3FBA] =	sst s10  }
0x38: {  	s10 =	sld [smem:$0x3FBB]  }
0x39: {  	_ = 	snop;
	(pc) =	sbr.ind lr, $3  }
0x3a: {  	_ = 	snop  }
0x3b: {  	_ = 	snop  }
0x3c: {  	p2 =	seq.s32 s10, $0x1;
	s10 =	sld [smem:$0x3FBA]  }
0x3d: {  	_ =	shalt  }
0x3e: {  	_ =	shalt  }
0x3f: {  	_ =	shalt  }
0x40: {  	_ =	shalt  }
0x41: {  	_ =	shalt  }
0x42: {  	_ =	shalt  }
0x43: {  	_ =	shalt  }
0x44: {  	_ =	shalt  }
0x45: {  	_ =	shalt  }
0x46: {  	_ =	shalt  }
0x47: {  	_ =	shalt  }
0x48: {  	_ =	shalt  }
0x49: {  	_ =	shalt  }
0x4a: {  	_ =	shalt  }
0x4b: {  	_ =	shalt  }
0x4c: {  	_ =	shalt  }
0x4d: {  	_ =	shalt  }
0x4e: {  	_ =	shalt  }
0x4f: {  	_ =	shalt  }
0x50: {  	_ =	shalt  }
0x51: {  	_ =	shalt  }
0x52: {  	_ =	shalt  }
0x53: {  	_ =	shalt  }
0x54: {  	_ =	shalt  }
0x55: {  	_ =	shalt  }
0x56: {  	_ =	shalt  }
0x57: {  	_ =	shalt  }
0x58: {  	_ =	shalt  }
0x59: {  	_ =	shalt  }
0x5a: {  	_ =	shalt  }
0x5b: {  	_ =	shalt  }
0x5c: {  	_ =	shalt  }
0x5d: {  	_ =	shalt  }
0x5e: {  	_ =	shalt  }
0x5f: {  	_ =	shalt  }
0x60: {  	_ =	shalt  }
0x61: {  	_ =	shalt  }
0x62: {  	_ =	shalt  }
0x63: {  	_ =	shalt  }
0x64: {  	_ =	shalt  }
0x65: {  	_ =	shalt  }
0x66: {  	_ =	shalt  }
0x67: {  	_ =	shalt  }
0x68: {  	_ =	shalt  }
0x69: {  	_ =	shalt  }
0x6a: {  	_ =	shalt  }
0x6b: {  	_ =	shalt  }
0x6c: {  	_ =	shalt  }
0x6d: {  	_ =	shalt  }
0x6e: {  	_ =	shalt  }
0x6f: {  	_ =	shalt  }
0x70: {  	_ =	shalt  }
0x71: {  	_ =	shalt  }
0x72: {  	_ =	shalt  }
0x73: {  	_ =	shalt  }
0x74: {  	_ =	shalt  }
0x75: {  	_ =	shalt  }
0x76: {  	_ =	shalt  }
0x77: {  	_ =	shalt  }
0x78: {  	_ =	shalt  }
0x79: {  	_ =	shalt  }
0x7a: {  	_ =	shalt  }
0x7b: {  	_ =	shalt  }
0x7c: {  	_ =	shalt  }
0x7d: {  	_ =	shalt  }
0x7e: {  	_ =	shalt  }
0x7f: {  	_ =	shalt  }
0x80: {  	_ =	shalt  }
0x81: {  	_ =	shalt  }
0x82: {  	_ =	shalt  }
0x83: {  	_ =	shalt  }
0x84: {  	_ =	shalt  }
0x85: {  	_ =	shalt  }
0x86: {  	_ =	shalt  }
0x87: {  	_ =	shalt  }
.Lfunc_end0:
.L_simem_size_0:
called_computation_lowered:
.L_overlay_start_0:
0x88: {  	s2 =	sld [smem:$0x3FD9]  }
0x89: {  	s3 =	sld [smem:$0x3FFE];
	_ =	sdelay $0x1  }
0x8a: {  	s1 =	srdreg.scid  }
0x8b: {  	s0 =	sand.u32 $0x1, s1  }
0x8c: {  	s18 =	sshll.u32 s0, $0xA;
	s2 =	sadd.s32 s3, s2  }
0x8d: {  	s2 =	sadd.s32 s2, s18  }
0x8e: {  	[smem:$0x3FC6] =	sst s2  }
0x8f: {  	_ = 	snop  }
0x90: {  	s2 =	sld [smem:$0x3FC9]  }
0x91: {  	s19 =	sld [smem:$0x3FC8]  }
0x92: {  	s4 =	sld [smem:$0x3FD0];
	(tm) =	ssettm $0x1  }
0x93: {  	s5 =	sld [smem:$0x3FFB];
	_ =	sdelay $0x3  }
0x94: {  	_ =	strace s5  }
0x95: {  	s5 =	sld [smem:$0x3FFC];
	_ =	sdelay $0x3  }
0x96: {  	_ =	strace s5  }
0x97: {  	s5 =	sld [smem:$0x3FFD];
	_ =	sdelay $0x3  }
0x98: {  	_ =	strace s5  }
0x99: {  	_ =	strace $0x8FFFFFFF  }
0x9a: {  	s20 =	sld [smem:$0x3FDB];
	_ =	sdelay $0x1  }
0x9b: {  	s6 =	simm.s32 $_scs_section_size  }
0x9c: {  	s7 =	simm.s32 $_size__tile_overlayer_lowered;
	s8 =	simm.s32 $_tile_overlayer_lowered  }
0x9d: {  	s23 =	simm.s32 $0x1BFF;
	s22 =	sshll.u32 s8, $0x1;
	s5 =	sadd.s32 s6, s20  }
0x9e: {  	s9 =	simm.s32 $0x0;
	s21 =	sshll.u32 s7, $0x1;
	s7 =	sadd.s32 s22, s5  }
0x9f: {  	[timem:s9], [sflag:s23] =	dma.local [hbm:s7], s21  }
0xa0: {  	_ =	swait.ge [sflag:s23], s21  }
0xa1: {  	s6 =	ssub.s32 $0x0, s21;
	[sflag:s23] =	ssyncset.done $0x0  }
0xa2: {  	[sflag:s23] =	ssyncadd.s32 s6;
	_ =	sdelay $0x1  }
0xa3: {  	s24 =	simm.s32 $0x1B8B  }
0xa4: {  	_ =	swait.ge [sflag:s24], $0x1  }
0xa5: {  	[sflag:s24] =	ssyncset.done $0x0  }
0xa6: {  	s25 =	simm.s32 $0x1B8E;
	[sflag:s24] =	ssyncadd.s32 $0xFFFFFFFF  }
0xa7: {  	s26 =	simm.s32 $execute0_lowered;
	[smem:$0x3FD2] =	sst s25  }
0xa8: {  	s6 =	sshll.u32 s26, $0x1;
	_ =	strace $0x80000046;
	[dreg:$0x1] =	wrdreg $0xFFFFFFFF  }
0xa9: {  	s28 =	simm.s32 $_size_execute0_lowered;
	s5 =	sadd.s32 s5, s6;
	[dreg:$0x0] =	wrdreg $0x0  }
0xaa: {  	s6 =	sshll.u32 s28, $0x1;
	[dreg:$0x2] =	wrdreg s5  }
0xab: {  	[dreg:$0x3] =	wrdreg s6  }
0xac: {  	[dreg:$0x4] =	wrdreg $0xC0  }
0xad: {  	_ =	task [dreg:s9], $0x5FFFF  }
0xae: {  	[dreg:$0x1] =	wrdreg $0xFFFFFFFF  }
0xaf: {  	[dreg:$0x0] =	wrdreg $0x60  }
0xb0: {  	[dreg:$0x2] =	wrdreg s2  }
0xb1: {  	[dreg:$0x3] =	wrdreg s19  }
0xb2: {  	[dreg:$0x4] =	wrdreg s4  }
0xb3: {  	[dreg:$0x5] =	wrdreg $0x9  }
0xb4: {  	_ =	task.clear_ibuf [dreg:s9], $0x6FFFF;
	_ =	strace $0x90000046  }
0xb5: {  	s29 =	simm.s32 $0x9;
	_ =	strace $0x80000048  }
0xb6: {  	_ =	swait.ge [sflag:s29], $0x1  }
0xb7: {  	[sflag:s29] =	ssyncadd.s32 $0xFFFFFFFF  }
0xb8: {  	_ =	strace $0x90000048  }
0xb9: {  	_ =	sfence  }
0xba: {  	s30 =	sld [smem:$0x0];
	_ =	sdelay $0x2  }
0xbb: {  	s31 =	sshll.u32 s1, $0xD;
	s1 =	sshrl.u32 s1, $0x2  }
0xbc: {  	s3 =	sand.u32 $0x4000, s31;
	s1 =	sadd.s32 s1, s30  }
0xbd: {  	s0 =	sor.u32 s3, s0;
	s1 =	sshll.u32 s1, $0x11  }
0xbe: {  	s0 =	sor.u32 s1, s0  }
0xbf: {  	s0 =	sadd.s32 $0x8F2B, s0  }
0xc0: {  	[sflag:s0] =	ssyncadd.remote.s32 $0x1  }
0xc1: {  	_ =	sfence.sel $0xFFFF  }
0xc2: {  	[dreg:$0x0] =	wrdreg $0xFFFFFFFF;
	(pc) =	sbr.abs _section_cstart, $3  }
0xc3: {  	[dreg:$0x1] =	wrdreg $0xFFFFFFFF  }
0xc4: {  	_ =	task.clear_ibuf [dreg:s9], $0x2FFFF;
	_ =	strace $0x9FFFFFFF  }
0xc5: {  	(tm) =	ssettm $0x7FFFFFFF  }
tec
execute0_lowered:
.L_overlay_start_1:
0x0: {  	(tag) =	ssettag $0x1  }
0x1: {  	s0 =	srdreg.scid;
	s1 =	stileid.u32  }
0x2: {  	s0 =	sand.u32 $0x1, s0;
	s1 =	sshll.u32 s1, $0x1  }
0x3: {  	s1 =	sor.u32 s0, s1  }
0x4: {  	s4 =	rddreg [dreg:$0x0];
	s5 =	simm.s32 $0x0;
	s2 =	smul.u32 $0x18000, s1  }
0x5: {  	[smem:$0x7FF] =	sst s5;
	s0 =	ssub.s32 $0x2, s0;
	s14 =	smul.u32 $0x3, s1  }
.Ltmp0:
0x6: {  	_ =	strace $0x80000047;
	s3 =	sshrl.u32 s0, $0x1;
	(pc) =	sbr.rel .LBB2_1-.Ltmp0, $4  }
0x7: {  	s0 =	ssub.s32 s0, s3;
	s31 =	sadd.s32 s4, s2;
	[dreg:$0x4] =	wrdreg s14  }
0x8: {  	s0 =	smax.u32 s0, $0x1;
	[dreg:$0x5] =	wrdreg s31  }
0x9: {  	s1 =	sadd.s32 $0x800, s31;
	[dreg:$0x7] =	wrdreg s0  }
0xa: {  	s2 =	simm.s32 $0x0;
	[dreg:$0x6] =	wrdreg s1  }
.LBB2_12:
0xb: {  	s0 =	simm.s32 $0x3  }
0xc: {  	_ =	swait.ge [sflag:s0], $0x4000  }
0xd: {  	[sflag:s0] =	ssyncset.done $0x0  }
0xe: {  	s1 =	simm.s32 $0x4;
	[sflag:s0] =	ssyncadd.s32 $0xFFFFC000  }
0xf: {  	_ =	swait.ge [sflag:s1], $0x4000  }
0x10: {  	s2 =	rddreg [dreg:$0x8]  }
0x11: {  	s31 =	rddreg [dreg:$0x7];
	s2 =	sadd.s32 $0x1, s2  }
0x12: {  	p0 =	sne.s32 s2, s31  }
.Ltmp1:
0x13: {  	_ = 	snop;
	(pc) =	sbr.rel @!p0 .LBB2_13-.Ltmp1, $3  }
0x14: {  	_ =	sdelay $0x1  }
0x15: {  	[sflag:s1] =	ssyncset.done $0x0  }
0x16: {  	s14 =	rddreg [dreg:$0x4];
	[sflag:s1] =	ssyncadd.s32 $0xFFFFC000  }
.LBB2_1:
0x17: {  	[dreg:$0x8] =	wrdreg s2  }
0x18: {  	s0 =	rddreg [dreg:$0x1];
	s28 =	simm.s32 $0x5  }
0x19: {  	[tilespmem:s5], [sflag:$0x5] =	stream.linear.gather [hbm4b:s0+s5], $0x100, $0x38;
	[tilespmem:$0x10100] =	vst v63  }
0x1a: {  	_ =	swait.ge [sflag:s28], $0x100  }
0x1b: {  	[sflag:s28] =	ssyncset.done $0x0  }
0x1c: {  	s1 =	simm.s32 $0x100;
	s29 =	rddreg [dreg:$0x5];
	[sflag:s28] =	ssyncadd.s32 $0xFFFFFF00  }
0x1d: {  	[tilespmem:s1], [sflag:$0x1] =	stream.linear.gather [hbm4b:s29+s5], $0x4000, $0x38;
	[tilespmem:$0x10100] =	vst v63  }
0x1e: {  	s31 =	simm.s32 $0x4100;
	s15 =	simm.s32 $0x0;
	s30 =	rddreg [dreg:$0x6]  }
0x1f: {  	[tilespmem:s31], [sflag:$0x2] =	stream.linear.gather [hbm4b:s30+s5], $0x4000, $0x38;
	[tilespmem:$0x10100] =	vst v63  }
.LBB2_2:
0x20: {  	s0 =	simm.s32 $0x1  }
0x21: {  	_ =	swait.ge [sflag:s0], $0x4000  }
0x22: {  	p0 =	seq.s32 s15, $0x0;
	[sflag:s0] =	ssyncset.done $0x0  }
0x23: {  	[sflag:s0] =	ssyncadd.s32 $0xFFFFC000;
	s0 =	simm.s32 @!p0 $0x3  }
0x24: {  	s2 =	simm.s32 $0x0;
	_ =	swait.ge @!p0 [sflag:s0], $0x4000  }
0x25: {  	s1 =	sand.u32 $0x3000, s2;
	s3 =	sand.u32 $0x300, s2;
	[sflag:s0] =	ssyncset.done @!p0 $0x0  }
0x26: {  	s1 =	sor.u32 s3, s1;
	[sflag:s0] =	ssyncadd.s32 @!p0 $0xFFFFC000  }
0x27: {  	v0 =	vld [tilespmem:s1+$0x180];
	_ =	sdelay $0x5  }
0x28: {  	v1 =	vld [tilespmem:s1+$0x190];
	_ =	sdelay $0x1  }
0x29: {  	v0 =	vld.idx.msk [tilespmem:v0+s5+$0x0], $0xffff;
	_ =	sdelay $0x3  }
0x2a: {  	v2 =	vld [tilespmem:s1+$0x1A0]  }
0x2b: {  	[tilespmem:s1+$0x8180] =	vst v0  }
0x2c: {  	v0 =	vld.idx.msk [tilespmem:v1+s5+$0x0], $0xffff;
	_ =	sdelay $0x3  }
0x2d: {  	v1 =	vld [tilespmem:s1+$0x1B0]  }
0x2e: {  	[tilespmem:s1+$0x8190] =	vst v0  }
0x2f: {  	v0 =	vld.idx.msk [tilespmem:v2+s5+$0x0], $0xffff;
	_ =	sdelay $0x3  }
0x30: {  	v2 =	vld [tilespmem:s1+$0x1C0]  }
0x31: {  	v3 =	vld [tilespmem:s1+$0x100];
	[tilespmem:s1+$0x81A0] =	vst v0  }
0x32: {  	v0 =	vld.idx.msk [tilespmem:v1+s5+$0x0], $0xffff;
	_ =	sdelay $0x3  }
0x33: {  	v1 =	vld [tilespmem:s1+$0x1D0]  }
0x34: {  	v4 =	vld [tilespmem:s1+$0x110];
	[tilespmem:s1+$0x81B0] =	vst v0  }
0x35: {  	v0 =	vld.idx.msk [tilespmem:v2+s5+$0x0], $0xffff  }
0x36: {  	v2 =	vld.idx.msk [tilespmem:v3+s5+$0x0], $0xffff;
	_ =	sdelay $0x2  }
0x37: {  	v3 =	vld [tilespmem:s1+$0x1E0]  }
0x38: {  	v5 =	vld [tilespmem:s1+$0x120];
	[tilespmem:s1+$0x81C0] =	vst v0  }
0x39: {  	[tilespmem:s1+$0x8100] =	vst v2;
	v0 =	vld.idx.msk [tilespmem:v1+s5+$0x0], $0xffff  }
0x3a: {  	v1 =	vld.idx.msk [tilespmem:v4+s5+$0x0], $0xffff;
	_ =	sdelay $0x2  }
0x3b: {  	v2 =	vld [tilespmem:s1+$0x1F0]  }
0x3c: {  	v4 =	vld [tilespmem:s1+$0x130];
	[tilespmem:s1+$0x81D0] =	vst v0  }
0x3d: {  	[tilespmem:s1+$0x8110] =	vst v1;
	v0 =	vld.idx.msk [tilespmem:v3+s5+$0x0], $0xffff  }
0x3e: {  	v1 =	vld.idx.msk [tilespmem:v5+s5+$0x0], $0xffff;
	_ =	sdelay $0x2  }
0x3f: {  	v3 =	vld [tilespmem:s1+$0x580]  }
0x40: {  	v5 =	vld [tilespmem:s1+$0x140];
	[tilespmem:s1+$0x81E0] =	vst v0  }
0x41: {  	[tilespmem:s1+$0x8120] =	vst v1;
	v0 =	vld.idx.msk [tilespmem:v2+s5+$0x0], $0xffff  }
0x42: {  	v1 =	vld.idx.msk [tilespmem:v4+s5+$0x0], $0xffff;
	_ =	sdelay $0x2  }
0x43: {  	v2 =	vld [tilespmem:s1+$0x590]  }
0x44: {  	v4 =	vld [tilespmem:s1+$0x150];
	[tilespmem:s1+$0x81F0] =	vst v0  }
0x45: {  	[tilespmem:s1+$0x8130] =	vst v1;
	v0 =	vld.idx.msk [tilespmem:v3+s5+$0x0], $0xffff  }
0x46: {  	v1 =	vld.idx.msk [tilespmem:v5+s5+$0x0], $0xffff;
	_ =	sdelay $0x2  }
0x47: {  	v3 =	vld [tilespmem:s1+$0x5A0]  }
0x48: {  	v5 =	vld [tilespmem:s1+$0x160];
	[tilespmem:s1+$0x8580] =	vst v0  }
0x49: {  	[tilespmem:s1+$0x8140] =	vst v1;
	v0 =	vld.idx.msk [tilespmem:v2+s5+$0x0], $0xffff  }
0x4a: {  	v1 =	vld.idx.msk [tilespmem:v4+s5+$0x0], $0xffff;
	_ =	sdelay $0x2  }
0x4b: {  	v2 =	vld [tilespmem:s1+$0x5B0]  }
0x4c: {  	v4 =	vld [tilespmem:s1+$0x170];
	[tilespmem:s1+$0x8590] =	vst v0  }
0x4d: {  	[tilespmem:s1+$0x8150] =	vst v1;
	v0 =	vld.idx.msk [tilespmem:v3+s5+$0x0], $0xffff  }
0x4e: {  	v1 =	vld.idx.msk [tilespmem:v5+s5+$0x0], $0xffff;
	_ =	sdelay $0x2  }
0x4f: {  	v3 =	vld [tilespmem:s1+$0x5C0]  }
0x50: {  	v5 =	vld [tilespmem:s1+$0x500];
	[tilespmem:s1+$0x85A0] =	vst v0  }
0x51: {  	[tilespmem:s1+$0x8160] =	vst v1;
	v0 =	vld.idx.msk [tilespmem:v2+s5+$0x0], $0xffff  }
0x52: {  	v1 =	vld.idx.msk [tilespmem:v4+s5+$0x0], $0xffff;
	_ =	sdelay $0x2  }
0x53: {  	v2 =	vld [tilespmem:s1+$0x5D0]  }
0x54: {  	v4 =	vld [tilespmem:s1+$0x510];
	[tilespmem:s1+$0x85B0] =	vst v0  }
0x55: {  	[tilespmem:s1+$0x8170] =	vst v1;
	v0 =	vld.idx.msk [tilespmem:v3+s5+$0x0], $0xffff  }
0x56: {  	v1 =	vld.idx.msk [tilespmem:v5+s5+$0x0], $0xffff;
	_ =	sdelay $0x1  }
0x57: {  	v6 =	vld [tilespmem:s1+$0x5F0]  }
0x58: {  	v3 =	vld [tilespmem:s1+$0x5E0]  }
0x59: {  	v5 =	vld [tilespmem:s1+$0x520];
	[tilespmem:s1+$0x85C0] =	vst v0  }
0x5a: {  	[tilespmem:s1+$0x8500] =	vst v1;
	v0 =	vld.idx.msk [tilespmem:v2+s5+$0x0], $0xffff  }
0x5b: {  	v1 =	vld.idx.msk [tilespmem:v4+s5+$0x0], $0xffff  }
0x5c: {  	v7 =	vld [tilespmem:s1+$0x550]  }
0x5d: {  	v8 =	vld [tilespmem:s1+$0x570]  }
0x5e: {  	v9 =	vld [tilespmem:s1+$0x900]  }
0x5f: {  	v2 =	vld [tilespmem:s1+$0x530];
	[tilespmem:s1+$0x85D0] =	vst v0  }
0x60: {  	[tilespmem:s1+$0x8510] =	vst v1;
	v0 =	vld.idx.msk [tilespmem:v3+s5+$0x0], $0xffff  }
0x61: {  	v1 =	vld.idx.msk [tilespmem:v5+s5+$0x0], $0xffff  }
0x62: {  	v10 =	vld [tilespmem:s1+$0x990]  }
0x63: {  	v11 =	vld [tilespmem:s1+$0x930]  }
0x64: {  	v3 =	vld [tilespmem:s1+$0x980]  }
0x65: {  	v4 =	vld [tilespmem:s1+$0x540];
	[tilespmem:s1+$0x85E0] =	vst v0  }
0x66: {  	[tilespmem:s1+$0x8520] =	vst v1;
	v0 =	vld.idx.msk [tilespmem:v6+s5+$0x0], $0xffff  }
0x67: {  	v1 =	vld.idx.msk [tilespmem:v2+s5+$0x0], $0xffff  }
0x68: {  	s25 =	simm.s32 $0x100;
	s26 =	simm.s32 $0x400;
	v13 =	vld [tilespmem:s1+$0x9A0]  }
0x69: {  	s3 =	sand.u32 $0x3000, s26;
	s0 =	sand.u32 $0x300, s25;
	v14 =	vld [tilespmem:s1+$0x9B0]  }
0x6a: {  	s0 =	sor.u32 s0, s3;
	v16 =	vld [tilespmem:s1+$0x9C0]  }
0x6b: {  	v15 =	vld [tilespmem:s0+$0x100];
	[tilespmem:s1+$0x85F0] =	vst v0  }
0x6c: {  	[tilespmem:s1+$0x8530] =	vst v1;
	v0 =	vld.idx.msk [tilespmem:v3+s5+$0x0], $0xffff  }
0x6d: {  	v12 =	vld.idx.msk [tilespmem:v4+s5+$0x0], $0xffff  }
0x6e: {  	v17 =	vld [tilespmem:s0+$0x1A0]  }
0x6f: {  	v18 =	vld [tilespmem:s0+$0x520]  }
0x70: {  	v46 =	vld [tilespmem:s0+$0x9F0]  }
0x71: {  	v5 =	vld [tilespmem:s1+$0x560];
	[tilespmem:s1+$0x8980] =	vst v0  }
0x72: {  	[tilespmem:s1+$0x8540] =	vst v12;
	v10 =	vld.idx.msk [tilespmem:v10+s5+$0x0], $0xffff  }
0x73: {  	v7 =	vld.idx.msk [tilespmem:v7+s5+$0x0], $0xffff  }
0x74: {  	v12 =	vld [tilespmem:s0+$0x180]  }
0x75: {  	v2 =	vld [tilespmem:s1+$0x910]  }
0x76: {  	v6 =	vld [tilespmem:s1+$0x920]  }
0x77: {  	v1 =	vld [tilespmem:s1+$0x960];
	[tilespmem:s1+$0x8990] =	vst v10  }
0x78: {  	[tilespmem:s1+$0x8550] =	vst v7;
	v7 =	vld.idx.msk [tilespmem:v13+s5+$0x0], $0xffff  }
0x79: {  	v4 =	vld [tilespmem:s1+$0x940]  }
0x7a: {  	v13 =	vld [tilespmem:s0+$0x190]  }
0x7b: {  	v10 =	vld [tilespmem:s0+$0x110]  }
0x7c: {  	v12 =	vld.idx.msk [tilespmem:v12+s5+$0x0], $0xffff  }
0x7d: {  	v5 =	vld.idx.msk [tilespmem:v5+s5+$0x0], $0xffff;
	[tilespmem:s1+$0x89A0] =	vst v7  }
0x7e: {  	v7 =	vld.idx.msk [tilespmem:v14+s5+$0x0], $0xffff  }
0x7f: {  	v14 =	vld.idx.msk [tilespmem:v15+s5+$0x0], $0xffff  }
0x80: {  	v15 =	vld [tilespmem:s0+$0x120]  }
0x81: {  	[tilespmem:s0+$0x8180] =	vst v12;
	v12 =	vld [tilespmem:s1+$0x9D0]  }
0x82: {  	[tilespmem:s1+$0x8560] =	vst v5;
	v13 =	vld.idx.msk [tilespmem:v13+s5+$0x0], $0xffff  }
0x83: {  	v8 =	vld.idx.msk [tilespmem:v8+s5+$0x0], $0xffff;
	[tilespmem:s1+$0x89B0] =	vst v7  }
0x84: {  	[tilespmem:s0+$0x8100] =	vst v14;
	v7 =	vld.idx.msk [tilespmem:v16+s5+$0x0], $0xffff  }
0x85: {  	v10 =	vld.idx.msk [tilespmem:v10+s5+$0x0], $0xffff  }
0x86: {  	v16 =	vld [tilespmem:s0+$0x1B0]  }
0x87: {  	[tilespmem:s0+$0x8190] =	vst v13;
	v13 =	vld [tilespmem:s1+$0x9E0]  }
0x88: {  	v17 =	vld.idx.msk [tilespmem:v17+s5+$0x0], $0xffff  }
0x89: {  	v14 =	vld [tilespmem:s0+$0x130];
	[tilespmem:s1+$0x89C0] =	vst v7  }
0x8a: {  	[tilespmem:s0+$0x8110] =	vst v10;
	v7 =	vld.idx.msk [tilespmem:v12+s5+$0x0], $0xffff  }
0x8b: {  	v10 =	vld.idx.msk [tilespmem:v15+s5+$0x0], $0xffff  }
0x8c: {  	v15 =	vld [tilespmem:s0+$0x1C0]  }
0x8d: {  	[tilespmem:s0+$0x81A0] =	vst v17;
	v17 =	vld [tilespmem:s1+$0x9F0]  }
0x8e: {  	v16 =	vld.idx.msk [tilespmem:v16+s5+$0x0], $0xffff  }
0x8f: {  	v12 =	vld [tilespmem:s0+$0x140];
	[tilespmem:s1+$0x89D0] =	vst v7  }
0x90: {  	[tilespmem:s0+$0x8120] =	vst v10;
	v7 =	vld.idx.msk [tilespmem:v13+s5+$0x0], $0xffff  }
0x91: {  	[tilespmem:s1+$0x8570] =	vst v8;
	v5 =	vld.idx.msk [tilespmem:v14+s5+$0x0], $0xffff  }
0x92: {  	v8 =	vld.idx.msk [tilespmem:v9+s5+$0x0], $0xffff  }
0x93: {  	v10 =	vld [tilespmem:s0+$0x1D0];
	[tilespmem:s0+$0x81B0] =	vst v16  }
0x94: {  	v14 =	vld.idx.msk [tilespmem:v15+s5+$0x0], $0xffff  }
0x95: {  	v13 =	vld [tilespmem:s0+$0x150];
	[tilespmem:s1+$0x89E0] =	vst v7  }
0x96: {  	[tilespmem:s0+$0x8130] =	vst v5;
	v5 =	vld.idx.msk [tilespmem:v17+s5+$0x0], $0xffff  }
0x97: {  	s2 =	sand.u32 $0x3, s2;
	[tilespmem:s1+$0x8900] =	vst v8;
	v7 =	vld.idx.msk [tilespmem:v12+s5+$0x0], $0xffff  }
0x98: {  	s2 =	sshll.u32 s2, $0x8;
	v2 =	vld.idx.msk [tilespmem:v2+s5+$0x0], $0xffff  }
0x99: {  	s21 =	sadd.s32 $0x0, s2;
	[tilespmem:s0+$0x81C0] =	vst v14;
	v14 =	vld [tilespmem:s0+$0x1E0]  }
0x9a: {  	s29 =	sadd.s32 $0x80, s21;
	v12 =	vld [tilespmem:s0+$0x160]  }
0x9b: {  	s4 =	sor.u32 $0xC00, s29;
	v10 =	vld.idx.msk [tilespmem:v10+s5+$0x0], $0xffff;
	[tilespmem:s1+$0x89F0] =	vst v5  }
0x9c: {  	[tilespmem:s0+$0x8140] =	vst v7;
	v5 =	vld [tilespmem:s4+$0x100]  }
0x9d: {  	v7 =	vld.idx.msk [tilespmem:v13+s5+$0x0], $0xffff  }
0x9e: {  	v3 =	vld [tilespmem:s1+$0x950];
	[tilespmem:s1+$0x8910] =	vst v2  }
0x9f: {  	v2 =	vld.idx.msk [tilespmem:v6+s5+$0x0], $0xffff  }
0xa0: {  	v17 =	vld [tilespmem:s0+$0x1F0];
	[tilespmem:s0+$0x81D0] =	vst v10  }
0xa1: {  	v10 =	vld.idx.msk [tilespmem:v14+s5+$0x0], $0xffff  }
0xa2: {  	v0 =	vld [tilespmem:s1+$0x970];
	[tilespmem:s0+$0x8150] =	vst v7  }
0xa3: {  	v7 =	vld.idx.msk [tilespmem:v12+s5+$0x0], $0xffff  }
0xa4: {  	v15 =	vld [tilespmem:s0+$0x170]  }
0xa5: {  	[tilespmem:s1+$0x8920] =	vst v2;
	v5 =	vld.idx.msk [tilespmem:v5+s5+$0x0], $0xffff  }
0xa6: {  	[tilespmem:s0+$0x81E0] =	vst v10;
	v10 =	vld [tilespmem:s0+$0x580]  }
0xa7: {  	v11 =	vld.idx.msk [tilespmem:v11+s5+$0x0], $0xffff  }
0xa8: {  	[tilespmem:s0+$0x8160] =	vst v7;
	v7 =	vld.idx.msk [tilespmem:v17+s5+$0x0], $0xffff  }
0xa9: {  	v13 =	vld [tilespmem:s0+$0x500]  }
0xaa: {  	s6 =	sor.u32 $0xC10, s29;
	v14 =	vld [tilespmem:s0+$0x590];
	[tilespmem:s4+$0x8100] =	vst v5  }
0xab: {  	v5 =	vld [tilespmem:s6+$0x100]  }
0xac: {  	v12 =	vld.idx.msk [tilespmem:v15+s5+$0x0], $0xffff  }
0xad: {  	v9 =	vld [tilespmem:s0+$0x530];
	[tilespmem:s0+$0x81F0] =	vst v7  }
0xae: {  	v7 =	vld.idx.msk [tilespmem:v10+s5+$0x0], $0xffff  }
0xaf: {  	v16 =	vld [tilespmem:s0+$0x510];
	[tilespmem:s1+$0x8930] =	vst v11  }
0xb0: {  	v4 =	vld.idx.msk [tilespmem:v4+s5+$0x0], $0xffff  }
0xb1: {  	v6 =	vld [tilespmem:s0+$0x5A0];
	[tilespmem:s0+$0x8170] =	vst v12  }
0xb2: {  	v10 =	vld.idx.msk [tilespmem:v13+s5+$0x0], $0xffff  }
0xb3: {  	v5 =	vld.idx.msk [tilespmem:v5+s5+$0x0], $0xffff;
	[tilespmem:s0+$0x8580] =	vst v7  }
0xb4: {  	v7 =	vld.idx.msk [tilespmem:v14+s5+$0x0], $0xffff  }
0xb5: {  	v8 =	vld [tilespmem:s0+$0x540];
	[tilespmem:s1+$0x8940] =	vst v4  }
0xb6: {  	v3 =	vld.idx.msk [tilespmem:v3+s5+$0x0], $0xffff  }
0xb7: {  	v13 =	vld [tilespmem:s0+$0x5B0];
	[tilespmem:s0+$0x8500] =	vst v10  }
0xb8: {  	s7 =	sor.u32 $0xC20, s29;
	v10 =	vld.idx.msk [tilespmem:v16+s5+$0x0], $0xffff;
	[tilespmem:s6+$0x8100] =	vst v5  }
0xb9: {  	v5 =	vld [tilespmem:s7+$0x100];
	[tilespmem:s0+$0x8590] =	vst v7  }
0xba: {  	v6 =	vld.idx.msk [tilespmem:v6+s5+$0x0], $0xffff  }
0xbb: {  	v2 =	vld [tilespmem:s0+$0x900];
	[tilespmem:s1+$0x8950] =	vst v3  }
0xbc: {  	v1 =	vld.idx.msk [tilespmem:v1+s5+$0x0], $0xffff  }
0xbd: {  	[tilespmem:s0+$0x8510] =	vst v10;
	v10 =	vld [tilespmem:s0+$0x5C0]  }
0xbe: {  	v7 =	vld.idx.msk [tilespmem:v18+s5+$0x0], $0xffff  }
0xbf: {  	v4 =	vld [tilespmem:s0+$0x920];
	[tilespmem:s0+$0x85A0] =	vst v6  }
0xc0: {  	v11 =	vld.idx.msk [tilespmem:v13+s5+$0x0], $0xffff  }
0xc1: {  	v5 =	vld.idx.msk [tilespmem:v5+s5+$0x0], $0xffff  }
0xc2: {  	v3 =	vld [tilespmem:s0+$0x5E0];
	[tilespmem:s1+$0x8960] =	vst v1  }
0xc3: {  	v0 =	vld.idx.msk [tilespmem:v0+s5+$0x0], $0xffff;
	[tilespmem:s0+$0x8520] =	vst v7  }
0xc4: {  	v7 =	vld.idx.msk [tilespmem:v9+s5+$0x0], $0xffff  }
0xc5: {  	v9 =	vld [tilespmem:s0+$0x5D0];
	[tilespmem:s0+$0x85B0] =	vst v11  }
0xc6: {  	s8 =	sor.u32 $0xC30, s29;
	[tilespmem:s7+$0x8100] =	vst v5;
	v10 =	vld.idx.msk [tilespmem:v10+s5+$0x0], $0xffff  }
0xc7: {  	v11 =	vld [tilespmem:s8+$0x100]  }
0xc8: {  	v15 =	vld [tilespmem:s0+$0x550]  }
0xc9: {  	v12 =	vld [tilespmem:s0+$0x560]  }
0xca: {  	v14 =	vld [tilespmem:s0+$0x570];
	[tilespmem:s0+$0x8530] =	vst v7  }
0xcb: {  	s9 =	simm.s32 $0x200;
	s10 =	simm.s32 $0x800;
	s4 =	sor.u32 $0xC00, s21;
	[tilespmem:s1+$0x8970] =	vst v0;
	v7 =	vld.idx.msk [tilespmem:v8+s5+$0x0], $0xffff  }
0xcc: {  	s2 =	sand.u32 $0x3000, s10;
	s1 =	sand.u32 $0x300, s9;
	v0 =	vld [tilespmem:s4+$0x100];
	[tilespmem:s0+$0x85C0] =	vst v10  }
0xcd: {  	s2 =	sor.u32 s1, s2;
	v9 =	vld.idx.msk [tilespmem:v9+s5+$0x0], $0xffff  }
0xce: {  	v16 =	vld [tilespmem:s2+$0x120]  }
0xcf: {  	v10 =	vld.idx.msk [tilespmem:v11+s5+$0x0], $0xffff  }
0xd0: {  	[tilespmem:s0+$0x8540] =	vst v7;
	v7 =	vld [tilespmem:s0+$0x5F0]  }
0xd1: {  	v1 =	vld.idx.msk [tilespmem:v15+s5+$0x0], $0xffff  }
0xd2: {  	v17 =	vld [tilespmem:s2+$0x190];
	[tilespmem:s0+$0x85D0] =	vst v9  }
0xd3: {  	v11 =	vld.idx.msk [tilespmem:v3+s5+$0x0], $0xffff  }
0xd4: {  	v45 =	vld [tilespmem:s2+$0x130];
	s6 =	sor.u32 $0xC40, s29;
	[tilespmem:s8+$0x8100] =	vst v10  }
0xd5: {  	v10 =	vld [tilespmem:s6+$0x100]  }
0xd6: {  	v13 =	vld [tilespmem:s0+$0x980];
	[tilespmem:s0+$0x8550] =	vst v1  }
0xd7: {  	v12 =	vld.idx.msk [tilespmem:v12+s5+$0x0], $0xffff  }
0xd8: {  	v19 =	vld [tilespmem:s2+$0x150];
	[tilespmem:s0+$0x85E0] =	vst v11  }
0xd9: {  	v7 =	vld.idx.msk [tilespmem:v7+s5+$0x0], $0xffff  }
0xda: {  	v0 =	vld.idx.msk [tilespmem:v0+s5+$0x0], $0xffff  }
0xdb: {  	v6 =	vld [tilespmem:s0+$0x910]  }
0xdc: {  	[tilespmem:s0+$0x8560] =	vst v12;
	v12 =	vld [tilespmem:s0+$0x990]  }
0xdd: {  	v10 =	vld.idx.msk [tilespmem:v10+s5+$0x0], $0xffff  }
0xde: {  	v5 =	vld [tilespmem:s0+$0x930];
	[tilespmem:s0+$0x85F0] =	vst v7  }
0xdf: {  	v7 =	vld.idx.msk [tilespmem:v13+s5+$0x0], $0xffff  }
0xe0: {  	v8 =	vld [tilespmem:s0+$0x940]  }
0xe1: {  	v13 =	vld [tilespmem:s2+$0x180]  }
0xe2: {  	s11 =	sor.u32 $0xC50, s29;
	v11 =	vld.idx.msk [tilespmem:v14+s5+$0x0], $0xffff;
	[tilespmem:s6+$0x8100] =	vst v10  }
0xe3: {  	v10 =	vld [tilespmem:s11+$0x100]  }
0xe4: {  	[tilespmem:s0+$0x8980] =	vst v7;
	v7 =	vld [tilespmem:s0+$0x9A0]  }
0xe5: {  	v12 =	vld.idx.msk [tilespmem:v12+s5+$0x0], $0xffff  }
0xe6: {  	v14 =	vld [tilespmem:s2+$0x100]  }
0xe7: {  	v15 =	vld [tilespmem:s2+$0x110]  }
0xe8: {  	v9 =	vld [tilespmem:s0+$0x950]  }
0xe9: {  	v13 =	vld.idx.msk [tilespmem:v13+s5+$0x0], $0xffff  }
0xea: {  	[tilespmem:s0+$0x8990] =	vst v12;
	v12 =	vld [tilespmem:s0+$0x9B0]  }
0xeb: {  	v10 =	vld.idx.msk [tilespmem:v10+s5+$0x0], $0xffff  }
0xec: {  	v7 =	vld.idx.msk [tilespmem:v7+s5+$0x0], $0xffff  }
0xed: {  	v3 =	vld [tilespmem:s0+$0x960]  }
0xee: {  	v14 =	vld.idx.msk [tilespmem:v14+s5+$0x0], $0xffff  }
0xef: {  	[tilespmem:s2+$0x8180] =	vst v13;
	v13 =	vld [tilespmem:s2+$0x1A0]  }
0xf0: {  	v17 =	vld.idx.msk [tilespmem:v17+s5+$0x0], $0xffff;
	[tilespmem:s11+$0x8100] =	vst v10  }
0xf1: {  	s12 =	sor.u32 $0xC60, s29;
	[tilespmem:s0+$0x89A0] =	vst v7;
	v7 =	vld [tilespmem:s0+$0x9C0]  }
0xf2: {  	v10 =	vld [tilespmem:s12+$0x100]  }
0xf3: {  	v12 =	vld.idx.msk [tilespmem:v12+s5+$0x0], $0xffff  }
0xf4: {  	v1 =	vld [tilespmem:s0+$0x970];
	[tilespmem:s2+$0x8100] =	vst v14  }
0xf5: {  	v14 =	vld.idx.msk [tilespmem:v15+s5+$0x0], $0xffff  }
0xf6: {  	[tilespmem:s2+$0x8190] =	vst v17;
	v17 =	vld [tilespmem:s2+$0x1B0]  }
0xf7: {  	v13 =	vld.idx.msk [tilespmem:v13+s5+$0x0], $0xffff  }
0xf8: {  	[tilespmem:s0+$0x89B0] =	vst v12;
	v12 =	vld [tilespmem:s0+$0x9D0]  }
0xf9: {  	v7 =	vld.idx.msk [tilespmem:v7+s5+$0x0], $0xffff  }
0xfa: {  	[tilespmem:s0+$0x8570] =	vst v11;
	v10 =	vld.idx.msk [tilespmem:v10+s5+$0x0], $0xffff  }
0xfb: {  	v11 =	vld [tilespmem:s2+$0x170];
	[tilespmem:s2+$0x8110] =	vst v14  }
0xfc: {  	v14 =	vld.idx.msk [tilespmem:v16+s5+$0x0], $0xffff  }
0xfd: {  	[tilespmem:s2+$0x81A0] =	vst v13;
	v13 =	vld [tilespmem:s2+$0x1C0]  }
0xfe: {  	v17 =	vld.idx.msk [tilespmem:v17+s5+$0x0], $0xffff;
	[tilespmem:s0+$0x89C0] =	vst v7  }
0xff: {  	s26 =	sor.u32 $0xC70, s29;
	v7 =	vld [tilespmem:s0+$0x9E0];
	[tilespmem:s12+$0x8100] =	vst v10  }
0x100: {  	v10 =	vld [tilespmem:s26+$0x100]  }
0x101: {  	v12 =	vld.idx.msk [tilespmem:v12+s5+$0x0], $0xffff  }
0x102: {  	v15 =	vld [tilespmem:s2+$0x140]  }
0x103: {  	v16 =	vld [tilespmem:s2+$0x160];
	[tilespmem:s2+$0x8120] =	vst v14  }
0x104: {  	v14 =	vld.idx.msk [tilespmem:v45+s5+$0x0], $0xffff  }
0x105: {  	[tilespmem:s2+$0x81B0] =	vst v17;
	v17 =	vld [tilespmem:s2+$0x1D0]  }
0x106: {  	v13 =	vld.idx.msk [tilespmem:v13+s5+$0x0], $0xffff;
	[tilespmem:s0+$0x89D0] =	vst v12  }
0x107: {  	[tilespmem:s4+$0x8100] =	vst v0;
	v7 =	vld.idx.msk [tilespmem:v7+s5+$0x0], $0xffff  }
0x108: {  	v0 =	vld.idx.msk [tilespmem:v10+s5+$0x0], $0xffff  }
0x109: {  	v12 =	vld [tilespmem:s2+$0x500]  }
0x10a: {  	[tilespmem:s2+$0x8130] =	vst v14;
	v14 =	vld [tilespmem:s2+$0x510]  }
0x10b: {  	[tilespmem:s2+$0x81C0] =	vst v13;
	v13 =	vld [tilespmem:s2+$0x1E0]  }
0x10c: {  	v10 =	vld.idx.msk [tilespmem:v15+s5+$0x0], $0xffff  }
0x10d: {  	v47 =	vld [tilespmem:s2+$0x530];
	[tilespmem:s0+$0x89E0] =	vst v7  }
0x10e: {  	s13 =	simm.s32 $0x1;
	v7 =	vld.idx.msk [tilespmem:v46+s5+$0x0], $0xffff  }
0x10f: {  	s1 =	sand.u32 $0x3, s13;
	v48 =	vld [tilespmem:s2+$0x540]  }
0x110: {  	s1 =	sshll.u32 s1, $0x8;
	v17 =	vld.idx.msk [tilespmem:v17+s5+$0x0], $0xffff  }
0x111: {  	s30 =	sadd.s32 $0x400, s1;
	v20 =	vld [tilespmem:s2+$0x550];
	[tilespmem:s2+$0x8140] =	vst v10  }
0x112: {  	s1 =	sadd.s32 $0x80, s30;
	v10 =	vld.idx.msk [tilespmem:v19+s5+$0x0], $0xffff  }
0x113: {  	s16 =	sor.u32 $0xC00, s1;
	v2 =	vld.idx.msk [tilespmem:v2+s5+$0x0], $0xffff;
	[tilespmem:s0+$0x89F0] =	vst v7  }
0x114: {  	v7 =	vld [tilespmem:s16+$0x100]  }
0x115: {  	[tilespmem:s2+$0x81D0] =	vst v17;
	v17 =	vld [tilespmem:s2+$0x1F0]  }
0x116: {  	v13 =	vld.idx.msk [tilespmem:v13+s5+$0x0], $0xffff  }
0x117: {  	v21 =	vld [tilespmem:s2+$0x570];
	[tilespmem:s2+$0x8150] =	vst v10  }
0x118: {  	v10 =	vld.idx.msk [tilespmem:v16+s5+$0x0], $0xffff  }
0x119: {  	v22 =	vld [tilespmem:s2+$0x590]  }
0x11a: {  	v56 =	vld [tilespmem:s2+$0x9F0]  }
0x11b: {  	[tilespmem:s2+$0x81E0] =	vst v13;
	v13 =	vld [tilespmem:s2+$0x580]  }
0x11c: {  	v7 =	vld.idx.msk [tilespmem:v7+s5+$0x0], $0xffff  }
0x11d: {  	[tilespmem:s2+$0x8160] =	vst v10;
	v10 =	vld.idx.msk [tilespmem:v17+s5+$0x0], $0xffff  }
0x11e: {  	[tilespmem:s0+$0x8900] =	vst v2;
	v11 =	vld.idx.msk [tilespmem:v11+s5+$0x0], $0xffff  }
0x11f: {  	v6 =	vld.idx.msk [tilespmem:v6+s5+$0x0], $0xffff  }
0x120: {  	v15 =	vld [tilespmem:s2+$0x520]  }
0x121: {  	s17 =	sor.u32 $0xC10, s1;
	v2 =	vld [tilespmem:s2+$0x900];
	[tilespmem:s16+$0x8100] =	vst v7  }
0x122: {  	[tilespmem:s2+$0x81F0] =	vst v10;
	v17 =	vld [tilespmem:s17+$0x100]  }
0x123: {  	v10 =	vld.idx.msk [tilespmem:v13+s5+$0x0], $0xffff;
	[tilespmem:s2+$0x8170] =	vst v11  }
0x124: {  	[tilespmem:s0+$0x8910] =	vst v6;
	v11 =	vld.idx.msk [tilespmem:v12+s5+$0x0], $0xffff  }
0x125: {  	v12 =	vld.idx.msk [tilespmem:v4+s5+$0x0], $0xffff  }
0x126: {  	v6 =	vld [tilespmem:s2+$0x920]  }
0x127: {  	v13 =	vld [tilespmem:s2+$0x5A0]  }
0x128: {  	v16 =	vld [tilespmem:s2+$0x560];
	[tilespmem:s2+$0x8580] =	vst v10  }
0x129: {  	v10 =	vld.idx.msk [tilespmem:v22+s5+$0x0], $0xffff;
	[tilespmem:s2+$0x8500] =	vst v11  }
0x12a: {  	[tilespmem:s0+$0x8920] =	vst v12;
	v11 =	vld.idx.msk [tilespmem:v14+s5+$0x0], $0xffff  }
0x12b: {  	v12 =	vld.idx.msk [tilespmem:v5+s5+$0x0], $0xffff  }
0x12c: {  	v17 =	vld.idx.msk [tilespmem:v17+s5+$0x0], $0xffff  }
0x12d: {  	v7 =	vld [tilespmem:s2+$0x910]  }
0x12e: {  	[tilespmem:s2+$0x8590] =	vst v10;
	v10 =	vld [tilespmem:s2+$0x5B0]  }
0x12f: {  	s19 =	sor.u32 $0xC10, s21;
	v13 =	vld.idx.msk [tilespmem:v13+s5+$0x0], $0xffff;
	[tilespmem:s2+$0x8510] =	vst v11  }
0x130: {  	v11 =	vld [tilespmem:s19+$0x100];
	[tilespmem:s0+$0x8930] =	vst v12  }
0x131: {  	s18 =	sor.u32 $0xC20, s1;
	[tilespmem:s17+$0x8100] =	vst v17;
	v8 =	vld.idx.msk [tilespmem:v8+s5+$0x0], $0xffff  }
0x132: {  	v14 =	vld [tilespmem:s18+$0x100]  }
0x133: {  	v4 =	vld [tilespmem:s2+$0x930]  }
0x134: {  	v12 =	vld [tilespmem:s2+$0x5C0]  }
0x135: {  	v15 =	vld.idx.msk [tilespmem:v15+s5+$0x0], $0xffff  }
0x136: {  	v5 =	vld [tilespmem:s2+$0x940];
	[tilespmem:s2+$0x85A0] =	vst v13  }
0x137: {  	[tilespmem:s0+$0x8940] =	vst v8;
	v10 =	vld.idx.msk [tilespmem:v10+s5+$0x0], $0xffff  }
0x138: {  	v9 =	vld.idx.msk [tilespmem:v9+s5+$0x0], $0xffff  }
0x139: {  	v8 =	vld.idx.msk [tilespmem:v11+s5+$0x0], $0xffff  }
0x13a: {  	[tilespmem:s2+$0x8520] =	vst v15;
	v13 =	vld.idx.msk [tilespmem:v14+s5+$0x0], $0xffff  }
0x13b: {  	v14 =	vld.idx.msk [tilespmem:v47+s5+$0x0], $0xffff  }
0x13c: {  	v11 =	vld [tilespmem:s2+$0x5D0];
	[tilespmem:s2+$0x85B0] =	vst v10  }
0x13d: {  	[tilespmem:s0+$0x8950] =	vst v9;
	v12 =	vld.idx.msk [tilespmem:v12+s5+$0x0], $0xffff  }
0x13e: {  	s7 =	sor.u32 $0xC20, s21;
	[tilespmem:s19+$0x8100] =	vst v8;
	v3 =	vld.idx.msk [tilespmem:v3+s5+$0x0], $0xffff  }
0x13f: {  	s20 =	sor.u32 $0xC30, s1;
	v9 =	vld [tilespmem:s7+$0x100];
	[tilespmem:s18+$0x8100] =	vst v13  }
0x140: {  	[tilespmem:s2+$0x8530] =	vst v14;
	v10 =	vld [tilespmem:s20+$0x100]  }
0x141: {  	v13 =	vld.idx.msk [tilespmem:v48+s5+$0x0], $0xffff  }
0x142: {  	v15 =	vld [tilespmem:s2+$0x960]  }
0x143: {  	v14 =	vld [tilespmem:s2+$0x5E0]  }
0x144: {  	v8 =	vld [tilespmem:s2+$0x950];
	[tilespmem:s2+$0x85C0] =	vst v12  }
0x145: {  	[tilespmem:s0+$0x8960] =	vst v3;
	v11 =	vld.idx.msk [tilespmem:v11+s5+$0x0], $0xffff  }
0x146: {  	v1 =	vld.idx.msk [tilespmem:v1+s5+$0x0], $0xffff;
	[tilespmem:s2+$0x8540] =	vst v13  }
0x147: {  	v3 =	vld.idx.msk [tilespmem:v20+s5+$0x0], $0xffff  }
0x148: {  	v9 =	vld.idx.msk [tilespmem:v9+s5+$0x0], $0xffff  }
0x149: {  	v10 =	vld.idx.msk [tilespmem:v10+s5+$0x0], $0xffff  }
0x14a: {  	[tilespmem:s2+$0x85D0] =	vst v11;
	v11 =	vld [tilespmem:s2+$0x5F0]  }
0x14b: {  	s23 =	sor.u32 $0xC00, s30;
	[tilespmem:s0+$0x8970] =	vst v1;
	v12 =	vld.idx.msk [tilespmem:v14+s5+$0x0], $0xffff  }
0x14c: {  	v1 =	vld [tilespmem:s23+$0x100];
	[tilespmem:s2+$0x8550] =	vst v3  }
0x14d: {  	[tilespmem:s7+$0x8100] =	vst v9;
	v9 =	vld [tilespmem:s2+$0x980]  }
0x14e: {  	s24 =	sor.u32 $0xC30, s21;
	s25 =	simm.s32 $0x300;
	s29 =	simm.s32 $0xC00;
	v3 =	vld.idx.msk [tilespmem:v16+s5+$0x0], $0xffff  }
0x14f: {  	s0 =	sand.u32 $0x300, s25;
	s7 =	sand.u32 $0x3000, s29;
	v13 =	vld [tilespmem:s24+$0x100]  }
0x150: {  	v16 =	vld [tilespmem:s2+$0x970];
	s0 =	sor.u32 s0, s7  }
0x151: {  	v49 =	vld [tilespmem:s0+$0x120]  }
0x152: {  	v50 =	vld [tilespmem:s0+$0x190]  }
0x153: {  	v51 =	vld [tilespmem:s0+$0x130]  }
0x154: {  	v52 =	vld [tilespmem:s0+$0x150]  }
0x155: {  	v53 =	vld [tilespmem:s0+$0x1B0]  }
0x156: {  	v54 =	vld [tilespmem:s0+$0x160]  }
0x157: {  	v55 =	vld [tilespmem:s0+$0x170]  }
0x158: {  	v57 =	vld [tilespmem:s0+$0x1D0]  }
0x159: {  	v24 =	vld [tilespmem:s0+$0x510]  }
0x15a: {  	v25 =	vld [tilespmem:s0+$0x520]  }
0x15b: {  	v58 =	vld [tilespmem:s0+$0x530]  }
0x15c: {  	v59 =	vld [tilespmem:s0+$0x540]  }
0x15d: {  	v60 =	vld [tilespmem:s0+$0x550]  }
0x15e: {  	v61 =	vld [tilespmem:s0+$0x560]  }
0x15f: {  	v26 =	vld [tilespmem:s0+$0x570]  }
0x160: {  	v27 =	vld [tilespmem:s0+$0x590]  }
0x161: {  	s22 =	sor.u32 $0xC40, s1;
	[tilespmem:s20+$0x8100] =	vst v10;
	v39 =	vld [tilespmem:s0+$0x9F0]  }
0x162: {  	v10 =	vld [tilespmem:s22+$0x100];
	[tilespmem:s2+$0x85E0] =	vst v12  }
0x163: {  	v12 =	vld.idx.msk [tilespmem:v11+s5+$0x0], $0xffff  }
0x164: {  	v11 =	vld.idx.msk [tilespmem:v1+s5+$0x0], $0xffff  }
0x165: {  	[tilespmem:s2+$0x8560] =	vst v3;
	v1 =	vld [tilespmem:s2+$0x990]  }
0x166: {  	v14 =	vld.idx.msk [tilespmem:v21+s5+$0x0], $0xffff  }
0x167: {  	v17 =	vld.idx.msk [tilespmem:v13+s5+$0x0], $0xffff  }
0x168: {  	v13 =	vld [tilespmem:s0+$0x110]  }
0x169: {  	[tilespmem:s2+$0x85F0] =	vst v12;
	v12 =	vld [tilespmem:s0+$0x100]  }
0x16a: {  	v3 =	vld.idx.msk [tilespmem:v10+s5+$0x0], $0xffff  }
0x16b: {  	v9 =	vld.idx.msk [tilespmem:v9+s5+$0x0], $0xffff  }
0x16c: {  	v10 =	vld [tilespmem:s0+$0x180];
	[tilespmem:s23+$0x8100] =	vst v11  }
0x16d: {  	v11 =	vld [tilespmem:s0+$0x970];
	[tilespmem:s2+$0x8570] =	vst v14  }
0x16e: {  	v14 =	vld.idx.msk [tilespmem:v2+s5+$0x0], $0xffff  }
0x16f: {  	s7 =	sor.u32 $0xC50, s1;
	v2 =	vld [tilespmem:s0+$0x920];
	[tilespmem:s22+$0x8100] =	vst v3  }
0x170: {  	s13 =	sor.u32 $0xC40, s21;
	[tilespmem:s24+$0x8100] =	vst v17;
	v3 =	vld [tilespmem:s7+$0x100]  }
0x171: {  	v17 =	vld [tilespmem:s13+$0x100]  }
0x172: {  	[tilespmem:s2+$0x8980] =	vst v9;
	v9 =	vld [tilespmem:s2+$0x9A0]  }
0x173: {  	v1 =	vld.idx.msk [tilespmem:v1+s5+$0x0], $0xffff  }
0x174: {  	v12 =	vld.idx.msk [tilespmem:v12+s5+$0x0], $0xffff  }
0x175: {  	[tilespmem:s2+$0x8900] =	vst v14;
	v14 =	vld [tilespmem:s0+$0x930]  }
0x176: {  	v10 =	vld.idx.msk [tilespmem:v10+s5+$0x0], $0xffff  }
0x177: {  	v7 =	vld.idx.msk [tilespmem:v7+s5+$0x0], $0xffff  }
0x178: {  	v3 =	vld.idx.msk [tilespmem:v3+s5+$0x0], $0xffff  }
0x179: {  	[tilespmem:s2+$0x8990] =	vst v1;
	v1 =	vld [tilespmem:s2+$0x9B0]  }
0x17a: {  	[tilespmem:s0+$0x8100] =	vst v12;
	v9 =	vld.idx.msk [tilespmem:v9+s5+$0x0], $0xffff  }
0x17b: {  	[tilespmem:s0+$0x8180] =	vst v10;
	v10 =	vld [tilespmem:s0+$0x1A0]  }
0x17c: {  	v12 =	vld.idx.msk [tilespmem:v13+s5+$0x0], $0xffff  }
0x17d: {  	s8 =	sor.u32 $0xC60, s1;
	v19 =	vld.idx.msk [tilespmem:v50+s5+$0x0], $0xffff;
	[tilespmem:s7+$0x8100] =	vst v3  }
0x17e: {  	v3 =	vld [tilespmem:s8+$0x100]  }
0x17f: {  	v13 =	vld [tilespmem:s0+$0x140]  }
0x180: {  	[tilespmem:s2+$0x8910] =	vst v7;
	v7 =	vld [tilespmem:s0+$0x5A0]  }
0x181: {  	v6 =	vld.idx.msk [tilespmem:v6+s5+$0x0], $0xffff;
	[tilespmem:s2+$0x89A0] =	vst v9  }
0x182: {  	v9 =	vld [tilespmem:s2+$0x9C0];
	[tilespmem:s0+$0x8190] =	vst v19  }
0x183: {  	v10 =	vld.idx.msk [tilespmem:v10+s5+$0x0], $0xffff  }
0x184: {  	[tilespmem:s0+$0x8110] =	vst v12;
	v1 =	vld.idx.msk [tilespmem:v1+s5+$0x0], $0xffff  }
0x185: {  	v12 =	vld.idx.msk [tilespmem:v49+s5+$0x0], $0xffff  }
0x186: {  	[tilespmem:s2+$0x8920] =	vst v6;
	v3 =	vld.idx.msk [tilespmem:v3+s5+$0x0], $0xffff  }
0x187: {  	v4 =	vld.idx.msk [tilespmem:v4+s5+$0x0], $0xffff  }
0x188: {  	[tilespmem:s0+$0x81A0] =	vst v10;
	v10 =	vld [tilespmem:s0+$0x1C0]  }
0x189: {  	[tilespmem:s2+$0x89B0] =	vst v1;
	v1 =	vld [tilespmem:s2+$0x9D0]  }
0x18a: {  	[tilespmem:s0+$0x8120] =	vst v12;
	v19 =	vld.idx.msk [tilespmem:v53+s5+$0x0], $0xffff  }
0x18b: {  	v12 =	vld.idx.msk [tilespmem:v51+s5+$0x0], $0xffff;
	[tilespmem:s8+$0x8100] =	vst v3;
	s8 =	sor.u32 $0xC70, s1  }
0x18c: {  	v3 =	vld [tilespmem:s8+$0x100]  }
0x18d: {  	v9 =	vld.idx.msk [tilespmem:v9+s5+$0x0], $0xffff  }
0x18e: {  	v6 =	vld [tilespmem:s0+$0x5B0];
	[tilespmem:s2+$0x8930] =	vst v4  }
0x18f: {  	v5 =	vld.idx.msk [tilespmem:v5+s5+$0x0], $0xffff;
	[tilespmem:s0+$0x81B0] =	vst v19  }
0x190: {  	v23 =	vld.idx.msk [tilespmem:v10+s5+$0x0], $0xffff  }
0x191: {  	[tilespmem:s0+$0x8130] =	vst v12;
	v12 =	vld [tilespmem:s0+$0x1E0]  }
0x192: {  	[tilespmem:s2+$0x89C0] =	vst v9;
	v9 =	vld [tilespmem:s2+$0x9E0]  }
0x193: {  	v1 =	vld.idx.msk [tilespmem:v1+s5+$0x0], $0xffff  }
0x194: {  	v10 =	vld.idx.msk [tilespmem:v3+s5+$0x0], $0xffff  }
0x195: {  	[tilespmem:s0+$0x81C0] =	vst v23;
	v3 =	vld.idx.msk [tilespmem:v13+s5+$0x0], $0xffff  }
0x196: {  	[tilespmem:s2+$0x8940] =	vst v5;
	v13 =	vld.idx.msk [tilespmem:v57+s5+$0x0], $0xffff  }
0x197: {  	v5 =	vld.idx.msk [tilespmem:v8+s5+$0x0], $0xffff  }
0x198: {  	v8 =	vld.idx.msk [tilespmem:v17+s5+$0x0], $0xffff  }
0x199: {  	v17 =	vld [tilespmem:s0+$0x5D0];
	[tilespmem:s2+$0x89D0] =	vst v1  }
0x19a: {  	v1 =	vld.idx.msk [tilespmem:v9+s5+$0x0], $0xffff;
	[tilespmem:s0+$0x8140] =	vst v3  }
0x19b: {  	[tilespmem:s0+$0x81D0] =	vst v13;
	v13 =	vld [tilespmem:s0+$0x1F0]  }
0x19c: {  	s9 =	simm.s32 $0x2;
	v3 =	vld.idx.msk [tilespmem:v52+s5+$0x0], $0xffff  }
0x19d: {  	s1 =	sand.u32 $0x3, s9;
	s9 =	sor.u32 $0xC10, s30;
	v12 =	vld.idx.msk [tilespmem:v12+s5+$0x0], $0xffff  }
0x19e: {  	v4 =	vld [tilespmem:s9+$0x100];
	[tilespmem:s2+$0x8950] =	vst v5  }
0x19f: {  	[tilespmem:s13+$0x8100] =	vst v8;
	v8 =	vld [tilespmem:s0+$0x5E0]  }
0x1a0: {  	v5 =	vld.idx.msk [tilespmem:v15+s5+$0x0], $0xffff;
	[tilespmem:s2+$0x89E0] =	vst v1  }
0x1a1: {  	v1 =	vld.idx.msk [tilespmem:v56+s5+$0x0], $0xffff;
	[tilespmem:s0+$0x8150] =	vst v3  }
0x1a2: {  	[tilespmem:s0+$0x81E0] =	vst v12;
	v12 =	vld [tilespmem:s0+$0x580]  }
0x1a3: {  	s17 =	sor.u32 $0xC50, s21;
	v18 =	vld.idx.msk [tilespmem:v54+s5+$0x0], $0xffff  }
0x1a4: {  	s1 =	sshll.u32 s1, $0x8;
	v15 =	vld [tilespmem:s17+$0x100]  }
0x1a5: {  	s1 =	sadd.s32 $0x800, s1;
	v13 =	vld.idx.msk [tilespmem:v13+s5+$0x0], $0xffff  }
0x1a6: {  	s3 =	sadd.s32 $0x80, s1;
	v4 =	vld.idx.msk [tilespmem:v4+s5+$0x0], $0xffff  }
0x1a7: {  	s10 =	sor.u32 $0xC00, s3;
	v9 =	vld [tilespmem:s0+$0x500];
	[tilespmem:s2+$0x89F0] =	vst v1  }
0x1a8: {  	v3 =	vld [tilespmem:s10+$0x100];
	[tilespmem:s0+$0x8160] =	vst v18  }
0x1a9: {  	[tilespmem:s2+$0x8960] =	vst v5;
	v20 =	vld.idx.msk [tilespmem:v55+s5+$0x0], $0xffff  }
0x1aa: {  	s23 =	simm.s32 $0x1000;
	s24 =	simm.s32 $0x400;
	v16 =	vld.idx.msk [tilespmem:v16+s5+$0x0], $0xffff;
	[tilespmem:s0+$0x81F0] =	vst v13  }
0x1ab: {  	s25 =	sand.u32 $0x3000, s23;
	[tilespmem:s9+$0x8100] =	vst v4;
	s9 =	sand.u32 $0x300, s24;
	v28 =	vld.idx.msk [tilespmem:v12+s5+$0x0], $0xffff  }
0x1ac: {  	v15 =	vld.idx.msk [tilespmem:v15+s5+$0x0], $0xffff;
	s22 =	sor.u32 s9, s25  }
0x1ad: {  	v30 =	vld [tilespmem:s22+$0x110]  }
0x1ae: {  	v31 =	vld [tilespmem:s22+$0x120];
	[tilespmem:s0+$0x8170] =	vst v20  }
0x1af: {  	v9 =	vld.idx.msk [tilespmem:v9+s5+$0x0], $0xffff  }
0x1b0: {  	v62 =	vld.idx.msk [tilespmem:v3+s5+$0x0], $0xffff;
	[tilespmem:s0+$0x8580] =	vst v28  }
0x1b1: {  	v63 =	vld.idx.msk [tilespmem:v27+s5+$0x0], $0xffff  }
0x1b2: {  	v32 =	vld [tilespmem:s22+$0x190]  }
0x1b3: {  	v33 =	vld [tilespmem:s22+$0x130]  }
0x1b4: {  	v34 =	vld [tilespmem:s22+$0x140];
	[tilespmem:s0+$0x8500] =	vst v9  }
0x1b5: {  	s11 =	sor.u32 $0xC10, s3;
	[tilespmem:s10+$0x8100] =	vst v62;
	v24 =	vld.idx.msk [tilespmem:v24+s5+$0x0], $0xffff  }
0x1b6: {  	v18 =	vld [tilespmem:s11+$0x100];
	[tilespmem:s0+$0x8590] =	vst v63  }
0x1b7: {  	v7 =	vld.idx.msk [tilespmem:v7+s5+$0x0], $0xffff  }
0x1b8: {  	v35 =	vld [tilespmem:s22+$0x150]  }
0x1b9: {  	v36 =	vld [tilespmem:s22+$0x1B0]  }
0x1ba: {  	v37 =	vld [tilespmem:s22+$0x160];
	[tilespmem:s0+$0x8510] =	vst v24  }
0x1bb: {  	v27 =	vld.idx.msk [tilespmem:v25+s5+$0x0], $0xffff  }
0x1bc: {  	[tilespmem:s0+$0x85A0] =	vst v7;
	v7 =	vld [tilespmem:s0+$0x5C0]  }
0x1bd: {  	v38 =	vld [tilespmem:s22+$0x170]  }
0x1be: {  	v6 =	vld.idx.msk [tilespmem:v6+s5+$0x0], $0xffff  }
0x1bf: {  	v18 =	vld.idx.msk [tilespmem:v18+s5+$0x0], $0xffff  }
0x1c0: {  	v40 =	vld [tilespmem:s22+$0x1D0]  }
0x1c1: {  	v41 =	vld [tilespmem:s22+$0x510];
	[tilespmem:s0+$0x8520] =	vst v27  }
0x1c2: {  	s10 =	sor.u32 $0xC20, s30;
	v19 =	vld.idx.msk [tilespmem:v58+s5+$0x0], $0xffff  }
0x1c3: {  	v4 =	vld [tilespmem:s10+$0x100];
	[tilespmem:s0+$0x85B0] =	vst v6  }
0x1c4: {  	s12 =	sor.u32 $0xC20, s3;
	[tilespmem:s11+$0x8100] =	vst v18;
	v7 =	vld.idx.msk [tilespmem:v7+s5+$0x0], $0xffff  }
0x1c5: {  	v18 =	vld [tilespmem:s12+$0x100]  }
0x1c6: {  	v42 =	vld [tilespmem:s22+$0x520]  }
0x1c7: {  	v44 =	vld [tilespmem:s22+$0x530];
	[tilespmem:s0+$0x8530] =	vst v19  }
0x1c8: {  	v28 =	vld.idx.msk [tilespmem:v59+s5+$0x0], $0xffff  }
0x1c9: {  	v45 =	vld [tilespmem:s22+$0x540];
	[tilespmem:s0+$0x85C0] =	vst v7  }
0x1ca: {  	v7 =	vld.idx.msk [tilespmem:v17+s5+$0x0], $0xffff  }
0x1cb: {  	v46 =	vld [tilespmem:s22+$0x550]  }
0x1cc: {  	v4 =	vld.idx.msk [tilespmem:v4+s5+$0x0], $0xffff  }
0x1cd: {  	v18 =	vld.idx.msk [tilespmem:v18+s5+$0x0], $0xffff;
	[tilespmem:s0+$0x8540] =	vst v28  }
0x1ce: {  	v5 =	vld.idx.msk [tilespmem:v60+s5+$0x0], $0xffff  }
0x1cf: {  	[tilespmem:s0+$0x85D0] =	vst v7;
	v7 =	vld [tilespmem:s0+$0x5F0]  }
0x1d0: {  	v47 =	vld [tilespmem:s22+$0x1F0]  }
0x1d1: {  	[tilespmem:s2+$0x8970] =	vst v16;
	v8 =	vld.idx.msk [tilespmem:v8+s5+$0x0], $0xffff  }
0x1d2: {  	s19 =	sor.u32 $0xC00, s1;
	v49 =	vld [tilespmem:s22+$0x560];
	[tilespmem:s10+$0x8100] =	vst v4  }
0x1d3: {  	[tilespmem:s0+$0x8550] =	vst v5;
	v5 =	vld [tilespmem:s19+$0x100]  }
0x1d4: {  	s16 =	sor.u32 $0xC30, s3;
	v4 =	vld [tilespmem:s0+$0x980];
	[tilespmem:s12+$0x8100] =	vst v18  }
0x1d5: {  	v6 =	vld [tilespmem:s16+$0x100]  }
0x1d6: {  	v17 =	vld.idx.msk [tilespmem:v61+s5+$0x0], $0xffff;
	[tilespmem:s0+$0x85E0] =	vst v8  }
0x1d7: {  	v7 =	vld.idx.msk [tilespmem:v7+s5+$0x0], $0xffff  }
0x1d8: {  	[tilespmem:s17+$0x8100] =	vst v15;
	v15 =	vld [tilespmem:s22+$0x100]  }
0x1d9: {  	v50 =	vld [tilespmem:s22+$0x570]  }
0x1da: {  	v51 =	vld [tilespmem:s22+$0x580]  }
0x1db: {  	[tilespmem:s0+$0x8560] =	vst v17;
	v17 =	vld.idx.msk [tilespmem:v5+s5+$0x0], $0xffff  }
0x1dc: {  	v5 =	vld [tilespmem:s0+$0x990];
	[tilespmem:s0+$0x85F0] =	vst v7  }
0x1dd: {  	v4 =	vld.idx.msk [tilespmem:v4+s5+$0x0], $0xffff  }
0x1de: {  	v52 =	vld [tilespmem:s22+$0x590]  }
0x1df: {  	v6 =	vld.idx.msk [tilespmem:v6+s5+$0x0], $0xffff  }
0x1e0: {  	v15 =	vld.idx.msk [tilespmem:v15+s5+$0x0], $0xffff  }
0x1e1: {  	v56 =	vld [tilespmem:s22+$0x5B0]  }
0x1e2: {  	[tilespmem:s0+$0x8980] =	vst v4;
	v4 =	vld [tilespmem:s0+$0x9A0]  }
0x1e3: {  	v7 =	vld [tilespmem:s22+$0x180]  }
0x1e4: {  	s18 =	sor.u32 $0xC40, s3;
	[tilespmem:s16+$0x8100] =	vst v6;
	v5 =	vld.idx.msk [tilespmem:v5+s5+$0x0], $0xffff  }
0x1e5: {  	[tilespmem:s22+$0x8100] =	vst v15;
	v6 =	vld [tilespmem:s18+$0x100]  }
0x1e6: {  	v15 =	vld.idx.msk [tilespmem:v30+s5+$0x0], $0xffff  }
0x1e7: {  	v1 =	vld [tilespmem:s0+$0x900];
	s2 =	sor.u32 $0xC60, s21  }
0x1e8: {  	v16 =	vld [tilespmem:s2+$0x100]  }
0x1e9: {  	[tilespmem:s0+$0x8990] =	vst v5;
	v5 =	vld [tilespmem:s0+$0x9B0]  }
0x1ea: {  	v4 =	vld.idx.msk [tilespmem:v4+s5+$0x0], $0xffff  }
0x1eb: {  	[tilespmem:s22+$0x8110] =	vst v15;
	v7 =	vld.idx.msk [tilespmem:v7+s5+$0x0], $0xffff  }
0x1ec: {  	v15 =	vld.idx.msk [tilespmem:v31+s5+$0x0], $0xffff  }
0x1ed: {  	s20 =	sor.u32 $0xC30, s30;
	v6 =	vld.idx.msk [tilespmem:v6+s5+$0x0], $0xffff  }
0x1ee: {  	v29 =	vld [tilespmem:s20+$0x100]  }
0x1ef: {  	[tilespmem:s0+$0x89A0] =	vst v4;
	v4 =	vld [tilespmem:s0+$0x9C0]  }
0x1f0: {  	[tilespmem:s22+$0x8180] =	vst v7;
	v7 =	vld [tilespmem:s22+$0x1A0]  }
0x1f1: {  	v5 =	vld.idx.msk [tilespmem:v5+s5+$0x0], $0xffff  }
0x1f2: {  	s29 =	sor.u32 $0xC50, s3;
	[tilespmem:s18+$0x8100] =	vst v6;
	v21 =	vld.idx.msk [tilespmem:v32+s5+$0x0], $0xffff  }
0x1f3: {  	v6 =	vld [tilespmem:s29+$0x100]  }
0x1f4: {  	v3 =	vld [tilespmem:s0+$0x910];
	[tilespmem:s22+$0x8120] =	vst v15  }
0x1f5: {  	v22 =	vld.idx.msk [tilespmem:v33+s5+$0x0], $0xffff  }
0x1f6: {  	[tilespmem:s0+$0x89B0] =	vst v5;
	v5 =	vld [tilespmem:s0+$0x9D0]  }
0x1f7: {  	[tilespmem:s22+$0x8190] =	vst v21;
	v4 =	vld.idx.msk [tilespmem:v4+s5+$0x0], $0xffff  }
0x1f8: {  	v7 =	vld.idx.msk [tilespmem:v7+s5+$0x0], $0xffff  }
0x1f9: {  	v8 =	vld.idx.msk [tilespmem:v26+s5+$0x0], $0xffff  }
0x1fa: {  	v18 =	vld.idx.msk [tilespmem:v29+s5+$0x0], $0xffff  }
0x1fb: {  	v6 =	vld.idx.msk [tilespmem:v6+s5+$0x0], $0xffff  }
0x1fc: {  	[tilespmem:s0+$0x89C0] =	vst v4;
	v4 =	vld [tilespmem:s0+$0x9E0]  }
0x1fd: {  	[tilespmem:s22+$0x81A0] =	vst v7;
	v7 =	vld [tilespmem:s22+$0x1C0]  }
0x1fe: {  	[tilespmem:s0+$0x8570] =	vst v8;
	v5 =	vld.idx.msk [tilespmem:v5+s5+$0x0], $0xffff  }
0x1ff: {  	v29 =	vld.idx.msk [tilespmem:v1+s5+$0x0], $0xffff  }
0x200: {  	s9 =	sor.u32 $0xC60, s3;
	[tilespmem:s29+$0x8100] =	vst v6;
	v21 =	vld.idx.msk [tilespmem:v36+s5+$0x0], $0xffff  }
0x201: {  	v6 =	vld [tilespmem:s9+$0x100]  }
0x202: {  	v54 =	vld [tilespmem:s22+$0x5A0]  }
0x203: {  	v13 =	vld [tilespmem:s0+$0x940];
	[tilespmem:s0+$0x89D0] =	vst v5  }
0x204: {  	[tilespmem:s0+$0x8900] =	vst v29;
	v4 =	vld.idx.msk [tilespmem:v4+s5+$0x0], $0xffff  }
0x205: {  	v3 =	vld.idx.msk [tilespmem:v3+s5+$0x0], $0xffff;
	[tilespmem:s22+$0x81B0] =	vst v21  }
0x206: {  	[tilespmem:s22+$0x8130] =	vst v22;
	v7 =	vld.idx.msk [tilespmem:v7+s5+$0x0], $0xffff  }
0x207: {  	v5 =	vld.idx.msk [tilespmem:v34+s5+$0x0], $0xffff  }
0x208: {  	v16 =	vld.idx.msk [tilespmem:v16+s5+$0x0], $0xffff  }
0x209: {  	v6 =	vld.idx.msk [tilespmem:v6+s5+$0x0], $0xffff;
	[tilespmem:s0+$0x89E0] =	vst v4  }
0x20a: {  	s28 =	simm.s32 $0x3;
	[tilespmem:s0+$0x8910] =	vst v3;
	v4 =	vld.idx.msk [tilespmem:v39+s5+$0x0], $0xffff  }
0x20b: {  	s10 =	sand.u32 $0x3, s28;
	v2 =	vld.idx.msk [tilespmem:v2+s5+$0x0], $0xffff;
	[tilespmem:s22+$0x81C0] =	vst v7  }
0x20c: {  	s6 =	sor.u32 $0xC70, s3;
	s3 =	sshll.u32 s10, $0x8;
	v7 =	vld [tilespmem:s22+$0x1E0];
	[tilespmem:s22+$0x8140] =	vst v5  }
0x20d: {  	s12 =	sadd.s32 $0xC00, s3;
	v5 =	vld.idx.msk [tilespmem:v35+s5+$0x0], $0xffff  }
0x20e: {  	s24 =	sadd.s32 $0x80, s12;
	[tilespmem:s9+$0x8100] =	vst v6;
	v43 =	vld.idx.msk [tilespmem:v40+s5+$0x0], $0xffff  }
0x20f: {  	s11 =	sor.u32 $0xC00, s24;
	v6 =	vld [tilespmem:s6+$0x100];
	[tilespmem:s0+$0x89F0] =	vst v4  }
0x210: {  	v4 =	vld [tilespmem:s11+$0x100]  }
0x211: {  	v12 =	vld [tilespmem:s0+$0x950]  }
0x212: {  	v9 =	vld [tilespmem:s0+$0x960];
	[tilespmem:s22+$0x8150] =	vst v5  }
0x213: {  	v5 =	vld.idx.msk [tilespmem:v37+s5+$0x0], $0xffff  }
0x214: {  	v58 =	vld [tilespmem:s22+$0x5C0];
	[tilespmem:s22+$0x81D0] =	vst v43  }
0x215: {  	[tilespmem:s0+$0x8920] =	vst v2;
	v48 =	vld.idx.msk [tilespmem:v7+s5+$0x0], $0xffff  }
0x216: {  	v14 =	vld.idx.msk [tilespmem:v14+s5+$0x0], $0xffff  }
0x217: {  	v15 =	vld.idx.msk [tilespmem:v6+s5+$0x0], $0xffff  }
0x218: {  	[tilespmem:s22+$0x8160] =	vst v5;
	v4 =	vld.idx.msk [tilespmem:v4+s5+$0x0], $0xffff  }
0x219: {  	v5 =	vld.idx.msk [tilespmem:v38+s5+$0x0], $0xffff  }
0x21a: {  	v6 =	vld [tilespmem:s22+$0x500];
	[tilespmem:s22+$0x81E0] =	vst v48  }
0x21b: {  	[tilespmem:s2+$0x8100] =	vst v16;
	v27 =	vld.idx.msk [tilespmem:v47+s5+$0x0], $0xffff  }
0x21c: {  	s25 =	sor.u32 $0xC70, s21;
	v59 =	vld [tilespmem:s22+$0x5D0];
	[tilespmem:s0+$0x8930] =	vst v14  }
0x21d: {  	s13 =	sor.u32 $0xC10, s24;
	v61 =	vld [tilespmem:s25+$0x100];
	[tilespmem:s11+$0x8100] =	vst v4  }
0x21e: {  	[tilespmem:s22+$0x8170] =	vst v5;
	v5 =	vld [tilespmem:s13+$0x100]  }
0x21f: {  	v13 =	vld.idx.msk [tilespmem:v13+s5+$0x0], $0xffff  }
0x220: {  	v8 =	vld [tilespmem:s22+$0x910];
	[tilespmem:s22+$0x81F0] =	vst v27  }
0x221: {  	s17 =	sor.u32 $0xC10, s1;
	[tilespmem:s19+$0x8100] =	vst v17;
	v27 =	vld.idx.msk [tilespmem:v51+s5+$0x0], $0xffff  }
0x222: {  	v14 =	vld [tilespmem:s17+$0x100]  }
0x223: {  	v53 =	vld.idx.msk [tilespmem:v6+s5+$0x0], $0xffff  }
0x224: {  	v1 =	vld [tilespmem:s22+$0x920];
	[tilespmem:s0+$0x8940] =	vst v13  }
0x225: {  	v12 =	vld.idx.msk [tilespmem:v12+s5+$0x0], $0xffff  }
0x226: {  	[tilespmem:s22+$0x8580] =	vst v27;
	v55 =	vld.idx.msk [tilespmem:v5+s5+$0x0], $0xffff  }
0x227: {  	[tilespmem:s20+$0x8100] =	vst v18;
	s18 =	sor.u32 $0xC40, s30;
	v24 =	vld.idx.msk [tilespmem:v52+s5+$0x0], $0xffff  }
0x228: {  	v18 =	vld [tilespmem:s18+$0x100];
	[tilespmem:s22+$0x8500] =	vst v53  }
0x229: {  	v22 =	vld.idx.msk [tilespmem:v41+s5+$0x0], $0xffff  }
0x22a: {  	v14 =	vld.idx.msk [tilespmem:v14+s5+$0x0], $0xffff;
	[tilespmem:s0+$0x8950] =	vst v12  }
0x22b: {  	s16 =	sor.u32 $0xC20, s24;
	v9 =	vld.idx.msk [tilespmem:v9+s5+$0x0], $0xffff;
	[tilespmem:s13+$0x8100] =	vst v55  }
0x22c: {  	[tilespmem:s22+$0x8590] =	vst v24;
	v57 =	vld [tilespmem:s16+$0x100]  }
0x22d: {  	v27 =	vld.idx.msk [tilespmem:v54+s5+$0x0], $0xffff  }
0x22e: {  	v3 =	vld [tilespmem:s22+$0x950];
	[tilespmem:s22+$0x8510] =	vst v22  }
0x22f: {  	s20 =	sor.u32 $0xC20, s1;
	[tilespmem:s17+$0x8100] =	vst v14;
	v17 =	vld.idx.msk [tilespmem:v42+s5+$0x0], $0xffff  }
0x230: {  	v12 =	vld [tilespmem:s20+$0x100]  }
0x231: {  	v2 =	vld [tilespmem:s22+$0x970];
	[tilespmem:s0+$0x8960] =	vst v9  }
0x232: {  	v11 =	vld.idx.msk [tilespmem:v11+s5+$0x0], $0xffff;
	[tilespmem:s22+$0x85A0] =	vst v27  }
0x233: {  	v24 =	vld.idx.msk [tilespmem:v56+s5+$0x0], $0xffff  }
0x234: {  	[tilespmem:s22+$0x8520] =	vst v17;
	v17 =	vld.idx.msk [tilespmem:v57+s5+$0x0], $0xffff  }
0x235: {  	v18 =	vld.idx.msk [tilespmem:v18+s5+$0x0], $0xffff  }
0x236: {  	v13 =	vld.idx.msk [tilespmem:v44+s5+$0x0], $0xffff  }
0x237: {  	v7 =	vld [tilespmem:s22+$0x900];
	[tilespmem:s0+$0x8970] =	vst v11  }
0x238: {  	v12 =	vld.idx.msk [tilespmem:v12+s5+$0x0], $0xffff;
	[tilespmem:s22+$0x85B0] =	vst v24  }
0x239: {  	s4 =	sor.u32 $0xC00, s12;
	[tilespmem:s16+$0x8100] =	vst v17;
	v17 =	vld.idx.msk [tilespmem:v58+s5+$0x0], $0xffff  }
0x23a: {  	s19 =	sor.u32 $0xC30, s24;
	v63 =	vld [tilespmem:s4+$0x100]  }
0x23b: {  	[tilespmem:s22+$0x8530] =	vst v13;
	v13 =	vld [tilespmem:s19+$0x100]  }
0x23c: {  	[tilespmem:s18+$0x8100] =	vst v18;
	s11 =	sor.u32 $0xC50, s30;
	v60 =	vld.idx.msk [tilespmem:v45+s5+$0x0], $0xffff  }
0x23d: {  	v14 =	vld [tilespmem:s11+$0x100]  }
0x23e: {  	[tilespmem:s22+$0x85C0] =	vst v17;
	v17 =	vld [tilespmem:s22+$0x5E0]  }
0x23f: {  	s7 =	sor.u32 $0xC30, s1;
	[tilespmem:s20+$0x8100] =	vst v12;
	v16 =	vld.idx.msk [tilespmem:v59+s5+$0x0], $0xffff  }
0x240: {  	v11 =	vld [tilespmem:s7+$0x100]  }
0x241: {  	v6 =	vld [tilespmem:s22+$0x930];
	[tilespmem:s22+$0x8540] =	vst v60  }
0x242: {  	v9 =	vld.idx.msk [tilespmem:v46+s5+$0x0], $0xffff  }
0x243: {  	v13 =	vld.idx.msk [tilespmem:v13+s5+$0x0], $0xffff  }
0x244: {  	[tilespmem:s22+$0x85D0] =	vst v16;
	v16 =	vld [tilespmem:s22+$0x5F0]  }
0x245: {  	v14 =	vld.idx.msk [tilespmem:v14+s5+$0x0], $0xffff  }
0x246: {  	v17 =	vld.idx.msk [tilespmem:v17+s5+$0x0], $0xffff  }
0x247: {  	v4 =	vld [tilespmem:s22+$0x940]  }
0x248: {  	v5 =	vld [tilespmem:s22+$0x960];
	[tilespmem:s22+$0x8550] =	vst v9  }
0x249: {  	s13 =	sor.u32 $0xC40, s24;
	v20 =	vld.idx.msk [tilespmem:v49+s5+$0x0], $0xffff;
	[tilespmem:s19+$0x8100] =	vst v13  }
0x24a: {  	[tilespmem:s11+$0x8100] =	vst v14;
	v62 =	vld [tilespmem:s13+$0x100]  }
0x24b: {  	v13 =	vld [tilespmem:s22+$0x980];
	[tilespmem:s22+$0x85E0] =	vst v17  }
0x24c: {  	s21 =	sshrl.u32 s15, $0x3;
	s29 =	sshll.u32 s15, $0x1;
	v16 =	vld.idx.msk [tilespmem:v16+s5+$0x0], $0xffff;
	[dreg:$0x9] =	wrdreg s15  }
0x24d: {  	s0 =	sadd.s32 s14, s21;
	[dreg:$0xa] =	wrdreg s29  }
0x24e: {  	s31 =	sor.u32 $0xC60, s30;
	[dreg:$0xd] =	wrdreg s0  }
0x24f: {  	v9 =	vld [tilespmem:s31+$0x100]  }
0x250: {  	s2 =	sor.u32 $0xC60, s1;
	s3 =	sor.u32 $0xC50, s1;
	s10 =	sor.u32 $0xC40, s12;
	[tilespmem:s26+$0x8100] =	vst v0;
	v0 =	vld.idx.msk [tilespmem:v61+s5+$0x0], $0xffff  }
0x251: {  	s18 =	sor.u32 $0xC20, s12;
	s9 =	sor.u32 $0xC40, s1;
	s17 =	simm.s32 $0x1400;
	[tilespmem:s8+$0x8100] =	vst v10;
	v10 =	vld.idx.msk [tilespmem:v63+s5+$0x0], $0xffff  }
0x252: {  	s14 =	simm.s32 $0x500;
	s11 =	simm.s32 $0x8;
	s19 =	sor.u32 $0xC10, s12;
	[tilespmem:s22+$0x8560] =	vst v20;
	v12 =	vld.idx.msk [tilespmem:v62+s5+$0x0], $0xffff  }
0x253: {  	s0 =	sor.u32 $0xC60, s12;
	s26 =	sor.u32 $0xC70, s30;
	s30 =	sor.u32 $0xC70, s1;
	[tilespmem:s6+$0x8100] =	vst v15;
	v14 =	vld.idx.msk [tilespmem:v50+s5+$0x0], $0xffff  }
0x254: {  	s1 =	sor.u32 $0xC30, s12;
	s8 =	sor.u32 $0xC50, s12;
	s12 =	sor.u32 $0xC70, s12;
	v15 =	vld [tilespmem:s22+$0x990];
	[tilespmem:s22+$0x85F0] =	vst v16  }
.LBB2_3:
0x255: {  	s6 =	sand.u32 $0x3000, s17;
	s15 =	sand.u32 $0x300, s14;
	v13 =	vld.idx.msk [tilespmem:v13+s5+$0x0], $0xffff  }
0x256: {  	s16 =	sor.u32 s15, s6;
	v11 =	vld.idx.msk [tilespmem:v11+s5+$0x0], $0xffff;
	[tilespmem:s25+$0x8100] =	vst v0;
	s25 =	smov.u32 s26;
	s26 =	smov.u32 s30  }
0x257: {  	s6 =	sor.u32 $0xC50, s24;
	s30 =	smov.u32 s12;
	v0 =	vld [tilespmem:s16+$0x180];
	[tilespmem:s13+$0x8100] =	vst v12  }
0x258: {  	[tilespmem:s22+$0x8570] =	vst v14;
	v12 =	vld [tilespmem:s6+$0x100]  }
0x259: {  	v14 =	vld [tilespmem:s16+$0x100];
	[tilespmem:s4+$0x8100] =	vst v10  }
0x25a: {  	v10 =	vld [tilespmem:s16+$0x110]  }
0x25b: {  	s11 =	sadd.s32 $0x2, s11;
	[tilespmem:s22+$0x8980] =	vst v13;
	v13 =	vld [tilespmem:s22+$0x9A0]  }
0x25c: {  	p1 =	slt.u32 s11, $0x1E;
	v15 =	vld.idx.msk [tilespmem:v15+s5+$0x0], $0xffff;
	[tilespmem:s7+$0x8100] =	vst v11;
	s7 =	smov.u32 s1  }
0x25d: {  	v11 =	vld [tilespmem:s16+$0x120]  }
0x25e: {  	v16 =	vld [tilespmem:s16+$0x190]  }
0x25f: {  	v0 =	vld.idx.msk [tilespmem:v0+s5+$0x0], $0xffff  }
0x260: {  	v12 =	vld.idx.msk [tilespmem:v12+s5+$0x0], $0xffff  }
0x261: {  	v14 =	vld.idx.msk [tilespmem:v14+s5+$0x0], $0xffff  }
0x262: {  	[tilespmem:s22+$0x8990] =	vst v15;
	v15 =	vld [tilespmem:s22+$0x9B0]  }
0x263: {  	v13 =	vld.idx.msk [tilespmem:v13+s5+$0x0], $0xffff  }
0x264: {  	v17 =	vld [tilespmem:s16+$0x130]  }
0x265: {  	[tilespmem:s16+$0x8180] =	vst v0;
	v0 =	vld [tilespmem:s16+$0x1A0]  }
0x266: {  	s1 =	sor.u32 $0xC60, s24;
	v16 =	vld.idx.msk [tilespmem:v16+s5+$0x0], $0xffff;
	[tilespmem:s6+$0x8100] =	vst v12  }
0x267: {  	[tilespmem:s16+$0x8100] =	vst v14;
	v12 =	vld [tilespmem:s1+$0x100]  }
0x268: {  	v10 =	vld.idx.msk [tilespmem:v10+s5+$0x0], $0xffff  }
0x269: {  	[tilespmem:s22+$0x89A0] =	vst v13;
	v13 =	vld [tilespmem:s22+$0x9C0]  }
0x26a: {  	v14 =	vld.idx.msk [tilespmem:v15+s5+$0x0], $0xffff  }
0x26b: {  	v15 =	vld [tilespmem:s16+$0x140]  }
0x26c: {  	v18 =	vld [tilespmem:s16+$0x150]  }
0x26d: {  	[tilespmem:s16+$0x8190] =	vst v16;
	v16 =	vld [tilespmem:s16+$0x1B0]  }
0x26e: {  	[tilespmem:s16+$0x8110] =	vst v10;
	v0 =	vld.idx.msk [tilespmem:v0+s5+$0x0], $0xffff  }
0x26f: {  	v10 =	vld.idx.msk [tilespmem:v12+s5+$0x0], $0xffff  }
0x270: {  	[tilespmem:s22+$0x89B0] =	vst v14;
	v12 =	vld [tilespmem:s22+$0x9D0]  }
0x271: {  	v13 =	vld.idx.msk [tilespmem:v13+s5+$0x0], $0xffff  }
0x272: {  	v11 =	vld.idx.msk [tilespmem:v11+s5+$0x0], $0xffff  }
0x273: {  	v14 =	vld [tilespmem:s16+$0x160]  }
0x274: {  	[tilespmem:s16+$0x81A0] =	vst v0;
	v0 =	vld [tilespmem:s16+$0x1C0]  }
0x275: {  	v16 =	vld.idx.msk [tilespmem:v16+s5+$0x0], $0xffff;
	[tilespmem:s1+$0x8100] =	vst v10;
	s1 =	sor.u32 $0xC70, s24  }
0x276: {  	v10 =	vld [tilespmem:s1+$0x100]  }
0x277: {  	[tilespmem:s22+$0x89C0] =	vst v13;
	v13 =	vld [tilespmem:s22+$0x9E0]  }
0x278: {  	[tilespmem:s16+$0x8120] =	vst v11;
	v11 =	vld.idx.msk [tilespmem:v12+s5+$0x0], $0xffff  }
0x279: {  	v12 =	vld.idx.msk [tilespmem:v17+s5+$0x0], $0xffff  }
0x27a: {  	v17 =	vld [tilespmem:s16+$0x170]  }
0x27b: {  	v19 =	vld [tilespmem:s22+$0x9F0]  }
0x27c: {  	[tilespmem:s16+$0x81B0] =	vst v16;
	v16 =	vld [tilespmem:s16+$0x1D0]  }
0x27d: {  	v0 =	vld.idx.msk [tilespmem:v0+s5+$0x0], $0xffff  }
0x27e: {  	[tilespmem:s22+$0x89D0] =	vst v11;
	v10 =	vld.idx.msk [tilespmem:v10+s5+$0x0], $0xffff  }
0x27f: {  	[tilespmem:s16+$0x8130] =	vst v12;
	v11 =	vld.idx.msk [tilespmem:v13+s5+$0x0], $0xffff  }
0x280: {  	v12 =	vld.idx.msk [tilespmem:v15+s5+$0x0], $0xffff  }
0x281: {  	v13 =	vld [tilespmem:s16+$0x500]  }
0x282: {  	v15 =	vld [tilespmem:s16+$0x510]  }
0x283: {  	v20 =	vld [tilespmem:s16+$0x520];
	[tilespmem:s16+$0x81C0] =	vst v0  }
0x284: {  	v21 =	vld [tilespmem:s16+$0x1E0];
	[tilespmem:s1+$0x8100] =	vst v10  }
0x285: {  	v10 =	vld.idx.msk [tilespmem:v16+s5+$0x0], $0xffff;
	[tilespmem:s22+$0x89E0] =	vst v11  }
0x286: {  	[tilespmem:s16+$0x8140] =	vst v12;
	v11 =	vld.idx.msk [tilespmem:v19+s5+$0x0], $0xffff  }
0x287: {  	s28 =	sadd.s32 $0x1, s28;
	v16 =	vld.idx.msk [tilespmem:v18+s5+$0x0], $0xffff  }
0x288: {  	s1 =	sand.u32 $0x3, s28;
	v18 =	vld [tilespmem:s16+$0x530]  }
0x289: {  	s1 =	sshll.u32 s1, $0x8;
	v12 =	vld [tilespmem:s16+$0x540]  }
0x28a: {  	s12 =	sadd.s32 s1, s23;
	s23 =	smov.u32 s17;
	v0 =	vld [tilespmem:s16+$0x550]  }
0x28b: {  	s4 =	sor.u32 $0xC00, s12;
	s13 =	sor.u32 $0xC10, s12;
	s24 =	sadd.s32 $0x80, s12;
	[tilespmem:s16+$0x81D0] =	vst v10;
	v19 =	vld [tilespmem:s16+$0x1F0]  }
0x28c: {  	s6 =	sor.u32 $0xC20, s12;
	s1 =	sor.u32 $0xC30, s12;
	s29 =	sor.u32 $0xC00, s24;
	v21 =	vld.idx.msk [tilespmem:v21+s5+$0x0], $0xffff;
	[tilespmem:s22+$0x89F0] =	vst v11  }
0x28d: {  	s21 =	sor.u32 $0xC40, s12;
	s15 =	sor.u32 $0xC50, s12;
	s20 =	sor.u32 $0xC60, s12;
	[tilespmem:s16+$0x8150] =	vst v16;
	v16 =	vld [tilespmem:s29+$0x100]  }
0x28e: {  	s12 =	sor.u32 $0xC70, s12;
	v14 =	vld.idx.msk [tilespmem:v14+s5+$0x0], $0xffff  }
0x28f: {  	v11 =	vld [tilespmem:s16+$0x560]  }
0x290: {  	v10 =	vld [tilespmem:s16+$0x570]  }
0x291: {  	v22 =	vld [tilespmem:s16+$0x900]  }
0x292: {  	v23 =	vld.idx.msk [tilespmem:v7+s5+$0x0], $0xffff  }
0x293: {  	[tilespmem:s16+$0x81E0] =	vst v21;
	v21 =	vld [tilespmem:s16+$0x580]  }
0x294: {  	[tilespmem:s16+$0x8160] =	vst v14;
	v14 =	vld.idx.msk [tilespmem:v19+s5+$0x0], $0xffff  }
0x295: {  	v16 =	vld.idx.msk [tilespmem:v16+s5+$0x0], $0xffff  }
0x296: {  	v17 =	vld.idx.msk [tilespmem:v17+s5+$0x0], $0xffff;
	v7 =	vmov v22  }
0x297: {  	v19 =	vld [tilespmem:s16+$0x910]  }
0x298: {  	v22 =	vld [tilespmem:s16+$0x920];
	[tilespmem:s22+$0x8900] =	vst v23  }
0x299: {  	v23 =	vld.idx.msk [tilespmem:v8+s5+$0x0], $0xffff  }
0x29a: {  	[tilespmem:s16+$0x81F0] =	vst v14;
	v14 =	vld [tilespmem:s16+$0x590]  }
0x29b: {  	v21 =	vld.idx.msk [tilespmem:v21+s5+$0x0], $0xffff;
	[tilespmem:s29+$0x8100] =	vst v16;
	s29 =	sor.u32 $0xC10, s24  }
0x29c: {  	[tilespmem:s16+$0x8170] =	vst v17;
	v16 =	vld [tilespmem:s29+$0x100];
	v8 =	vmov v19  }
0x29d: {  	v13 =	vld.idx.msk [tilespmem:v13+s5+$0x0], $0xffff  }
0x29e: {  	v17 =	vld [tilespmem:s16+$0x930]  }
0x29f: {  	v19 =	vld [tilespmem:s16+$0x940];
	[tilespmem:s22+$0x8910] =	vst v23  }
0x2a0: {  	v23 =	vld.idx.msk [tilespmem:v1+s5+$0x0], $0xffff;
	v1 =	vmov v22  }
0x2a1: {  	v22 =	vld [tilespmem:s16+$0x950]  }
0x2a2: {  	[tilespmem:s16+$0x8580] =	vst v21;
	v21 =	vld [tilespmem:s16+$0x5A0]  }
0x2a3: {  	[tilespmem:s16+$0x8500] =	vst v13;
	v13 =	vld.idx.msk [tilespmem:v14+s5+$0x0], $0xffff  }
0x2a4: {  	v14 =	vld.idx.msk [tilespmem:v16+s5+$0x0], $0xffff  }
0x2a5: {  	v15 =	vld.idx.msk [tilespmem:v15+s5+$0x0], $0xffff  }
0x2a6: {  	v16 =	vld [tilespmem:s16+$0x960];
	[tilespmem:s22+$0x8920] =	vst v23  }
0x2a7: {  	v23 =	vld.idx.msk [tilespmem:v6+s5+$0x0], $0xffff;
	v6 =	vmov v17  }
0x2a8: {  	v17 =	vld [tilespmem:s16+$0x970]  }
0x2a9: {  	[tilespmem:s16+$0x8590] =	vst v13;
	v13 =	vld [tilespmem:s16+$0x5B0]  }
0x2aa: {  	v21 =	vld.idx.msk [tilespmem:v21+s5+$0x0], $0xffff;
	[tilespmem:s29+$0x8100] =	vst v14;
	s29 =	sor.u32 $0xC20, s24  }
0x2ab: {  	[tilespmem:s16+$0x8510] =	vst v15;
	v14 =	vld [tilespmem:s29+$0x100]  }
0x2ac: {  	v15 =	vld.idx.msk [tilespmem:v20+s5+$0x0], $0xffff  }
0x2ad: {  	[tilespmem:s22+$0x8930] =	vst v23;
	v20 =	vld [tilespmem:s19+$0x100]  }
0x2ae: {  	v23 =	vld.idx.msk [tilespmem:v4+s5+$0x0], $0xffff;
	v4 =	vmov v19  }
0x2af: {  	v19 =	vld [tilespmem:s9+$0x100]  }
0x2b0: {  	v9 =	vld.idx.msk [tilespmem:v9+s5+$0x0], $0xffff  }
0x2b1: {  	[tilespmem:s16+$0x85A0] =	vst v21;
	v21 =	vld [tilespmem:s16+$0x5C0]  }
0x2b2: {  	[tilespmem:s16+$0x8520] =	vst v15;
	v13 =	vld.idx.msk [tilespmem:v13+s5+$0x0], $0xffff  }
0x2b3: {  	v14 =	vld.idx.msk [tilespmem:v14+s5+$0x0], $0xffff  }
0x2b4: {  	v15 =	vld.idx.msk [tilespmem:v18+s5+$0x0], $0xffff;
	[tilespmem:s22+$0x8940] =	vst v23  }
0x2b5: {  	v18 =	vld.idx.msk [tilespmem:v3+s5+$0x0], $0xffff;
	v3 =	vmov v22  }
0x2b6: {  	v20 =	vld.idx.msk [tilespmem:v20+s5+$0x0], $0xffff;
	[tilespmem:s31+$0x8100] =	vst v9;
	s31 =	smov.u32 s2;
	s2 =	smov.u32 s0;
	s0 =	smov.u32 s20  }
0x2b7: {  	v9 =	vld.idx.msk [tilespmem:v19+s5+$0x0], $0xffff  }
0x2b8: {  	[tilespmem:s16+$0x85B0] =	vst v13;
	v13 =	vld [tilespmem:s16+$0x5D0]  }
0x2b9: {  	s20 =	sor.u32 $0xC30, s24;
	v19 =	vld.idx.msk [tilespmem:v21+s5+$0x0], $0xffff;
	[tilespmem:s29+$0x8100] =	vst v14  }
0x2ba: {  	[tilespmem:s16+$0x8530] =	vst v15;
	v14 =	vld [tilespmem:s20+$0x100]  }
0x2bb: {  	v12 =	vld.idx.msk [tilespmem:v12+s5+$0x0], $0xffff;
	[tilespmem:s22+$0x8950] =	vst v18  }
0x2bc: {  	v15 =	vld.idx.msk [tilespmem:v5+s5+$0x0], $0xffff;
	[tilespmem:s19+$0x8100] =	vst v20;
	v5 =	vmov v16;
	s19 =	smov.u32 s13  }
0x2bd: {  	v16 =	vld [tilespmem:s18+$0x100];
	[tilespmem:s9+$0x8100] =	vst v9;
	s9 =	smov.u32 s10;
	s10 =	smov.u32 s21  }
0x2be: {  	v9 =	vld [tilespmem:s3+$0x100]  }
0x2bf: {  	[tilespmem:s16+$0x85C0] =	vst v19;
	v18 =	vld [tilespmem:s16+$0x5E0]  }
0x2c0: {  	v13 =	vld.idx.msk [tilespmem:v13+s5+$0x0], $0xffff  }
0x2c1: {  	[tilespmem:s16+$0x8540] =	vst v12;
	v12 =	vld [tilespmem:s25+$0x100]  }
0x2c2: {  	[tilespmem:s22+$0x8960] =	vst v15;
	v14 =	vld.idx.msk [tilespmem:v14+s5+$0x0], $0xffff  }
0x2c3: {  	v0 =	vld.idx.msk [tilespmem:v0+s5+$0x0], $0xffff  }
0x2c4: {  	v15 =	vld.idx.msk [tilespmem:v2+s5+$0x0], $0xffff;
	v2 =	vmov v17  }
0x2c5: {  	v16 =	vld.idx.msk [tilespmem:v16+s5+$0x0], $0xffff  }
0x2c6: {  	[tilespmem:s16+$0x85D0] =	vst v13;
	v17 =	vld [tilespmem:s16+$0x5F0]  }
0x2c7: {  	v13 =	vld.idx.msk [tilespmem:v18+s5+$0x0], $0xffff  }
0x2c8: {  	s13 =	sor.u32 $0xC40, s24;
	[tilespmem:s20+$0x8100] =	vst v14;
	v9 =	vld.idx.msk [tilespmem:v9+s5+$0x0], $0xffff  }
0x2c9: {  	[tilespmem:s16+$0x8550] =	vst v0;
	v14 =	vld [tilespmem:s13+$0x100]  }
0x2ca: {  	v0 =	vld.idx.msk [tilespmem:v11+s5+$0x0], $0xffff;
	[tilespmem:s22+$0x8970] =	vst v15;
	s22 =	smov.u32 s16  }
0x2cb: {  	v15 =	vld [tilespmem:s4+$0x100];
	[tilespmem:s18+$0x8100] =	vst v16;
	s18 =	smov.u32 s6  }
0x2cc: {  	v11 =	vld [tilespmem:s7+$0x100]  }
0x2cd: {  	[tilespmem:s22+$0x85E0] =	vst v13;
	v13 =	vld [tilespmem:s22+$0x980]  }
0x2ce: {  	v16 =	vld.idx.msk [tilespmem:v17+s5+$0x0], $0xffff;
	[tilespmem:s3+$0x8100] =	vst v9;
	s3 =	smov.u32 s8;
	s8 =	smov.u32 s15  }
0x2cf: {  	v9 =	vld [tilespmem:s31+$0x100]  }
.Ltmp2:
0x2d0: {  	[tilespmem:s22+$0x8560] =	vst v0;
	v0 =	vld.idx.msk [tilespmem:v12+s5+$0x0], $0xffff;
	(pc) =	sbr.rel @p1 .LBB2_3-.Ltmp2, $4  }
0x2d1: {  	v12 =	vld.idx.msk [tilespmem:v14+s5+$0x0], $0xffff  }
0x2d2: {  	v14 =	vld.idx.msk [tilespmem:v10+s5+$0x0], $0xffff  }
0x2d3: {  	v10 =	vld.idx.msk [tilespmem:v15+s5+$0x0], $0xffff  }
0x2d4: {  	s14 =	sadd.s32 $0x100, s14;
	s17 =	sadd.s32 $0x400, s17;
	[tilespmem:s22+$0x85F0] =	vst v16;
	v15 =	vld [tilespmem:s22+$0x990]  }
0x2d5: {  	_ =	sdelay $0x3  }
0x2d6: {  	v13 =	vld.idx.msk [tilespmem:v13+s5+$0x0], $0xffff;
	_ =	sdelay $0x3  }
0x2d7: {  	v39 =	vld [tilespmem:s22+$0x9A0];
	[tilespmem:s22+$0x8570] =	vst v14  }
0x2d8: {  	v7 =	vld.idx.msk [tilespmem:v7+s5+$0x0], $0xffff;
	[tilespmem:s22+$0x8980] =	vst v13  }
0x2d9: {  	v15 =	vld.idx.msk [tilespmem:v15+s5+$0x0], $0xffff;
	_ =	sdelay $0x3  }
0x2da: {  	v40 =	vld [tilespmem:s22+$0x9B0];
	[tilespmem:s22+$0x8900] =	vst v7  }
0x2db: {  	v7 =	vld.idx.msk [tilespmem:v8+s5+$0x0], $0xffff;
	[tilespmem:s22+$0x8990] =	vst v15  }
0x2dc: {  	v13 =	vld.idx.msk [tilespmem:v39+s5+$0x0], $0xffff;
	_ =	sdelay $0x3  }
0x2dd: {  	v41 =	vld [tilespmem:s22+$0x9C0];
	[tilespmem:s22+$0x8910] =	vst v7  }
0x2de: {  	v1 =	vld.idx.msk [tilespmem:v1+s5+$0x0], $0xffff;
	[tilespmem:s22+$0x89A0] =	vst v13  }
0x2df: {  	v13 =	vld.idx.msk [tilespmem:v40+s5+$0x0], $0xffff;
	_ =	sdelay $0x3  }
0x2e0: {  	v42 =	vld [tilespmem:s22+$0x9D0];
	[tilespmem:s22+$0x8920] =	vst v1  }
0x2e1: {  	v1 =	vld.idx.msk [tilespmem:v6+s5+$0x0], $0xffff;
	[tilespmem:s22+$0x89B0] =	vst v13  }
0x2e2: {  	v43 =	vld.idx.msk [tilespmem:v41+s5+$0x0], $0xffff;
	_ =	sdelay $0x3  }
0x2e3: {  	v44 =	vld [tilespmem:s22+$0x9E0];
	[tilespmem:s22+$0x8930] =	vst v1  }
0x2e4: {  	v1 =	vld.idx.msk [tilespmem:v4+s5+$0x0], $0xffff;
	[tilespmem:s22+$0x89C0] =	vst v43  }
0x2e5: {  	v6 =	vld.idx.msk [tilespmem:v42+s5+$0x0], $0xffff;
	_ =	sdelay $0x3  }
0x2e6: {  	v45 =	vld [tilespmem:s22+$0x9F0];
	[tilespmem:s22+$0x8940] =	vst v1  }
0x2e7: {  	v1 =	vld.idx.msk [tilespmem:v3+s5+$0x0], $0xffff;
	[tilespmem:s22+$0x89D0] =	vst v6  }
0x2e8: {  	v4 =	vld.idx.msk [tilespmem:v44+s5+$0x0], $0xffff;
	_ =	sdelay $0x3  }
0x2e9: {  	[tilespmem:s22+$0x8950] =	vst v1  }
0x2ea: {  	v1 =	vld.idx.msk [tilespmem:v5+s5+$0x0], $0xffff;
	[tilespmem:s22+$0x89E0] =	vst v4  }
0x2eb: {  	s6 =	sadd.s32 $0x1, s28;
	v3 =	vld.idx.msk [tilespmem:v45+s5+$0x0], $0xffff  }
0x2ec: {  	s6 =	sand.u32 $0x3, s6  }
0x2ed: {  	s6 =	sshll.u32 s6, $0x8  }
0x2ee: {  	s6 =	sadd.s32 s6, s23  }
0x2ef: {  	s11 =	sadd.s32 $0x80, s6;
	[tilespmem:s22+$0x8960] =	vst v1  }
0x2f0: {  	s14 =	sor.u32 $0xC00, s11;
	v1 =	vld.idx.msk [tilespmem:v2+s5+$0x0], $0xffff;
	[tilespmem:s22+$0x89F0] =	vst v3  }
0x2f1: {  	v46 =	vld [tilespmem:s14+$0x100];
	_ =	sdelay $0x3  }
0x2f2: {  	s15 =	sor.u32 $0xC00, s6;
	[tilespmem:s22+$0x8970] =	vst v1  }
0x2f3: {  	v1 =	vld [tilespmem:s15+$0x100];
	_ =	sdelay $0x2  }
0x2f4: {  	v2 =	vld.idx.msk [tilespmem:v46+s5+$0x0], $0xffff;
	_ =	sdelay $0x4  }
0x2f5: {  	s17 =	sor.u32 $0xC10, s11;
	v1 =	vld.idx.msk [tilespmem:v1+s5+$0x0], $0xffff;
	[tilespmem:s14+$0x8100] =	vst v2  }
0x2f6: {  	v2 =	vld [tilespmem:s17+$0x100]  }
0x2f7: {  	[tilespmem:s4+$0x8100] =	vst v10  }
0x2f8: {  	v47 =	vld [tilespmem:s19+$0x100];
	_ =	sdelay $0x1  }
0x2f9: {  	s20 =	sor.u32 $0xC10, s6;
	[tilespmem:s15+$0x8100] =	vst v1  }
0x2fa: {  	v48 =	vld [tilespmem:s20+$0x100];
	_ =	sdelay $0x2  }
0x2fb: {  	v2 =	vld.idx.msk [tilespmem:v2+s5+$0x0], $0xffff;
	_ =	sdelay $0x1  }
0x2fc: {  	v1 =	vld.idx.msk [tilespmem:v47+s5+$0x0], $0xffff;
	_ =	sdelay $0x2  }
0x2fd: {  	s21 =	sor.u32 $0xC20, s11;
	v3 =	vld.idx.msk [tilespmem:v48+s5+$0x0], $0xffff;
	[tilespmem:s17+$0x8100] =	vst v2  }
0x2fe: {  	v2 =	vld [tilespmem:s21+$0x100]  }
0x2ff: {  	[tilespmem:s19+$0x8100] =	vst v1  }
0x300: {  	v1 =	vld [tilespmem:s18+$0x100];
	_ =	sdelay $0x1  }
0x301: {  	s22 =	sor.u32 $0xC20, s6;
	[tilespmem:s20+$0x8100] =	vst v3  }
0x302: {  	v3 =	vld [tilespmem:s22+$0x100];
	_ =	sdelay $0x2  }
0x303: {  	v2 =	vld.idx.msk [tilespmem:v2+s5+$0x0], $0xffff;
	_ =	sdelay $0x1  }
0x304: {  	v1 =	vld.idx.msk [tilespmem:v1+s5+$0x0], $0xffff;
	_ =	sdelay $0x2  }
0x305: {  	s23 =	sor.u32 $0xC30, s11;
	v3 =	vld.idx.msk [tilespmem:v3+s5+$0x0], $0xffff;
	[tilespmem:s21+$0x8100] =	vst v2  }
0x306: {  	v2 =	vld [tilespmem:s23+$0x100]  }
0x307: {  	[tilespmem:s18+$0x8100] =	vst v1  }
0x308: {  	v1 =	vld [tilespmem:s1+$0x100];
	_ =	sdelay $0x1  }
0x309: {  	s28 =	sor.u32 $0xC30, s6;
	[tilespmem:s22+$0x8100] =	vst v3  }
0x30a: {  	v3 =	vld [tilespmem:s28+$0x100];
	_ =	sdelay $0x2  }
0x30b: {  	v2 =	vld.idx.msk [tilespmem:v2+s5+$0x0], $0xffff  }
0x30c: {  	v49 =	vld.idx.msk [tilespmem:v11+s5+$0x0], $0xffff  }
0x30d: {  	v1 =	vld.idx.msk [tilespmem:v1+s5+$0x0], $0xffff;
	_ =	sdelay $0x2  }
0x30e: {  	s29 =	sor.u32 $0xC40, s11;
	v3 =	vld.idx.msk [tilespmem:v3+s5+$0x0], $0xffff;
	[tilespmem:s23+$0x8100] =	vst v2  }
0x30f: {  	[tilespmem:s7+$0x8100] =	vst v49;
	v2 =	vld [tilespmem:s29+$0x100]  }
0x310: {  	v50 =	vld [tilespmem:s9+$0x100];
	[tilespmem:s1+$0x8100] =	vst v1  }
0x311: {  	v51 =	vld [tilespmem:s10+$0x100];
	_ =	sdelay $0x1  }
0x312: {  	s7 =	sor.u32 $0xC40, s6;
	[tilespmem:s28+$0x8100] =	vst v3  }
0x313: {  	v52 =	vld [tilespmem:s7+$0x100];
	_ =	sdelay $0x2  }
0x314: {  	v2 =	vld.idx.msk [tilespmem:v2+s5+$0x0], $0xffff  }
0x315: {  	v1 =	vld.idx.msk [tilespmem:v50+s5+$0x0], $0xffff  }
0x316: {  	v3 =	vld.idx.msk [tilespmem:v51+s5+$0x0], $0xffff  }
0x317: {  	[tilespmem:s13+$0x8100] =	vst v12;
	s15 =	sor.u32 $0xC50, s24  }
0x318: {  	v53 =	vld [tilespmem:s15+$0x100]  }
0x319: {  	s16 =	sor.u32 $0xC50, s11;
	v4 =	vld.idx.msk [tilespmem:v52+s5+$0x0], $0xffff;
	[tilespmem:s29+$0x8100] =	vst v2  }
0x31a: {  	[tilespmem:s9+$0x8100] =	vst v1;
	v54 =	vld [tilespmem:s16+$0x100]  }
0x31b: {  	v55 =	vld [tilespmem:s3+$0x100];
	[tilespmem:s10+$0x8100] =	vst v3  }
0x31c: {  	v3 =	vld [tilespmem:s8+$0x100];
	_ =	sdelay $0x1  }
0x31d: {  	s17 =	sor.u32 $0xC50, s6;
	[tilespmem:s7+$0x8100] =	vst v4  }
0x31e: {  	v4 =	vld [tilespmem:s17+$0x100]  }
0x31f: {  	v5 =	vld.idx.msk [tilespmem:v53+s5+$0x0], $0xffff;
	_ =	sdelay $0x1  }
0x320: {  	v1 =	vld.idx.msk [tilespmem:v54+s5+$0x0], $0xffff  }
0x321: {  	v2 =	vld.idx.msk [tilespmem:v55+s5+$0x0], $0xffff  }
0x322: {  	v3 =	vld.idx.msk [tilespmem:v3+s5+$0x0], $0xffff  }
0x323: {  	[tilespmem:s15+$0x8100] =	vst v5;
	s18 =	sor.u32 $0xC60, s24  }
0x324: {  	v5 =	vld [tilespmem:s18+$0x100]  }
0x325: {  	s19 =	sor.u32 $0xC60, s11;
	v4 =	vld.idx.msk [tilespmem:v4+s5+$0x0], $0xffff;
	[tilespmem:s16+$0x8100] =	vst v1  }
0x326: {  	[tilespmem:s3+$0x8100] =	vst v2;
	v1 =	vld [tilespmem:s19+$0x100]  }
0x327: {  	v2 =	vld [tilespmem:s2+$0x100];
	[tilespmem:s8+$0x8100] =	vst v3  }
0x328: {  	v3 =	vld [tilespmem:s0+$0x100];
	_ =	sdelay $0x1  }
0x329: {  	v56 =	vld.idx.msk [tilespmem:v9+s5+$0x0], $0xffff;
	s20 =	sor.u32 $0xC60, s6;
	[tilespmem:s17+$0x8100] =	vst v4  }
0x32a: {  	v4 =	vld [tilespmem:s20+$0x100]  }
0x32b: {  	v5 =	vld.idx.msk [tilespmem:v5+s5+$0x0], $0xffff;
	_ =	sdelay $0x1  }
0x32c: {  	v1 =	vld.idx.msk [tilespmem:v1+s5+$0x0], $0xffff  }
0x32d: {  	v2 =	vld.idx.msk [tilespmem:v2+s5+$0x0], $0xffff  }
0x32e: {  	[tilespmem:s31+$0x8100] =	vst v56;
	v3 =	vld.idx.msk [tilespmem:v3+s5+$0x0], $0xffff  }
0x32f: {  	v57 =	vld [tilespmem:s26+$0x100];
	s21 =	sor.u32 $0xC70, s24;
	[tilespmem:s18+$0x8100] =	vst v5  }
0x330: {  	v5 =	vld [tilespmem:s21+$0x100]  }
0x331: {  	s22 =	sor.u32 $0xC70, s11;
	v4 =	vld.idx.msk [tilespmem:v4+s5+$0x0], $0xffff;
	[tilespmem:s19+$0x8100] =	vst v1  }
0x332: {  	[tilespmem:s2+$0x8100] =	vst v2;
	v58 =	vld [tilespmem:s22+$0x100]  }
0x333: {  	v59 =	vld [tilespmem:s30+$0x100];
	[tilespmem:s0+$0x8100] =	vst v3  }
0x334: {  	v60 =	vld [tilespmem:s12+$0x100];
	_ =	sdelay $0x1  }
0x335: {  	s23 =	sor.u32 $0xC70, s6;
	[tilespmem:s20+$0x8100] =	vst v4  }
0x336: {  	v61 =	vld [tilespmem:s23+$0x100]  }
0x337: {  	v5 =	vld.idx.msk [tilespmem:v5+s5+$0x0], $0xffff  }
0x338: {  	v1 =	vld.idx.msk [tilespmem:v57+s5+$0x0], $0xffff  }
0x339: {  	v2 =	vld.idx.msk [tilespmem:v58+s5+$0x0], $0xffff  }
0x33a: {  	v3 =	vld.idx.msk [tilespmem:v59+s5+$0x0], $0xffff  }
0x33b: {  	[tilespmem:s25+$0x8100] =	vst v0;
	v62 =	vld.idx.msk [tilespmem:v60+s5+$0x0], $0xffff  }
0x33c: {  	[tilespmem:s21+$0x8100] =	vst v5  }
0x33d: {  	[tilespmem:s26+$0x8100] =	vst v1  }
0x33e: {  	v63 =	vld.idx.msk [tilespmem:v61+s5+$0x0], $0xffff;
	[tilespmem:s22+$0x8100] =	vst v2  }
0x33f: {  	s2 =	rddreg [dreg:$0x9];
	[tilespmem:s30+$0x8100] =	vst v3  }
0x340: {  	s29 =	rddreg [dreg:$0x2];
	[tilespmem:s12+$0x8100] =	vst v62;
	s24 =	sshll.u32 s2, $0xC;
	p1 =	sne.s32 s2, $0x17  }
.Ltmp3:
0x341: {  	s26 =	rddreg [dreg:$0xd];
	s25 =	sand.u32 $0x7000, s24;
	(pc) =	sbr.rel @p1 .LBB2_6-.Ltmp3, $4  }
0x342: {  	[dreg:$0xc] =	wrdreg s25  }
0x343: {  	s28 =	sshll.u32 s26, $0xF;
	s1 =	sadd.s32 s29, s25;
	[tilespmem:s23+$0x8100] =	vst v63  }
0x344: {  	s31 =	simm.s32 $0x8100;
	s30 =	sadd.s32 s28, s1;
	[dreg:$0xb] =	wrdreg s28  }
0x345: {  	[hbm4b:s30+s5] =	stream.linear.scatter [tilespmem:s31], [sflag:$0x3], $0x4000, $0x38;
	[tilespmem:$0x10100] =	vst v63  }
.Ltmp4:
0x346: {  	(pc) =	sbr.rel .LBB2_7-.Ltmp4, $4  }
0x347: {  	s0 =	simm.s32 $0x2  }
0x348: {  	_ =	swait.ge [sflag:s0], $0x4000  }
0x349: {  	[sflag:s0] =	ssyncset.done $0x0  }
0x34a: {  	[sflag:s0] =	ssyncadd.s32 $0xFFFFC000  }
.LBB2_6:
0x34b: {  	s0 =	rddreg [dreg:$0xa]  }
0x34c: {  	s0 =	sadd.s32 $0x2, s0  }
0x34d: {  	s2 =	rddreg [dreg:$0x4];
	s1 =	sshrl.u32 s0, $0x4;
	s0 =	sshll.u32 s0, $0xB  }
0x34e: {  	s29 =	rddreg [dreg:$0x0];
	s1 =	sadd.s32 s2, s1;
	s0 =	sand.u32 $0x7000, s0  }
0x34f: {  	s30 =	simm.s32 $0x100;
	s1 =	sshll.u32 s1, $0xF;
	s0 =	sadd.s32 s29, s0  }
.Ltmp5:
0x350: {  	s31 =	simm.s32 $0x2;
	s0 =	sadd.s32 s1, s0;
	(pc) =	sbr.rel @p0 .LBB2_8-.Ltmp5, $4  }
0x351: {  	[tilespmem:s30], [sflag:$0x1] =	stream.linear.gather [hbm4b:s0+s5], $0x4000, $0x38;
	[tilespmem:$0x10100] =	vst v63  }
0x352: {  	_ =	swait.ge [sflag:s31], $0x4000  }
0x353: {  	[sflag:s31] =	ssyncset.done $0x0  }
0x354: {  	[sflag:s31] =	ssyncadd.s32 $0xFFFFC000  }
.LBB2_7:
0x355: {  	s0 =	simm.s32 $0x4  }
0x356: {  	_ =	swait.ge [sflag:s0], $0x4000  }
0x357: {  	[sflag:s0] =	ssyncset.done $0x0  }
0x358: {  	[sflag:s0] =	ssyncadd.s32 $0xFFFFC000  }
.LBB2_8:
0x359: {  	s2 =	simm.s32 $0x0  }
0x35a: {  	s0 =	sand.u32 $0x3000, s2;
	s1 =	sand.u32 $0x300, s2  }
0x35b: {  	s1 =	sor.u32 s1, s0  }
0x35c: {  	v0 =	vld [tilespmem:s1+$0x4180];
	_ =	sdelay $0x5  }
0x35d: {  	v1 =	vld [tilespmem:s1+$0x4190];
	_ =	sdelay $0x1  }
0x35e: {  	v0 =	vld.idx.msk [tilespmem:v0+s5+$0x0], $0xffff;
	_ =	sdelay $0x3  }
0x35f: {  	v2 =	vld [tilespmem:s1+$0x41A0]  }
0x360: {  	[tilespmem:s1+$0xC180] =	vst v0  }
0x361: {  	v0 =	vld.idx.msk [tilespmem:v1+s5+$0x0], $0xffff;
	_ =	sdelay $0x3  }
0x362: {  	v1 =	vld [tilespmem:s1+$0x41B0]  }
0x363: {  	[tilespmem:s1+$0xC190] =	vst v0  }
0x364: {  	v0 =	vld.idx.msk [tilespmem:v2+s5+$0x0], $0xffff;
	_ =	sdelay $0x3  }
0x365: {  	v2 =	vld [tilespmem:s1+$0x41C0]  }
0x366: {  	v3 =	vld [tilespmem:s1+$0x4100];
	[tilespmem:s1+$0xC1A0] =	vst v0  }
0x367: {  	v0 =	vld.idx.msk [tilespmem:v1+s5+$0x0], $0xffff;
	_ =	sdelay $0x3  }
0x368: {  	v1 =	vld [tilespmem:s1+$0x41D0]  }
0x369: {  	v4 =	vld [tilespmem:s1+$0x4110];
	[tilespmem:s1+$0xC1B0] =	vst v0  }
0x36a: {  	v0 =	vld.idx.msk [tilespmem:v2+s5+$0x0], $0xffff  }
0x36b: {  	v2 =	vld.idx.msk [tilespmem:v3+s5+$0x0], $0xffff;
	_ =	sdelay $0x2  }
0x36c: {  	v3 =	vld [tilespmem:s1+$0x41E0]  }
0x36d: {  	v5 =	vld [tilespmem:s1+$0x4120];
	[tilespmem:s1+$0xC1C0] =	vst v0  }
0x36e: {  	[tilespmem:s1+$0xC100] =	vst v2;
	v0 =	vld.idx.msk [tilespmem:v1+s5+$0x0], $0xffff  }
0x36f: {  	v1 =	vld.idx.msk [tilespmem:v4+s5+$0x0], $0xffff;
	_ =	sdelay $0x2  }
0x370: {  	v2 =	vld [tilespmem:s1+$0x41F0]  }
0x371: {  	v4 =	vld [tilespmem:s1+$0x4130];
	[tilespmem:s1+$0xC1D0] =	vst v0  }
0x372: {  	[tilespmem:s1+$0xC110] =	vst v1;
	v0 =	vld.idx.msk [tilespmem:v3+s5+$0x0], $0xffff  }
0x373: {  	v1 =	vld.idx.msk [tilespmem:v5+s5+$0x0], $0xffff;
	_ =	sdelay $0x2  }
0x374: {  	v3 =	vld [tilespmem:s1+$0x4580]  }
0x375: {  	v5 =	vld [tilespmem:s1+$0x4140];
	[tilespmem:s1+$0xC1E0] =	vst v0  }
0x376: {  	[tilespmem:s1+$0xC120] =	vst v1;
	v0 =	vld.idx.msk [tilespmem:v2+s5+$0x0], $0xffff  }
0x377: {  	v1 =	vld.idx.msk [tilespmem:v4+s5+$0x0], $0xffff;
	_ =	sdelay $0x2  }
0x378: {  	v2 =	vld [tilespmem:s1+$0x4590]  }
0x379: {  	v4 =	vld [tilespmem:s1+$0x4150];
	[tilespmem:s1+$0xC1F0] =	vst v0  }
0x37a: {  	[tilespmem:s1+$0xC130] =	vst v1;
	v0 =	vld.idx.msk [tilespmem:v3+s5+$0x0], $0xffff  }
0x37b: {  	v1 =	vld.idx.msk [tilespmem:v5+s5+$0x0], $0xffff;
	_ =	sdelay $0x2  }
0x37c: {  	v3 =	vld [tilespmem:s1+$0x45A0]  }
0x37d: {  	v5 =	vld [tilespmem:s1+$0x4160];
	[tilespmem:s1+$0xC580] =	vst v0  }
0x37e: {  	[tilespmem:s1+$0xC140] =	vst v1;
	v0 =	vld.idx.msk [tilespmem:v2+s5+$0x0], $0xffff  }
0x37f: {  	v1 =	vld.idx.msk [tilespmem:v4+s5+$0x0], $0xffff;
	_ =	sdelay $0x2  }
0x380: {  	v2 =	vld [tilespmem:s1+$0x45B0]  }
0x381: {  	v4 =	vld [tilespmem:s1+$0x4170];
	[tilespmem:s1+$0xC590] =	vst v0  }
0x382: {  	[tilespmem:s1+$0xC150] =	vst v1;
	v0 =	vld.idx.msk [tilespmem:v3+s5+$0x0], $0xffff  }
0x383: {  	v1 =	vld.idx.msk [tilespmem:v5+s5+$0x0], $0xffff;
	_ =	sdelay $0x2  }
0x384: {  	v3 =	vld [tilespmem:s1+$0x45C0]  }
0x385: {  	v5 =	vld [tilespmem:s1+$0x4500];
	[tilespmem:s1+$0xC5A0] =	vst v0  }
0x386: {  	[tilespmem:s1+$0xC160] =	vst v1;
	v0 =	vld.idx.msk [tilespmem:v2+s5+$0x0], $0xffff  }
0x387: {  	v1 =	vld.idx.msk [tilespmem:v4+s5+$0x0], $0xffff;
	_ =	sdelay $0x1  }
0x388: {  	v6 =	vld [tilespmem:s1+$0x45F0]  }
0x389: {  	v2 =	vld [tilespmem:s1+$0x45D0]  }
0x38a: {  	v4 =	vld [tilespmem:s1+$0x4510];
	[tilespmem:s1+$0xC5B0] =	vst v0  }
0x38b: {  	[tilespmem:s1+$0xC170] =	vst v1;
	v0 =	vld.idx.msk [tilespmem:v3+s5+$0x0], $0xffff  }
0x38c: {  	v1 =	vld.idx.msk [tilespmem:v5+s5+$0x0], $0xffff  }
0x38d: {  	v7 =	vld [tilespmem:s1+$0x4550]  }
0x38e: {  	v8 =	vld [tilespmem:s1+$0x4570]  }
0x38f: {  	v3 =	vld [tilespmem:s1+$0x45E0]  }
0x390: {  	v5 =	vld [tilespmem:s1+$0x4520];
	[tilespmem:s1+$0xC5C0] =	vst v0  }
0x391: {  	[tilespmem:s1+$0xC500] =	vst v1;
	v0 =	vld.idx.msk [tilespmem:v2+s5+$0x0], $0xffff  }
0x392: {  	v1 =	vld.idx.msk [tilespmem:v4+s5+$0x0], $0xffff  }
0x393: {  	v9 =	vld [tilespmem:s1+$0x4900]  }
0x394: {  	v10 =	vld [tilespmem:s1+$0x4990]  }
0x395: {  	v11 =	vld [tilespmem:s1+$0x4930]  }
0x396: {  	v2 =	vld [tilespmem:s1+$0x4530];
	[tilespmem:s1+$0xC5D0] =	vst v0  }
0x397: {  	[tilespmem:s1+$0xC510] =	vst v1;
	v0 =	vld.idx.msk [tilespmem:v3+s5+$0x0], $0xffff  }
0x398: {  	v1 =	vld.idx.msk [tilespmem:v5+s5+$0x0], $0xffff  }
0x399: {  	v13 =	vld [tilespmem:s1+$0x49A0]  }
0x39a: {  	v14 =	vld [tilespmem:s1+$0x49B0]  }
0x39b: {  	v3 =	vld [tilespmem:s1+$0x4980]  }
0x39c: {  	v4 =	vld [tilespmem:s1+$0x4540];
	[tilespmem:s1+$0xC5E0] =	vst v0  }
0x39d: {  	s8 =	simm.s32 $0x100;
	s3 =	simm.s32 $0x400;
	[tilespmem:s1+$0xC520] =	vst v1;
	v0 =	vld.idx.msk [tilespmem:v6+s5+$0x0], $0xffff  }
0x39e: {  	s3 =	sand.u32 $0x3000, s3;
	s0 =	sand.u32 $0x300, s8;
	v1 =	vld.idx.msk [tilespmem:v2+s5+$0x0], $0xffff  }
0x39f: {  	s0 =	sor.u32 s0, s3;
	v16 =	vld [tilespmem:s1+$0x49C0]  }
0x3a0: {  	v15 =	vld [tilespmem:s0+$0x4100]  }
0x3a1: {  	v17 =	vld [tilespmem:s0+$0x41A0]  }
0x3a2: {  	v18 =	vld [tilespmem:s0+$0x4520];
	[tilespmem:s1+$0xC5F0] =	vst v0  }
0x3a3: {  	[tilespmem:s1+$0xC530] =	vst v1;
	v0 =	vld.idx.msk [tilespmem:v3+s5+$0x0], $0xffff  }
0x3a4: {  	v12 =	vld.idx.msk [tilespmem:v4+s5+$0x0], $0xffff  }
0x3a5: {  	v46 =	vld [tilespmem:s0+$0x49F0]  }
0x3a6: {  	v5 =	vld [tilespmem:s1+$0x4560]  }
0x3a7: {  	v2 =	vld [tilespmem:s1+$0x4910]  }
0x3a8: {  	v6 =	vld [tilespmem:s1+$0x4920];
	[tilespmem:s1+$0xC980] =	vst v0  }
0x3a9: {  	[tilespmem:s1+$0xC540] =	vst v12;
	v10 =	vld.idx.msk [tilespmem:v10+s5+$0x0], $0xffff  }
0x3aa: {  	v7 =	vld.idx.msk [tilespmem:v7+s5+$0x0], $0xffff  }
0x3ab: {  	v12 =	vld [tilespmem:s0+$0x4180]  }
0x3ac: {  	v1 =	vld [tilespmem:s1+$0x4960]  }
0x3ad: {  	v4 =	vld [tilespmem:s1+$0x4940]  }
0x3ae: {  	v3 =	vld [tilespmem:s1+$0x4950];
	[tilespmem:s1+$0xC990] =	vst v10  }
0x3af: {  	[tilespmem:s1+$0xC550] =	vst v7;
	v7 =	vld.idx.msk [tilespmem:v13+s5+$0x0], $0xffff  }
0x3b0: {  	v0 =	vld [tilespmem:s1+$0x4970]  }
0x3b1: {  	v5 =	vld.idx.msk [tilespmem:v5+s5+$0x0], $0xffff  }
0x3b2: {  	v13 =	vld [tilespmem:s0+$0x4190]  }
0x3b3: {  	v12 =	vld.idx.msk [tilespmem:v12+s5+$0x0], $0xffff  }
0x3b4: {  	v10 =	vld [tilespmem:s0+$0x4110];
	[tilespmem:s1+$0xC9A0] =	vst v7  }
0x3b5: {  	v7 =	vld.idx.msk [tilespmem:v14+s5+$0x0], $0xffff  }
0x3b6: {  	v14 =	vld.idx.msk [tilespmem:v15+s5+$0x0], $0xffff  }
0x3b7: {  	[tilespmem:s1+$0xC560] =	vst v5;
	v15 =	vld [tilespmem:s0+$0x4120]  }
0x3b8: {  	[tilespmem:s0+$0xC180] =	vst v12;
	v12 =	vld [tilespmem:s1+$0x49D0]  }
0x3b9: {  	v8 =	vld.idx.msk [tilespmem:v8+s5+$0x0], $0xffff  }
0x3ba: {  	v13 =	vld.idx.msk [tilespmem:v13+s5+$0x0], $0xffff;
	[tilespmem:s1+$0xC9B0] =	vst v7  }
0x3bb: {  	[tilespmem:s0+$0xC100] =	vst v14;
	v14 =	vld [tilespmem:s0+$0x4130]  }
0x3bc: {  	v7 =	vld.idx.msk [tilespmem:v16+s5+$0x0], $0xffff  }
0x3bd: {  	v10 =	vld.idx.msk [tilespmem:v10+s5+$0x0], $0xffff  }
0x3be: {  	v16 =	vld [tilespmem:s0+$0x41B0]  }
0x3bf: {  	[tilespmem:s0+$0xC190] =	vst v13;
	v13 =	vld [tilespmem:s1+$0x49E0]  }
0x3c0: {  	[tilespmem:s1+$0xC570] =	vst v8;
	v17 =	vld.idx.msk [tilespmem:v17+s5+$0x0], $0xffff  }
0x3c1: {  	v8 =	vld.idx.msk [tilespmem:v9+s5+$0x0], $0xffff;
	[tilespmem:s1+$0xC9C0] =	vst v7  }
0x3c2: {  	[tilespmem:s0+$0xC110] =	vst v10;
	v7 =	vld.idx.msk [tilespmem:v12+s5+$0x0], $0xffff  }
0x3c3: {  	v10 =	vld.idx.msk [tilespmem:v15+s5+$0x0], $0xffff  }
0x3c4: {  	v15 =	vld [tilespmem:s0+$0x41C0]  }
0x3c5: {  	[tilespmem:s0+$0xC1A0] =	vst v17;
	v17 =	vld [tilespmem:s1+$0x49F0]  }
0x3c6: {  	v16 =	vld.idx.msk [tilespmem:v16+s5+$0x0], $0xffff  }
0x3c7: {  	v12 =	vld [tilespmem:s0+$0x4140];
	[tilespmem:s1+$0xC9D0] =	vst v7  }
0x3c8: {  	[tilespmem:s0+$0xC120] =	vst v10;
	v7 =	vld.idx.msk [tilespmem:v13+s5+$0x0], $0xffff  }
0x3c9: {  	[tilespmem:s1+$0xC900] =	vst v8;
	v5 =	vld.idx.msk [tilespmem:v14+s5+$0x0], $0xffff  }
0x3ca: {  	v2 =	vld.idx.msk [tilespmem:v2+s5+$0x0], $0xffff  }
0x3cb: {  	v10 =	vld [tilespmem:s0+$0x41D0];
	[tilespmem:s0+$0xC1B0] =	vst v16  }
0x3cc: {  	v14 =	vld.idx.msk [tilespmem:v15+s5+$0x0], $0xffff  }
0x3cd: {  	v13 =	vld [tilespmem:s0+$0x4150];
	[tilespmem:s1+$0xC9E0] =	vst v7  }
0x3ce: {  	[tilespmem:s0+$0xC130] =	vst v5;
	v5 =	vld.idx.msk [tilespmem:v17+s5+$0x0], $0xffff  }
0x3cf: {  	s2 =	sand.u32 $0x3, s2;
	[tilespmem:s1+$0xC910] =	vst v2;
	v7 =	vld.idx.msk [tilespmem:v12+s5+$0x0], $0xffff  }
0x3d0: {  	s2 =	sshll.u32 s2, $0x8;
	v2 =	vld.idx.msk [tilespmem:v6+s5+$0x0], $0xffff  }
0x3d1: {  	s24 =	sadd.s32 $0x0, s2;
	[tilespmem:s0+$0xC1C0] =	vst v14;
	v14 =	vld [tilespmem:s0+$0x41E0]  }
0x3d2: {  	s9 =	sadd.s32 $0x80, s24;
	v12 =	vld [tilespmem:s0+$0x4160]  }
0x3d3: {  	s10 =	sor.u32 $0xC00, s9;
	v10 =	vld.idx.msk [tilespmem:v10+s5+$0x0], $0xffff;
	[tilespmem:s1+$0xC9F0] =	vst v5  }
0x3d4: {  	[tilespmem:s0+$0xC140] =	vst v7;
	v5 =	vld [tilespmem:s10+$0x4100]  }
0x3d5: {  	v7 =	vld.idx.msk [tilespmem:v13+s5+$0x0], $0xffff  }
0x3d6: {  	v9 =	vld [tilespmem:s0+$0x4530]  }
0x3d7: {  	v8 =	vld [tilespmem:s0+$0x4540]  }
0x3d8: {  	v17 =	vld [tilespmem:s0+$0x41F0];
	[tilespmem:s0+$0xC1D0] =	vst v10  }
0x3d9: {  	[tilespmem:s1+$0xC920] =	vst v2;
	v10 =	vld.idx.msk [tilespmem:v14+s5+$0x0], $0xffff  }
0x3da: {  	v11 =	vld.idx.msk [tilespmem:v11+s5+$0x0], $0xffff;
	[tilespmem:s0+$0xC150] =	vst v7  }
0x3db: {  	v7 =	vld.idx.msk [tilespmem:v12+s5+$0x0], $0xffff  }
0x3dc: {  	v15 =	vld [tilespmem:s0+$0x4170]  }
0x3dd: {  	v5 =	vld.idx.msk [tilespmem:v5+s5+$0x0], $0xffff  }
0x3de: {  	[tilespmem:s0+$0xC1E0] =	vst v10;
	v10 =	vld [tilespmem:s0+$0x4580]  }
0x3df: {  	[tilespmem:s1+$0xC930] =	vst v11;
	v13 =	vld [tilespmem:s0+$0x4500]  }
0x3e0: {  	[tilespmem:s0+$0xC160] =	vst v7;
	v7 =	vld.idx.msk [tilespmem:v17+s5+$0x0], $0xffff  }
0x3e1: {  	v4 =	vld.idx.msk [tilespmem:v4+s5+$0x0], $0xffff  }
0x3e2: {  	s11 =	sor.u32 $0xC10, s9;
	v14 =	vld [tilespmem:s0+$0x4590];
	[tilespmem:s10+$0xC100] =	vst v5  }
0x3e3: {  	v5 =	vld [tilespmem:s11+$0x4100]  }
0x3e4: {  	v12 =	vld.idx.msk [tilespmem:v15+s5+$0x0], $0xffff  }
0x3e5: {  	v6 =	vld [tilespmem:s0+$0x45A0];
	[tilespmem:s0+$0xC1F0] =	vst v7  }
0x3e6: {  	v7 =	vld.idx.msk [tilespmem:v10+s5+$0x0], $0xffff  }
0x3e7: {  	v16 =	vld [tilespmem:s0+$0x4510]  }
0x3e8: {  	v2 =	vld [tilespmem:s0+$0x4900];
	[tilespmem:s1+$0xC940] =	vst v4  }
0x3e9: {  	v3 =	vld.idx.msk [tilespmem:v3+s5+$0x0], $0xffff;
	[tilespmem:s0+$0xC170] =	vst v12  }
0x3ea: {  	v10 =	vld.idx.msk [tilespmem:v13+s5+$0x0], $0xffff  }
0x3eb: {  	v5 =	vld.idx.msk [tilespmem:v5+s5+$0x0], $0xffff;
	[tilespmem:s0+$0xC580] =	vst v7  }
0x3ec: {  	v7 =	vld.idx.msk [tilespmem:v14+s5+$0x0], $0xffff  }
0x3ed: {  	v4 =	vld [tilespmem:s0+$0x4920]  }
0x3ee: {  	[tilespmem:s1+$0xC950] =	vst v3;
	v3 =	vld [tilespmem:s0+$0x45E0]  }
0x3ef: {  	v13 =	vld [tilespmem:s0+$0x45B0];
	[tilespmem:s0+$0xC500] =	vst v10  }
0x3f0: {  	s12 =	sor.u32 $0xC20, s9;
	v10 =	vld.idx.msk [tilespmem:v16+s5+$0x0], $0xffff;
	[tilespmem:s11+$0xC100] =	vst v5  }
0x3f1: {  	v5 =	vld [tilespmem:s12+$0x4100];
	[tilespmem:s0+$0xC590] =	vst v7  }
0x3f2: {  	v6 =	vld.idx.msk [tilespmem:v6+s5+$0x0], $0xffff  }
0x3f3: {  	v15 =	vld [tilespmem:s0+$0x4550]  }
0x3f4: {  	v1 =	vld.idx.msk [tilespmem:v1+s5+$0x0], $0xffff  }
0x3f5: {  	[tilespmem:s0+$0xC510] =	vst v10;
	v10 =	vld [tilespmem:s0+$0x45C0]  }
0x3f6: {  	v7 =	vld.idx.msk [tilespmem:v18+s5+$0x0], $0xffff  }
0x3f7: {  	v12 =	vld [tilespmem:s0+$0x4560];
	[tilespmem:s0+$0xC5A0] =	vst v6  }
0x3f8: {  	v11 =	vld.idx.msk [tilespmem:v13+s5+$0x0], $0xffff  }
0x3f9: {  	[tilespmem:s1+$0xC960] =	vst v1;
	v5 =	vld.idx.msk [tilespmem:v5+s5+$0x0], $0xffff  }
0x3fa: {  	v0 =	vld.idx.msk [tilespmem:v0+s5+$0x0], $0xffff  }
0x3fb: {  	v14 =	vld [tilespmem:s0+$0x4570];
	[tilespmem:s0+$0xC520] =	vst v7  }
0x3fc: {  	v7 =	vld.idx.msk [tilespmem:v9+s5+$0x0], $0xffff  }
0x3fd: {  	v9 =	vld [tilespmem:s0+$0x45D0];
	[tilespmem:s0+$0xC5B0] =	vst v11  }
0x3fe: {  	s14 =	simm.s32 $0x200;
	s15 =	simm.s32 $0x800;
	s13 =	sor.u32 $0xC30, s9;
	[tilespmem:s12+$0xC100] =	vst v5;
	v10 =	vld.idx.msk [tilespmem:v10+s5+$0x0], $0xffff  }
0x3ff: {  	s2 =	sand.u32 $0x3000, s15;
	s4 =	sor.u32 $0xC00, s24;
	[tilespmem:s1+$0xC970] =	vst v0;
	s1 =	sand.u32 $0x300, s14;
	v11 =	vld [tilespmem:s13+$0x4100]  }
0x400: {  	v0 =	vld [tilespmem:s4+$0x4100];
	s2 =	sor.u32 s1, s2  }
0x401: {  	v16 =	vld [tilespmem:s2+$0x4120]  }
0x402: {  	v17 =	vld [tilespmem:s2+$0x4190];
	[tilespmem:s0+$0xC530] =	vst v7  }
0x403: {  	v7 =	vld.idx.msk [tilespmem:v8+s5+$0x0], $0xffff  }
0x404: {  	v45 =	vld [tilespmem:s2+$0x4130];
	[tilespmem:s0+$0xC5C0] =	vst v10  }
0x405: {  	v9 =	vld.idx.msk [tilespmem:v9+s5+$0x0], $0xffff  }
0x406: {  	v19 =	vld [tilespmem:s2+$0x4150]  }
0x407: {  	v10 =	vld.idx.msk [tilespmem:v11+s5+$0x0], $0xffff  }
0x408: {  	[tilespmem:s0+$0xC540] =	vst v7;
	v7 =	vld [tilespmem:s0+$0x45F0]  }
0x409: {  	v1 =	vld.idx.msk [tilespmem:v15+s5+$0x0], $0xffff  }
0x40a: {  	v0 =	vld.idx.msk [tilespmem:v0+s5+$0x0], $0xffff;
	[tilespmem:s0+$0xC5D0] =	vst v9  }
0x40b: {  	v11 =	vld.idx.msk [tilespmem:v3+s5+$0x0], $0xffff  }
0x40c: {  	s6 =	sor.u32 $0xC40, s9;
	v6 =	vld [tilespmem:s0+$0x4910];
	[tilespmem:s13+$0xC100] =	vst v10  }
0x40d: {  	v10 =	vld [tilespmem:s6+$0x4100]  }
0x40e: {  	v13 =	vld [tilespmem:s0+$0x4980];
	[tilespmem:s0+$0xC550] =	vst v1  }
0x40f: {  	v12 =	vld.idx.msk [tilespmem:v12+s5+$0x0], $0xffff  }
0x410: {  	v5 =	vld [tilespmem:s0+$0x4930];
	[tilespmem:s0+$0xC5E0] =	vst v11  }
0x411: {  	v7 =	vld.idx.msk [tilespmem:v7+s5+$0x0], $0xffff  }
0x412: {  	v8 =	vld [tilespmem:s0+$0x4940]  }
0x413: {  	v15 =	vld [tilespmem:s2+$0x4110]  }
0x414: {  	[tilespmem:s0+$0xC560] =	vst v12;
	v12 =	vld [tilespmem:s0+$0x4990]  }
0x415: {  	v10 =	vld.idx.msk [tilespmem:v10+s5+$0x0], $0xffff  }
0x416: {  	v11 =	vld.idx.msk [tilespmem:v14+s5+$0x0], $0xffff;
	[tilespmem:s0+$0xC5F0] =	vst v7  }
0x417: {  	v7 =	vld.idx.msk [tilespmem:v13+s5+$0x0], $0xffff  }
0x418: {  	v14 =	vld [tilespmem:s2+$0x4100]  }
0x419: {  	v13 =	vld [tilespmem:s2+$0x4180]  }
0x41a: {  	s16 =	sor.u32 $0xC50, s9;
	v9 =	vld [tilespmem:s0+$0x4950];
	[tilespmem:s6+$0xC100] =	vst v10  }
0x41b: {  	v10 =	vld [tilespmem:s16+$0x4100]  }
0x41c: {  	[tilespmem:s0+$0xC980] =	vst v7;
	v7 =	vld [tilespmem:s0+$0x49A0]  }
0x41d: {  	v12 =	vld.idx.msk [tilespmem:v12+s5+$0x0], $0xffff  }
0x41e: {  	v3 =	vld [tilespmem:s0+$0x4960]  }
0x41f: {  	v1 =	vld [tilespmem:s0+$0x4970]  }
0x420: {  	v14 =	vld.idx.msk [tilespmem:v14+s5+$0x0], $0xffff  }
0x421: {  	v13 =	vld.idx.msk [tilespmem:v13+s5+$0x0], $0xffff  }
0x422: {  	[tilespmem:s0+$0xC990] =	vst v12;
	v12 =	vld [tilespmem:s0+$0x49B0]  }
0x423: {  	v10 =	vld.idx.msk [tilespmem:v10+s5+$0x0], $0xffff  }
0x424: {  	[tilespmem:s0+$0xC570] =	vst v11;
	v7 =	vld.idx.msk [tilespmem:v7+s5+$0x0], $0xffff  }
0x425: {  	v11 =	vld [tilespmem:s2+$0x4170];
	[tilespmem:s2+$0xC100] =	vst v14  }
0x426: {  	[tilespmem:s2+$0xC180] =	vst v13;
	v13 =	vld [tilespmem:s2+$0x41A0]  }
0x427: {  	v14 =	vld.idx.msk [tilespmem:v15+s5+$0x0], $0xffff  }
0x428: {  	v17 =	vld.idx.msk [tilespmem:v17+s5+$0x0], $0xffff;
	[tilespmem:s16+$0xC100] =	vst v10  }
0x429: {  	s17 =	sor.u32 $0xC60, s9;
	[tilespmem:s0+$0xC9A0] =	vst v7;
	v7 =	vld [tilespmem:s0+$0x49C0]  }
0x42a: {  	v10 =	vld [tilespmem:s17+$0x4100]  }
0x42b: {  	v12 =	vld.idx.msk [tilespmem:v12+s5+$0x0], $0xffff  }
0x42c: {  	v15 =	vld [tilespmem:s2+$0x4140]  }
0x42d: {  	[tilespmem:s2+$0xC190] =	vst v17;
	v17 =	vld [tilespmem:s2+$0x41B0]  }
0x42e: {  	[tilespmem:s2+$0xC110] =	vst v14;
	v13 =	vld.idx.msk [tilespmem:v13+s5+$0x0], $0xffff  }
0x42f: {  	v14 =	vld.idx.msk [tilespmem:v16+s5+$0x0], $0xffff  }
0x430: {  	[tilespmem:s0+$0xC9B0] =	vst v12;
	v12 =	vld [tilespmem:s0+$0x49D0]  }
0x431: {  	v7 =	vld.idx.msk [tilespmem:v7+s5+$0x0], $0xffff  }
0x432: {  	v10 =	vld.idx.msk [tilespmem:v10+s5+$0x0], $0xffff  }
0x433: {  	[tilespmem:s2+$0xC1A0] =	vst v13;
	v13 =	vld [tilespmem:s2+$0x41C0]  }
0x434: {  	v16 =	vld [tilespmem:s2+$0x4160]  }
0x435: {  	[tilespmem:s2+$0xC120] =	vst v14;
	v17 =	vld.idx.msk [tilespmem:v17+s5+$0x0], $0xffff  }
0x436: {  	v14 =	vld.idx.msk [tilespmem:v45+s5+$0x0], $0xffff;
	[tilespmem:s0+$0xC9C0] =	vst v7  }
0x437: {  	s29 =	sor.u32 $0xC70, s9;
	v7 =	vld [tilespmem:s0+$0x49E0];
	[tilespmem:s17+$0xC100] =	vst v10  }
0x438: {  	v10 =	vld [tilespmem:s29+$0x4100]  }
0x439: {  	[tilespmem:s4+$0xC100] =	vst v0;
	v12 =	vld.idx.msk [tilespmem:v12+s5+$0x0], $0xffff  }
0x43a: {  	[tilespmem:s2+$0xC1B0] =	vst v17;
	v17 =	vld [tilespmem:s2+$0x41D0]  }
0x43b: {  	v13 =	vld.idx.msk [tilespmem:v13+s5+$0x0], $0xffff  }
0x43c: {  	[tilespmem:s2+$0xC130] =	vst v14;
	v14 =	vld [tilespmem:s2+$0x4510]  }
0x43d: {  	v47 =	vld [tilespmem:s2+$0x4530]  }
0x43e: {  	v48 =	vld [tilespmem:s2+$0x4540];
	[tilespmem:s0+$0xC9D0] =	vst v12  }
0x43f: {  	v7 =	vld.idx.msk [tilespmem:v7+s5+$0x0], $0xffff  }
0x440: {  	v0 =	vld.idx.msk [tilespmem:v10+s5+$0x0], $0xffff  }
0x441: {  	v10 =	vld.idx.msk [tilespmem:v15+s5+$0x0], $0xffff  }
0x442: {  	[tilespmem:s2+$0xC1C0] =	vst v13;
	v13 =	vld [tilespmem:s2+$0x41E0]  }
0x443: {  	v20 =	vld [tilespmem:s2+$0x4550]  }
0x444: {  	v17 =	vld.idx.msk [tilespmem:v17+s5+$0x0], $0xffff;
	[tilespmem:s0+$0xC9E0] =	vst v7  }
0x445: {  	s18 =	simm.s32 $0x1;
	v7 =	vld.idx.msk [tilespmem:v46+s5+$0x0], $0xffff  }
0x446: {  	s1 =	sand.u32 $0x3, s18;
	v2 =	vld.idx.msk [tilespmem:v2+s5+$0x0], $0xffff;
	[tilespmem:s2+$0xC140] =	vst v10  }
0x447: {  	s1 =	sshll.u32 s1, $0x8;
	v10 =	vld.idx.msk [tilespmem:v19+s5+$0x0], $0xffff  }
0x448: {  	s31 =	sadd.s32 $0x400, s1;
	v21 =	vld [tilespmem:s2+$0x4570]  }
0x449: {  	s1 =	sadd.s32 $0x80, s31;
	[tilespmem:s2+$0xC1D0] =	vst v17;
	v17 =	vld [tilespmem:s2+$0x41F0]  }
0x44a: {  	s19 =	sor.u32 $0xC00, s1;
	v13 =	vld.idx.msk [tilespmem:v13+s5+$0x0], $0xffff;
	[tilespmem:s0+$0xC9F0] =	vst v7  }
0x44b: {  	v7 =	vld [tilespmem:s19+$0x4100]  }
0x44c: {  	v22 =	vld [tilespmem:s2+$0x4590];
	[tilespmem:s2+$0xC150] =	vst v10  }
0x44d: {  	v10 =	vld.idx.msk [tilespmem:v16+s5+$0x0], $0xffff  }
0x44e: {  	v56 =	vld [tilespmem:s2+$0x49F0]  }
0x44f: {  	v12 =	vld [tilespmem:s2+$0x4500];
	[tilespmem:s0+$0xC900] =	vst v2  }
0x450: {  	[tilespmem:s2+$0xC1E0] =	vst v13;
	v13 =	vld [tilespmem:s2+$0x4580]  }
0x451: {  	v6 =	vld.idx.msk [tilespmem:v6+s5+$0x0], $0xffff  }
0x452: {  	[tilespmem:s2+$0xC160] =	vst v10;
	v10 =	vld.idx.msk [tilespmem:v17+s5+$0x0], $0xffff  }
0x453: {  	v7 =	vld.idx.msk [tilespmem:v7+s5+$0x0], $0xffff  }
0x454: {  	v11 =	vld.idx.msk [tilespmem:v11+s5+$0x0], $0xffff  }
0x455: {  	v2 =	vld [tilespmem:s2+$0x4900]  }
0x456: {  	v15 =	vld [tilespmem:s2+$0x4520];
	[tilespmem:s0+$0xC910] =	vst v6  }
0x457: {  	v6 =	vld [tilespmem:s2+$0x4920];
	[tilespmem:s2+$0xC1F0] =	vst v10  }
0x458: {  	s20 =	sor.u32 $0xC10, s1;
	[tilespmem:s19+$0xC100] =	vst v7;
	v10 =	vld.idx.msk [tilespmem:v13+s5+$0x0], $0xffff  }
0x459: {  	[tilespmem:s2+$0xC170] =	vst v11;
	v17 =	vld [tilespmem:s20+$0x4100]  }
0x45a: {  	v11 =	vld.idx.msk [tilespmem:v12+s5+$0x0], $0xffff  }
0x45b: {  	v12 =	vld.idx.msk [tilespmem:v4+s5+$0x0], $0xffff  }
0x45c: {  	v16 =	vld [tilespmem:s2+$0x4560]  }
0x45d: {  	v13 =	vld [tilespmem:s2+$0x45A0]  }
0x45e: {  	v7 =	vld [tilespmem:s2+$0x4910];
	[tilespmem:s2+$0xC580] =	vst v10  }
0x45f: {  	v10 =	vld.idx.msk [tilespmem:v22+s5+$0x0], $0xffff;
	[tilespmem:s2+$0xC500] =	vst v11  }
0x460: {  	[tilespmem:s0+$0xC920] =	vst v12;
	v11 =	vld.idx.msk [tilespmem:v14+s5+$0x0], $0xffff  }
0x461: {  	v12 =	vld.idx.msk [tilespmem:v5+s5+$0x0], $0xffff  }
0x462: {  	v17 =	vld.idx.msk [tilespmem:v17+s5+$0x0], $0xffff  }
0x463: {  	v4 =	vld [tilespmem:s2+$0x4930]  }
0x464: {  	[tilespmem:s2+$0xC590] =	vst v10;
	v10 =	vld [tilespmem:s2+$0x45B0]  }
0x465: {  	s22 =	sor.u32 $0xC10, s24;
	v13 =	vld.idx.msk [tilespmem:v13+s5+$0x0], $0xffff;
	[tilespmem:s2+$0xC510] =	vst v11  }
0x466: {  	v11 =	vld [tilespmem:s22+$0x4100];
	[tilespmem:s0+$0xC930] =	vst v12  }
0x467: {  	s21 =	sor.u32 $0xC20, s1;
	v8 =	vld.idx.msk [tilespmem:v8+s5+$0x0], $0xffff;
	[tilespmem:s20+$0xC100] =	vst v17  }
0x468: {  	v14 =	vld [tilespmem:s21+$0x4100]  }
0x469: {  	v5 =	vld [tilespmem:s2+$0x4940]  }
0x46a: {  	v12 =	vld [tilespmem:s2+$0x45C0]  }
0x46b: {  	v15 =	vld.idx.msk [tilespmem:v15+s5+$0x0], $0xffff;
	[tilespmem:s2+$0xC5A0] =	vst v13  }
0x46c: {  	[tilespmem:s0+$0xC940] =	vst v8;
	v10 =	vld.idx.msk [tilespmem:v10+s5+$0x0], $0xffff  }
0x46d: {  	v9 =	vld.idx.msk [tilespmem:v9+s5+$0x0], $0xffff  }
0x46e: {  	v8 =	vld.idx.msk [tilespmem:v11+s5+$0x0], $0xffff  }
0x46f: {  	v11 =	vld [tilespmem:s2+$0x45D0]  }
0x470: {  	[tilespmem:s2+$0xC520] =	vst v15;
	v13 =	vld.idx.msk [tilespmem:v14+s5+$0x0], $0xffff  }
0x471: {  	v14 =	vld.idx.msk [tilespmem:v47+s5+$0x0], $0xffff  }
0x472: {  	v15 =	vld [tilespmem:s2+$0x4960];
	[tilespmem:s2+$0xC5B0] =	vst v10  }
0x473: {  	s8 =	sor.u32 $0xC20, s24;
	v12 =	vld.idx.msk [tilespmem:v12+s5+$0x0], $0xffff;
	[tilespmem:s22+$0xC100] =	vst v8  }
0x474: {  	[tilespmem:s0+$0xC950] =	vst v9;
	v9 =	vld [tilespmem:s8+$0x4100]  }
0x475: {  	s23 =	sor.u32 $0xC30, s1;
	v3 =	vld.idx.msk [tilespmem:v3+s5+$0x0], $0xffff;
	[tilespmem:s21+$0xC100] =	vst v13  }
0x476: {  	[tilespmem:s2+$0xC530] =	vst v14;
	v10 =	vld [tilespmem:s23+$0x4100]  }
0x477: {  	v13 =	vld.idx.msk [tilespmem:v48+s5+$0x0], $0xffff  }
0x478: {  	v14 =	vld [tilespmem:s2+$0x45E0];
	[tilespmem:s2+$0xC5C0] =	vst v12  }
0x479: {  	v11 =	vld.idx.msk [tilespmem:v11+s5+$0x0], $0xffff  }
0x47a: {  	v8 =	vld [tilespmem:s2+$0x4950];
	[tilespmem:s0+$0xC960] =	vst v3  }
0x47b: {  	v1 =	vld.idx.msk [tilespmem:v1+s5+$0x0], $0xffff  }
0x47c: {  	[tilespmem:s2+$0xC540] =	vst v13;
	v9 =	vld.idx.msk [tilespmem:v9+s5+$0x0], $0xffff  }
0x47d: {  	v3 =	vld.idx.msk [tilespmem:v20+s5+$0x0], $0xffff  }
0x47e: {  	[tilespmem:s2+$0xC5D0] =	vst v11;
	v11 =	vld [tilespmem:s2+$0x45F0]  }
0x47f: {  	s10 =	simm.s32 $0x300;
	s11 =	simm.s32 $0xC00;
	v10 =	vld.idx.msk [tilespmem:v10+s5+$0x0], $0xffff  }
0x480: {  	s26 =	sor.u32 $0xC00, s31;
	s4 =	sand.u32 $0x3000, s11;
	[tilespmem:s0+$0xC970] =	vst v1;
	s0 =	sand.u32 $0x300, s10;
	v12 =	vld.idx.msk [tilespmem:v14+s5+$0x0], $0xffff  }
0x481: {  	v1 =	vld [tilespmem:s26+$0x4100];
	s0 =	sor.u32 s0, s4  }
0x482: {  	v49 =	vld [tilespmem:s0+$0x4120]  }
0x483: {  	v50 =	vld [tilespmem:s0+$0x4190]  }
0x484: {  	v51 =	vld [tilespmem:s0+$0x4130]  }
0x485: {  	v52 =	vld [tilespmem:s0+$0x4150]  }
0x486: {  	v53 =	vld [tilespmem:s0+$0x41B0]  }
0x487: {  	v54 =	vld [tilespmem:s0+$0x4160]  }
0x488: {  	v55 =	vld [tilespmem:s0+$0x4170]  }
0x489: {  	v57 =	vld [tilespmem:s0+$0x41D0]  }
0x48a: {  	v24 =	vld [tilespmem:s0+$0x4510]  }
0x48b: {  	v25 =	vld [tilespmem:s0+$0x4520]  }
0x48c: {  	v58 =	vld [tilespmem:s0+$0x4530]  }
0x48d: {  	v59 =	vld [tilespmem:s0+$0x4540]  }
0x48e: {  	v60 =	vld [tilespmem:s0+$0x4550]  }
0x48f: {  	v61 =	vld [tilespmem:s0+$0x4560]  }
0x490: {  	v26 =	vld [tilespmem:s0+$0x4570]  }
0x491: {  	v27 =	vld [tilespmem:s0+$0x4590]  }
0x492: {  	v39 =	vld [tilespmem:s0+$0x49F0]  }
0x493: {  	s7 =	sor.u32 $0xC30, s24;
	[tilespmem:s8+$0xC100] =	vst v9;
	v9 =	vld [tilespmem:s2+$0x4980]  }
0x494: {  	[tilespmem:s2+$0xC550] =	vst v3;
	v13 =	vld [tilespmem:s7+$0x4100]  }
0x495: {  	v3 =	vld.idx.msk [tilespmem:v16+s5+$0x0], $0xffff  }
0x496: {  	s25 =	sor.u32 $0xC40, s1;
	v16 =	vld [tilespmem:s2+$0x4970];
	[tilespmem:s23+$0xC100] =	vst v10  }
0x497: {  	[tilespmem:s2+$0xC5E0] =	vst v12;
	v10 =	vld [tilespmem:s25+$0x4100]  }
0x498: {  	v12 =	vld.idx.msk [tilespmem:v11+s5+$0x0], $0xffff  }
0x499: {  	v11 =	vld.idx.msk [tilespmem:v1+s5+$0x0], $0xffff  }
0x49a: {  	v1 =	vld [tilespmem:s2+$0x4990];
	[tilespmem:s2+$0xC560] =	vst v3  }
0x49b: {  	v14 =	vld.idx.msk [tilespmem:v21+s5+$0x0], $0xffff  }
0x49c: {  	v17 =	vld.idx.msk [tilespmem:v13+s5+$0x0], $0xffff  }
0x49d: {  	v13 =	vld [tilespmem:s0+$0x4110]  }
0x49e: {  	[tilespmem:s2+$0xC5F0] =	vst v12;
	v12 =	vld [tilespmem:s0+$0x4100]  }
0x49f: {  	v3 =	vld.idx.msk [tilespmem:v10+s5+$0x0], $0xffff  }
0x4a0: {  	v9 =	vld.idx.msk [tilespmem:v9+s5+$0x0], $0xffff  }
0x4a1: {  	[tilespmem:s26+$0xC100] =	vst v11;
	v11 =	vld [tilespmem:s0+$0x4970]  }
0x4a2: {  	v10 =	vld [tilespmem:s0+$0x4180];
	[tilespmem:s2+$0xC570] =	vst v14  }
0x4a3: {  	v14 =	vld.idx.msk [tilespmem:v2+s5+$0x0], $0xffff  }
0x4a4: {  	s12 =	sor.u32 $0xC50, s1;
	v2 =	vld [tilespmem:s0+$0x4920];
	[tilespmem:s25+$0xC100] =	vst v3  }
0x4a5: {  	s18 =	sor.u32 $0xC40, s24;
	[tilespmem:s7+$0xC100] =	vst v17;
	v3 =	vld [tilespmem:s12+$0x4100]  }
0x4a6: {  	v17 =	vld [tilespmem:s18+$0x4100]  }
0x4a7: {  	[tilespmem:s2+$0xC980] =	vst v9;
	v9 =	vld [tilespmem:s2+$0x49A0]  }
0x4a8: {  	v1 =	vld.idx.msk [tilespmem:v1+s5+$0x0], $0xffff  }
0x4a9: {  	v12 =	vld.idx.msk [tilespmem:v12+s5+$0x0], $0xffff  }
0x4aa: {  	[tilespmem:s2+$0xC900] =	vst v14;
	v14 =	vld [tilespmem:s0+$0x4930]  }
0x4ab: {  	v10 =	vld.idx.msk [tilespmem:v10+s5+$0x0], $0xffff  }
0x4ac: {  	v7 =	vld.idx.msk [tilespmem:v7+s5+$0x0], $0xffff  }
0x4ad: {  	v3 =	vld.idx.msk [tilespmem:v3+s5+$0x0], $0xffff  }
0x4ae: {  	[tilespmem:s2+$0xC990] =	vst v1;
	v1 =	vld [tilespmem:s2+$0x49B0]  }
0x4af: {  	[tilespmem:s0+$0xC100] =	vst v12;
	v9 =	vld.idx.msk [tilespmem:v9+s5+$0x0], $0xffff  }
0x4b0: {  	[tilespmem:s0+$0xC180] =	vst v10;
	v10 =	vld [tilespmem:s0+$0x41A0]  }
0x4b1: {  	v12 =	vld.idx.msk [tilespmem:v13+s5+$0x0], $0xffff  }
0x4b2: {  	s13 =	sor.u32 $0xC60, s1;
	v19 =	vld.idx.msk [tilespmem:v50+s5+$0x0], $0xffff;
	[tilespmem:s12+$0xC100] =	vst v3  }
0x4b3: {  	v3 =	vld [tilespmem:s13+$0x4100]  }
0x4b4: {  	v13 =	vld [tilespmem:s0+$0x4140]  }
0x4b5: {  	[tilespmem:s2+$0xC910] =	vst v7;
	v7 =	vld [tilespmem:s0+$0x45A0]  }
0x4b6: {  	v6 =	vld.idx.msk [tilespmem:v6+s5+$0x0], $0xffff;
	[tilespmem:s2+$0xC9A0] =	vst v9  }
0x4b7: {  	v9 =	vld [tilespmem:s2+$0x49C0];
	[tilespmem:s0+$0xC190] =	vst v19  }
0x4b8: {  	v10 =	vld.idx.msk [tilespmem:v10+s5+$0x0], $0xffff  }
0x4b9: {  	[tilespmem:s0+$0xC110] =	vst v12;
	v1 =	vld.idx.msk [tilespmem:v1+s5+$0x0], $0xffff  }
0x4ba: {  	v12 =	vld.idx.msk [tilespmem:v49+s5+$0x0], $0xffff  }
0x4bb: {  	[tilespmem:s2+$0xC920] =	vst v6;
	v3 =	vld.idx.msk [tilespmem:v3+s5+$0x0], $0xffff  }
0x4bc: {  	v4 =	vld.idx.msk [tilespmem:v4+s5+$0x0], $0xffff  }
0x4bd: {  	[tilespmem:s0+$0xC1A0] =	vst v10;
	v10 =	vld [tilespmem:s0+$0x41C0]  }
0x4be: {  	[tilespmem:s2+$0xC9B0] =	vst v1;
	v1 =	vld [tilespmem:s2+$0x49D0]  }
0x4bf: {  	[tilespmem:s0+$0xC120] =	vst v12;
	v19 =	vld.idx.msk [tilespmem:v53+s5+$0x0], $0xffff  }
0x4c0: {  	s3 =	sor.u32 $0xC70, s1;
	v12 =	vld.idx.msk [tilespmem:v51+s5+$0x0], $0xffff;
	[tilespmem:s13+$0xC100] =	vst v3  }
0x4c1: {  	v3 =	vld [tilespmem:s3+$0x4100]  }
0x4c2: {  	v9 =	vld.idx.msk [tilespmem:v9+s5+$0x0], $0xffff  }
0x4c3: {  	v6 =	vld [tilespmem:s0+$0x45B0];
	[tilespmem:s2+$0xC930] =	vst v4  }
0x4c4: {  	v5 =	vld.idx.msk [tilespmem:v5+s5+$0x0], $0xffff;
	[tilespmem:s0+$0xC1B0] =	vst v19  }
0x4c5: {  	v23 =	vld.idx.msk [tilespmem:v10+s5+$0x0], $0xffff  }
0x4c6: {  	[tilespmem:s0+$0xC130] =	vst v12;
	v12 =	vld [tilespmem:s0+$0x41E0]  }
0x4c7: {  	[tilespmem:s2+$0xC9C0] =	vst v9;
	v9 =	vld [tilespmem:s2+$0x49E0]  }
0x4c8: {  	v1 =	vld.idx.msk [tilespmem:v1+s5+$0x0], $0xffff  }
0x4c9: {  	v10 =	vld.idx.msk [tilespmem:v3+s5+$0x0], $0xffff  }
0x4ca: {  	[tilespmem:s0+$0xC1C0] =	vst v23;
	v3 =	vld.idx.msk [tilespmem:v13+s5+$0x0], $0xffff  }
0x4cb: {  	s9 =	sor.u32 $0xC10, s31;
	v13 =	vld.idx.msk [tilespmem:v57+s5+$0x0], $0xffff  }
0x4cc: {  	v4 =	vld [tilespmem:s9+$0x4100];
	[tilespmem:s2+$0xC940] =	vst v5  }
0x4cd: {  	v5 =	vld.idx.msk [tilespmem:v8+s5+$0x0], $0xffff  }
0x4ce: {  	v8 =	vld.idx.msk [tilespmem:v17+s5+$0x0], $0xffff;
	[tilespmem:s2+$0xC9D0] =	vst v1  }
0x4cf: {  	v1 =	vld.idx.msk [tilespmem:v9+s5+$0x0], $0xffff;
	[tilespmem:s0+$0xC140] =	vst v3  }
0x4d0: {  	[tilespmem:s0+$0xC1D0] =	vst v13;
	v13 =	vld [tilespmem:s0+$0x41F0]  }
0x4d1: {  	v3 =	vld.idx.msk [tilespmem:v52+s5+$0x0], $0xffff  }
0x4d2: {  	v12 =	vld.idx.msk [tilespmem:v12+s5+$0x0], $0xffff  }
0x4d3: {  	v17 =	vld [tilespmem:s0+$0x45D0]  }
0x4d4: {  	v4 =	vld.idx.msk [tilespmem:v4+s5+$0x0], $0xffff;
	[tilespmem:s2+$0xC9E0] =	vst v1  }
0x4d5: {  	s14 =	simm.s32 $0x2;
	[tilespmem:s18+$0xC100] =	vst v8;
	v1 =	vld.idx.msk [tilespmem:v56+s5+$0x0], $0xffff  }
0x4d6: {  	s1 =	sand.u32 $0x3, s14;
	v8 =	vld [tilespmem:s0+$0x45E0];
	[tilespmem:s0+$0xC150] =	vst v3  }
0x4d7: {  	s1 =	sshll.u32 s1, $0x8;
	[tilespmem:s0+$0xC1E0] =	vst v12;
	v12 =	vld [tilespmem:s0+$0x4580]  }
0x4d8: {  	s1 =	sadd.s32 $0x800, s1;
	v18 =	vld.idx.msk [tilespmem:v54+s5+$0x0], $0xffff  }
0x4d9: {  	s4 =	sadd.s32 $0x80, s1;
	v9 =	vld [tilespmem:s0+$0x4500]  }
0x4da: {  	s15 =	sor.u32 $0xC00, s4;
	[tilespmem:s2+$0xC9F0] =	vst v1;
	v13 =	vld.idx.msk [tilespmem:v13+s5+$0x0], $0xffff  }
0x4db: {  	[tilespmem:s2+$0xC950] =	vst v5;
	v3 =	vld [tilespmem:s15+$0x4100]  }
0x4dc: {  	s20 =	sor.u32 $0xC50, s24;
	v5 =	vld.idx.msk [tilespmem:v15+s5+$0x0], $0xffff  }
0x4dd: {  	v15 =	vld [tilespmem:s20+$0x4100];
	[tilespmem:s0+$0xC160] =	vst v18  }
0x4de: {  	s11 =	simm.s32 $0x400;
	s10 =	sor.u32 $0xC20, s31;
	s26 =	simm.s32 $0x1000;
	[tilespmem:s9+$0xC100] =	vst v4;
	v20 =	vld.idx.msk [tilespmem:v55+s5+$0x0], $0xffff  }
0x4df: {  	s12 =	sand.u32 $0x3000, s26;
	s9 =	sand.u32 $0x300, s11;
	v4 =	vld [tilespmem:s10+$0x4100];
	[tilespmem:s0+$0xC1F0] =	vst v13  }
0x4e0: {  	s25 =	sor.u32 s9, s12;
	v28 =	vld.idx.msk [tilespmem:v12+s5+$0x0], $0xffff  }
0x4e1: {  	v30 =	vld [tilespmem:s25+$0x4110]  }
0x4e2: {  	v31 =	vld [tilespmem:s25+$0x4120]  }
0x4e3: {  	v62 =	vld.idx.msk [tilespmem:v3+s5+$0x0], $0xffff;
	[tilespmem:s0+$0xC170] =	vst v20  }
0x4e4: {  	v9 =	vld.idx.msk [tilespmem:v9+s5+$0x0], $0xffff  }
0x4e5: {  	v32 =	vld [tilespmem:s25+$0x4190];
	[tilespmem:s0+$0xC580] =	vst v28  }
0x4e6: {  	v63 =	vld.idx.msk [tilespmem:v27+s5+$0x0], $0xffff  }
0x4e7: {  	v33 =	vld [tilespmem:s25+$0x4130]  }
0x4e8: {  	s16 =	sor.u32 $0xC10, s4;
	v34 =	vld [tilespmem:s25+$0x4140];
	[tilespmem:s15+$0xC100] =	vst v62  }
0x4e9: {  	v18 =	vld [tilespmem:s16+$0x4100];
	[tilespmem:s0+$0xC500] =	vst v9  }
0x4ea: {  	v24 =	vld.idx.msk [tilespmem:v24+s5+$0x0], $0xffff  }
0x4eb: {  	v35 =	vld [tilespmem:s25+$0x4150];
	[tilespmem:s0+$0xC590] =	vst v63  }
0x4ec: {  	v7 =	vld.idx.msk [tilespmem:v7+s5+$0x0], $0xffff  }
0x4ed: {  	v36 =	vld [tilespmem:s25+$0x41B0]  }
0x4ee: {  	v37 =	vld [tilespmem:s25+$0x4160]  }
0x4ef: {  	v38 =	vld [tilespmem:s25+$0x4170];
	[tilespmem:s0+$0xC510] =	vst v24  }
0x4f0: {  	v27 =	vld.idx.msk [tilespmem:v25+s5+$0x0], $0xffff  }
0x4f1: {  	[tilespmem:s0+$0xC5A0] =	vst v7;
	v7 =	vld [tilespmem:s0+$0x45C0]  }
0x4f2: {  	v18 =	vld.idx.msk [tilespmem:v18+s5+$0x0], $0xffff  }
0x4f3: {  	v6 =	vld.idx.msk [tilespmem:v6+s5+$0x0], $0xffff  }
0x4f4: {  	v40 =	vld [tilespmem:s25+$0x41D0]  }
0x4f5: {  	v41 =	vld [tilespmem:s25+$0x4510]  }
0x4f6: {  	v42 =	vld [tilespmem:s25+$0x4520];
	[tilespmem:s0+$0xC520] =	vst v27  }
0x4f7: {  	s17 =	sor.u32 $0xC20, s4;
	[tilespmem:s16+$0xC100] =	vst v18;
	v19 =	vld.idx.msk [tilespmem:v58+s5+$0x0], $0xffff  }
0x4f8: {  	v18 =	vld [tilespmem:s17+$0x4100];
	[tilespmem:s0+$0xC5B0] =	vst v6  }
0x4f9: {  	v7 =	vld.idx.msk [tilespmem:v7+s5+$0x0], $0xffff  }
0x4fa: {  	v43 =	vld [tilespmem:s25+$0x4530]  }
0x4fb: {  	v44 =	vld [tilespmem:s25+$0x4540]  }
0x4fc: {  	v45 =	vld [tilespmem:s25+$0x4550];
	[tilespmem:s0+$0xC530] =	vst v19  }
0x4fd: {  	v28 =	vld.idx.msk [tilespmem:v59+s5+$0x0], $0xffff  }
0x4fe: {  	v46 =	vld [tilespmem:s25+$0x41F0];
	[tilespmem:s0+$0xC5C0] =	vst v7  }
0x4ff: {  	v7 =	vld.idx.msk [tilespmem:v17+s5+$0x0], $0xffff  }
0x500: {  	v48 =	vld [tilespmem:s25+$0x4560]  }
0x501: {  	[tilespmem:s2+$0xC960] =	vst v5;
	v18 =	vld.idx.msk [tilespmem:v18+s5+$0x0], $0xffff  }
0x502: {  	v16 =	vld.idx.msk [tilespmem:v16+s5+$0x0], $0xffff;
	[tilespmem:s0+$0xC540] =	vst v28  }
0x503: {  	v5 =	vld.idx.msk [tilespmem:v60+s5+$0x0], $0xffff  }
0x504: {  	[tilespmem:s0+$0xC5D0] =	vst v7;
	v7 =	vld [tilespmem:s0+$0x45F0]  }
0x505: {  	v4 =	vld.idx.msk [tilespmem:v4+s5+$0x0], $0xffff  }
0x506: {  	s19 =	sor.u32 $0xC30, s4;
	[tilespmem:s17+$0xC100] =	vst v18;
	v8 =	vld.idx.msk [tilespmem:v8+s5+$0x0], $0xffff  }
0x507: {  	s22 =	sor.u32 $0xC00, s1;
	[tilespmem:s2+$0xC970] =	vst v16;
	v6 =	vld [tilespmem:s19+$0x4100]  }
0x508: {  	[tilespmem:s0+$0xC550] =	vst v5;
	v5 =	vld [tilespmem:s22+$0x4100]  }
0x509: {  	v49 =	vld [tilespmem:s25+$0x4570]  }
0x50a: {  	[tilespmem:s10+$0xC100] =	vst v4;
	v4 =	vld [tilespmem:s0+$0x4980]  }
0x50b: {  	v17 =	vld.idx.msk [tilespmem:v61+s5+$0x0], $0xffff;
	[tilespmem:s0+$0xC5E0] =	vst v8  }
0x50c: {  	v7 =	vld.idx.msk [tilespmem:v7+s5+$0x0], $0xffff  }
0x50d: {  	v50 =	vld [tilespmem:s25+$0x4580]  }
0x50e: {  	v51 =	vld [tilespmem:s25+$0x4590]  }
0x50f: {  	v6 =	vld.idx.msk [tilespmem:v6+s5+$0x0], $0xffff  }
0x510: {  	[tilespmem:s0+$0xC560] =	vst v17;
	v17 =	vld.idx.msk [tilespmem:v5+s5+$0x0], $0xffff  }
0x511: {  	v5 =	vld [tilespmem:s0+$0x4990];
	[tilespmem:s0+$0xC5F0] =	vst v7  }
0x512: {  	v4 =	vld.idx.msk [tilespmem:v4+s5+$0x0], $0xffff  }
0x513: {  	v56 =	vld [tilespmem:s25+$0x45B0]  }
0x514: {  	s21 =	sor.u32 $0xC40, s4;
	v15 =	vld.idx.msk [tilespmem:v15+s5+$0x0], $0xffff;
	[tilespmem:s19+$0xC100] =	vst v6  }
0x515: {  	v6 =	vld [tilespmem:s21+$0x4100]  }
0x516: {  	v1 =	vld [tilespmem:s0+$0x4900]  }
0x517: {  	[tilespmem:s0+$0xC980] =	vst v4;
	v4 =	vld [tilespmem:s0+$0x49A0]  }
0x518: {  	v7 =	vld [tilespmem:s25+$0x4180]  }
0x519: {  	v5 =	vld.idx.msk [tilespmem:v5+s5+$0x0], $0xffff  }
0x51a: {  	s2 =	sor.u32 $0xC60, s24;
	[tilespmem:s20+$0xC100] =	vst v15;
	v15 =	vld [tilespmem:s25+$0x4100]  }
0x51b: {  	s23 =	sor.u32 $0xC30, s31;
	v16 =	vld [tilespmem:s2+$0x4100]  }
0x51c: {  	v29 =	vld [tilespmem:s23+$0x4100]  }
0x51d: {  	v6 =	vld.idx.msk [tilespmem:v6+s5+$0x0], $0xffff  }
0x51e: {  	[tilespmem:s0+$0xC990] =	vst v5;
	v5 =	vld [tilespmem:s0+$0x49B0]  }
0x51f: {  	v4 =	vld.idx.msk [tilespmem:v4+s5+$0x0], $0xffff  }
0x520: {  	v7 =	vld.idx.msk [tilespmem:v7+s5+$0x0], $0xffff  }
0x521: {  	v54 =	vld [tilespmem:s25+$0x45A0]  }
0x522: {  	s13 =	sor.u32 $0xC50, s4;
	v15 =	vld.idx.msk [tilespmem:v15+s5+$0x0], $0xffff;
	[tilespmem:s21+$0xC100] =	vst v6  }
0x523: {  	v6 =	vld [tilespmem:s13+$0x4100]  }
0x524: {  	[tilespmem:s0+$0xC9A0] =	vst v4;
	v4 =	vld [tilespmem:s0+$0x49C0]  }
0x525: {  	[tilespmem:s25+$0xC180] =	vst v7;
	v7 =	vld [tilespmem:s25+$0x41A0]  }
0x526: {  	v5 =	vld.idx.msk [tilespmem:v5+s5+$0x0], $0xffff  }
0x527: {  	v21 =	vld.idx.msk [tilespmem:v32+s5+$0x0], $0xffff  }
0x528: {  	v13 =	vld [tilespmem:s0+$0x4940];
	[tilespmem:s25+$0xC100] =	vst v15  }
0x529: {  	v15 =	vld.idx.msk [tilespmem:v30+s5+$0x0], $0xffff  }
0x52a: {  	v16 =	vld.idx.msk [tilespmem:v16+s5+$0x0], $0xffff  }
0x52b: {  	[tilespmem:s0+$0xC9B0] =	vst v5;
	v5 =	vld [tilespmem:s0+$0x49D0]  }
0x52c: {  	[tilespmem:s25+$0xC190] =	vst v21;
	v4 =	vld.idx.msk [tilespmem:v4+s5+$0x0], $0xffff  }
0x52d: {  	v7 =	vld.idx.msk [tilespmem:v7+s5+$0x0], $0xffff  }
0x52e: {  	[tilespmem:s25+$0xC110] =	vst v15;
	v6 =	vld.idx.msk [tilespmem:v6+s5+$0x0], $0xffff  }
0x52f: {  	v15 =	vld.idx.msk [tilespmem:v31+s5+$0x0], $0xffff  }
0x530: {  	v8 =	vld.idx.msk [tilespmem:v26+s5+$0x0], $0xffff  }
0x531: {  	[tilespmem:s0+$0xC9C0] =	vst v4;
	v4 =	vld [tilespmem:s0+$0x49E0]  }
0x532: {  	[tilespmem:s25+$0xC1A0] =	vst v7;
	v7 =	vld [tilespmem:s25+$0x41C0]  }
0x533: {  	s14 =	sor.u32 $0xC60, s4;
	[tilespmem:s13+$0xC100] =	vst v6;
	v5 =	vld.idx.msk [tilespmem:v5+s5+$0x0], $0xffff  }
0x534: {  	v6 =	vld [tilespmem:s14+$0x4100]  }
0x535: {  	[tilespmem:s25+$0xC120] =	vst v15;
	v21 =	vld.idx.msk [tilespmem:v36+s5+$0x0], $0xffff  }
0x536: {  	v22 =	vld.idx.msk [tilespmem:v33+s5+$0x0], $0xffff  }
0x537: {  	v3 =	vld [tilespmem:s0+$0x4910]  }
0x538: {  	v18 =	vld.idx.msk [tilespmem:v29+s5+$0x0], $0xffff;
	[tilespmem:s0+$0xC9D0] =	vst v5  }
0x539: {  	[tilespmem:s0+$0xC570] =	vst v8;
	v4 =	vld.idx.msk [tilespmem:v4+s5+$0x0], $0xffff  }
0x53a: {  	v29 =	vld.idx.msk [tilespmem:v1+s5+$0x0], $0xffff;
	[tilespmem:s25+$0xC1B0] =	vst v21  }
0x53b: {  	[tilespmem:s25+$0xC130] =	vst v22;
	v7 =	vld.idx.msk [tilespmem:v7+s5+$0x0], $0xffff  }
0x53c: {  	v5 =	vld.idx.msk [tilespmem:v34+s5+$0x0], $0xffff  }
0x53d: {  	v6 =	vld.idx.msk [tilespmem:v6+s5+$0x0], $0xffff  }
0x53e: {  	v12 =	vld [tilespmem:s0+$0x4950];
	[tilespmem:s0+$0xC9E0] =	vst v4  }
0x53f: {  	s30 =	simm.s32 $0x3;
	[tilespmem:s0+$0xC900] =	vst v29;
	v4 =	vld.idx.msk [tilespmem:v39+s5+$0x0], $0xffff  }
0x540: {  	s15 =	sand.u32 $0x3, s30;
	v3 =	vld.idx.msk [tilespmem:v3+s5+$0x0], $0xffff;
	[tilespmem:s25+$0xC1C0] =	vst v7  }
0x541: {  	s6 =	sor.u32 $0xC70, s4;
	s4 =	sshll.u32 s15, $0x8;
	v7 =	vld [tilespmem:s25+$0x41E0];
	[tilespmem:s25+$0xC140] =	vst v5  }
0x542: {  	[tilespmem:s14+$0xC100] =	vst v6;
	s14 =	sadd.s32 $0xC00, s4;
	v5 =	vld.idx.msk [tilespmem:v35+s5+$0x0], $0xffff  }
0x543: {  	v21 =	vld.idx.msk [tilespmem:v40+s5+$0x0], $0xffff;
	s28 =	sadd.s32 $0x80, s14  }
0x544: {  	v6 =	vld [tilespmem:s6+$0x4100];
	s16 =	sor.u32 $0xC00, s28;
	[tilespmem:s0+$0xC9F0] =	vst v4  }
0x545: {  	v4 =	vld [tilespmem:s16+$0x4100]  }
0x546: {  	v9 =	vld [tilespmem:s0+$0x4960]  }
0x547: {  	v58 =	vld [tilespmem:s25+$0x45C0];
	[tilespmem:s25+$0xC150] =	vst v5  }
0x548: {  	s20 =	sor.u32 $0xC40, s31;
	[tilespmem:s23+$0xC100] =	vst v18;
	v5 =	vld.idx.msk [tilespmem:v37+s5+$0x0], $0xffff  }
0x549: {  	v18 =	vld [tilespmem:s20+$0x4100];
	[tilespmem:s25+$0xC1D0] =	vst v21  }
0x54a: {  	[tilespmem:s0+$0xC910] =	vst v3;
	v47 =	vld.idx.msk [tilespmem:v7+s5+$0x0], $0xffff  }
0x54b: {  	v2 =	vld.idx.msk [tilespmem:v2+s5+$0x0], $0xffff  }
0x54c: {  	v15 =	vld.idx.msk [tilespmem:v6+s5+$0x0], $0xffff  }
0x54d: {  	[tilespmem:s25+$0xC160] =	vst v5;
	v4 =	vld.idx.msk [tilespmem:v4+s5+$0x0], $0xffff  }
0x54e: {  	v5 =	vld.idx.msk [tilespmem:v38+s5+$0x0], $0xffff  }
0x54f: {  	v6 =	vld [tilespmem:s25+$0x4500];
	[tilespmem:s25+$0xC1E0] =	vst v47  }
0x550: {  	s24 =	sor.u32 $0xC70, s24;
	[tilespmem:s2+$0xC100] =	vst v16;
	v21 =	vld.idx.msk [tilespmem:v46+s5+$0x0], $0xffff  }
0x551: {  	v61 =	vld [tilespmem:s24+$0x4100];
	[tilespmem:s0+$0xC920] =	vst v2  }
0x552: {  	v14 =	vld.idx.msk [tilespmem:v14+s5+$0x0], $0xffff;
	s17 =	sor.u32 $0xC10, s28;
	[tilespmem:s16+$0xC100] =	vst v4  }
0x553: {  	[tilespmem:s25+$0xC170] =	vst v5;
	v5 =	vld [tilespmem:s17+$0x4100]  }
0x554: {  	v59 =	vld [tilespmem:s25+$0x45D0]  }
0x555: {  	v18 =	vld.idx.msk [tilespmem:v18+s5+$0x0], $0xffff;
	[tilespmem:s25+$0xC1F0] =	vst v21  }
0x556: {  	s19 =	sor.u32 $0xC10, s1;
	[tilespmem:s22+$0xC100] =	vst v17;
	v52 =	vld.idx.msk [tilespmem:v50+s5+$0x0], $0xffff  }
0x557: {  	[tilespmem:s0+$0xC930] =	vst v14;
	v14 =	vld [tilespmem:s19+$0x4100]  }
0x558: {  	v53 =	vld.idx.msk [tilespmem:v6+s5+$0x0], $0xffff  }
0x559: {  	v13 =	vld.idx.msk [tilespmem:v13+s5+$0x0], $0xffff  }
0x55a: {  	[tilespmem:s29+$0xC100] =	vst v0;
	v0 =	vld.idx.msk [tilespmem:v61+s5+$0x0], $0xffff  }
0x55b: {  	[tilespmem:s25+$0xC580] =	vst v52;
	v55 =	vld.idx.msk [tilespmem:v5+s5+$0x0], $0xffff  }
0x55c: {  	v21 =	vld.idx.msk [tilespmem:v51+s5+$0x0], $0xffff  }
0x55d: {  	v8 =	vld [tilespmem:s25+$0x4910];
	[tilespmem:s25+$0xC500] =	vst v53  }
0x55e: {  	[tilespmem:s0+$0xC940] =	vst v13;
	v19 =	vld.idx.msk [tilespmem:v41+s5+$0x0], $0xffff  }
0x55f: {  	v12 =	vld.idx.msk [tilespmem:v12+s5+$0x0], $0xffff  }
0x560: {  	v14 =	vld.idx.msk [tilespmem:v14+s5+$0x0], $0xffff;
	s18 =	sor.u32 $0xC20, s28;
	[tilespmem:s17+$0xC100] =	vst v55  }
0x561: {  	[tilespmem:s25+$0xC590] =	vst v21;
	v57 =	vld [tilespmem:s18+$0x4100]  }
0x562: {  	v24 =	vld.idx.msk [tilespmem:v54+s5+$0x0], $0xffff  }
0x563: {  	v1 =	vld [tilespmem:s25+$0x4920];
	[tilespmem:s25+$0xC510] =	vst v19  }
0x564: {  	[tilespmem:s0+$0xC950] =	vst v12;
	v17 =	vld.idx.msk [tilespmem:v42+s5+$0x0], $0xffff  }
0x565: {  	s23 =	sor.u32 $0xC50, s31;
	[tilespmem:s20+$0xC100] =	vst v18;
	v9 =	vld.idx.msk [tilespmem:v9+s5+$0x0], $0xffff  }
0x566: {  	s22 =	sor.u32 $0xC20, s1;
	[tilespmem:s19+$0xC100] =	vst v14;
	v14 =	vld [tilespmem:s23+$0x4100]  }
0x567: {  	v12 =	vld [tilespmem:s22+$0x4100];
	[tilespmem:s25+$0xC5A0] =	vst v24  }
0x568: {  	v21 =	vld.idx.msk [tilespmem:v56+s5+$0x0], $0xffff  }
0x569: {  	[tilespmem:s25+$0xC520] =	vst v17;
	v17 =	vld.idx.msk [tilespmem:v57+s5+$0x0], $0xffff  }
0x56a: {  	v13 =	vld.idx.msk [tilespmem:v43+s5+$0x0], $0xffff  }
0x56b: {  	v3 =	vld [tilespmem:s25+$0x4950]  }
0x56c: {  	v2 =	vld [tilespmem:s25+$0x4970];
	[tilespmem:s0+$0xC960] =	vst v9  }
0x56d: {  	v11 =	vld.idx.msk [tilespmem:v11+s5+$0x0], $0xffff;
	[tilespmem:s25+$0xC5B0] =	vst v21  }
0x56e: {  	s21 =	sor.u32 $0xC30, s28;
	[tilespmem:s18+$0xC100] =	vst v17;
	v17 =	vld.idx.msk [tilespmem:v58+s5+$0x0], $0xffff  }
0x56f: {  	[tilespmem:s25+$0xC530] =	vst v13;
	v13 =	vld [tilespmem:s21+$0x4100]  }
0x570: {  	v7 =	vld [tilespmem:s25+$0x4900]  }
0x571: {  	v14 =	vld.idx.msk [tilespmem:v14+s5+$0x0], $0xffff  }
0x572: {  	v12 =	vld.idx.msk [tilespmem:v12+s5+$0x0], $0xffff  }
0x573: {  	v60 =	vld.idx.msk [tilespmem:v44+s5+$0x0], $0xffff  }
0x574: {  	[tilespmem:s25+$0xC5C0] =	vst v17;
	v17 =	vld [tilespmem:s25+$0x45E0]  }
0x575: {  	s13 =	sor.u32 $0xC00, s14;
	[tilespmem:s0+$0xC970] =	vst v11;
	v16 =	vld.idx.msk [tilespmem:v59+s5+$0x0], $0xffff  }
0x576: {  	v63 =	vld [tilespmem:s13+$0x4100]  }
0x577: {  	[tilespmem:s6+$0xC100] =	vst v15;
	v13 =	vld.idx.msk [tilespmem:v13+s5+$0x0], $0xffff  }
0x578: {  	v15 =	vld [tilespmem:s25+$0x4990];
	[tilespmem:s25+$0xC540] =	vst v60  }
0x579: {  	[tilespmem:s22+$0xC100] =	vst v12;
	v9 =	vld.idx.msk [tilespmem:v45+s5+$0x0], $0xffff  }
0x57a: {  	s10 =	sor.u32 $0xC30, s1;
	[tilespmem:s25+$0xC5D0] =	vst v16;
	v16 =	vld [tilespmem:s25+$0x45F0]  }
0x57b: {  	v11 =	vld [tilespmem:s10+$0x4100]  }
0x57c: {  	s15 =	sor.u32 $0xC40, s28;
	v17 =	vld.idx.msk [tilespmem:v17+s5+$0x0], $0xffff;
	[tilespmem:s21+$0xC100] =	vst v13  }
0x57d: {  	[tilespmem:s3+$0xC100] =	vst v10;
	v62 =	vld [tilespmem:s15+$0x4100]  }
0x57e: {  	v10 =	vld.idx.msk [tilespmem:v63+s5+$0x0], $0xffff;
	[tilespmem:s25+$0xC550] =	vst v9  }
0x57f: {  	v20 =	vld.idx.msk [tilespmem:v48+s5+$0x0], $0xffff  }
0x580: {  	v13 =	vld [tilespmem:s25+$0x4980]  }
0x581: {  	v6 =	vld [tilespmem:s25+$0x4930];
	[tilespmem:s25+$0xC5E0] =	vst v17  }
0x582: {  	s29 =	sor.u32 $0xC70, s31;
	v16 =	vld.idx.msk [tilespmem:v16+s5+$0x0], $0xffff  }
0x583: {  	s8 =	sor.u32 $0xC50, s1;
	s7 =	sor.u32 $0xC40, s1;
	s12 =	simm.s32 $0x8;
	v4 =	vld [tilespmem:s25+$0x4940]  }
0x584: {  	s2 =	sor.u32 $0xC60, s31;
	s31 =	sor.u32 $0xC70, s1;
	s11 =	sor.u32 $0xC10, s14;
	v5 =	vld [tilespmem:s25+$0x4960]  }
0x585: {  	s19 =	sor.u32 $0xC20, s14;
	s4 =	sor.u32 $0xC30, s14;
	s9 =	sor.u32 $0xC50, s14;
	[tilespmem:s25+$0xC560] =	vst v20;
	v12 =	vld.idx.msk [tilespmem:v62+s5+$0x0], $0xffff  }
0x586: {  	s3 =	sor.u32 $0xC60, s14;
	s0 =	sor.u32 $0xC60, s1;
	s1 =	simm.s32 $0x1400;
	[tilespmem:s23+$0xC100] =	vst v14;
	v14 =	vld.idx.msk [tilespmem:v49+s5+$0x0], $0xffff  }
0x587: {  	s17 =	simm.s32 $0x500;
	s18 =	sor.u32 $0xC40, s14;
	s14 =	sor.u32 $0xC70, s14;
	v9 =	vld [tilespmem:s2+$0x4100];
	[tilespmem:s25+$0xC5F0] =	vst v16  }
.LBB2_9:
0x588: {  	s6 =	sand.u32 $0x3000, s1;
	s16 =	sand.u32 $0x300, s17;
	v13 =	vld.idx.msk [tilespmem:v13+s5+$0x0], $0xffff  }
0x589: {  	s16 =	sor.u32 s16, s6;
	v11 =	vld.idx.msk [tilespmem:v11+s5+$0x0], $0xffff;
	[tilespmem:s24+$0xC100] =	vst v0;
	s24 =	smov.u32 s29;
	s29 =	smov.u32 s31  }
0x58a: {  	s6 =	sor.u32 $0xC50, s28;
	s31 =	smov.u32 s14;
	v0 =	vld [tilespmem:s16+$0x4180];
	[tilespmem:s15+$0xC100] =	vst v12  }
0x58b: {  	[tilespmem:s25+$0xC570] =	vst v14;
	v12 =	vld [tilespmem:s6+$0x4100]  }
0x58c: {  	v14 =	vld [tilespmem:s16+$0x4100];
	[tilespmem:s13+$0xC100] =	vst v10  }
0x58d: {  	v10 =	vld [tilespmem:s16+$0x4110]  }
0x58e: {  	s12 =	sadd.s32 $0x2, s12;
	[tilespmem:s25+$0xC980] =	vst v13;
	v13 =	vld [tilespmem:s25+$0x49A0]  }
0x58f: {  	p0 =	slt.u32 s12, $0x1E;
	v15 =	vld.idx.msk [tilespmem:v15+s5+$0x0], $0xffff;
	[tilespmem:s10+$0xC100] =	vst v11;
	s10 =	smov.u32 s4  }
0x590: {  	v11 =	vld [tilespmem:s16+$0x4120]  }
0x591: {  	v16 =	vld [tilespmem:s16+$0x4190]  }
0x592: {  	v0 =	vld.idx.msk [tilespmem:v0+s5+$0x0], $0xffff  }
0x593: {  	v12 =	vld.idx.msk [tilespmem:v12+s5+$0x0], $0xffff  }
0x594: {  	v14 =	vld.idx.msk [tilespmem:v14+s5+$0x0], $0xffff  }
0x595: {  	[tilespmem:s25+$0xC990] =	vst v15;
	v15 =	vld [tilespmem:s25+$0x49B0]  }
0x596: {  	v13 =	vld.idx.msk [tilespmem:v13+s5+$0x0], $0xffff  }
0x597: {  	v17 =	vld [tilespmem:s16+$0x4130]  }
0x598: {  	[tilespmem:s16+$0xC180] =	vst v0;
	v0 =	vld [tilespmem:s16+$0x41A0]  }
0x599: {  	s4 =	sor.u32 $0xC60, s28;
	v16 =	vld.idx.msk [tilespmem:v16+s5+$0x0], $0xffff;
	[tilespmem:s6+$0xC100] =	vst v12  }
0x59a: {  	[tilespmem:s16+$0xC100] =	vst v14;
	v12 =	vld [tilespmem:s4+$0x4100]  }
0x59b: {  	v10 =	vld.idx.msk [tilespmem:v10+s5+$0x0], $0xffff  }
0x59c: {  	[tilespmem:s25+$0xC9A0] =	vst v13;
	v13 =	vld [tilespmem:s25+$0x49C0]  }
0x59d: {  	v14 =	vld.idx.msk [tilespmem:v15+s5+$0x0], $0xffff  }
0x59e: {  	v15 =	vld [tilespmem:s16+$0x4140]  }
0x59f: {  	v18 =	vld [tilespmem:s16+$0x4150]  }
0x5a0: {  	[tilespmem:s16+$0xC190] =	vst v16;
	v16 =	vld [tilespmem:s16+$0x41B0]  }
0x5a1: {  	[tilespmem:s16+$0xC110] =	vst v10;
	v0 =	vld.idx.msk [tilespmem:v0+s5+$0x0], $0xffff  }
0x5a2: {  	v10 =	vld.idx.msk [tilespmem:v12+s5+$0x0], $0xffff  }
0x5a3: {  	[tilespmem:s25+$0xC9B0] =	vst v14;
	v12 =	vld [tilespmem:s25+$0x49D0]  }
0x5a4: {  	v13 =	vld.idx.msk [tilespmem:v13+s5+$0x0], $0xffff  }
0x5a5: {  	v11 =	vld.idx.msk [tilespmem:v11+s5+$0x0], $0xffff  }
0x5a6: {  	v14 =	vld [tilespmem:s16+$0x4160]  }
0x5a7: {  	[tilespmem:s16+$0xC1A0] =	vst v0;
	v0 =	vld [tilespmem:s16+$0x41C0]  }
0x5a8: {  	v16 =	vld.idx.msk [tilespmem:v16+s5+$0x0], $0xffff;
	[tilespmem:s4+$0xC100] =	vst v10;
	s4 =	sor.u32 $0xC70, s28  }
0x5a9: {  	v10 =	vld [tilespmem:s4+$0x4100]  }
0x5aa: {  	[tilespmem:s25+$0xC9C0] =	vst v13;
	v13 =	vld [tilespmem:s25+$0x49E0]  }
0x5ab: {  	[tilespmem:s16+$0xC120] =	vst v11;
	v11 =	vld.idx.msk [tilespmem:v12+s5+$0x0], $0xffff  }
0x5ac: {  	v12 =	vld.idx.msk [tilespmem:v17+s5+$0x0], $0xffff  }
0x5ad: {  	v17 =	vld [tilespmem:s16+$0x4170]  }
0x5ae: {  	v19 =	vld [tilespmem:s25+$0x49F0]  }
0x5af: {  	[tilespmem:s16+$0xC1B0] =	vst v16;
	v16 =	vld [tilespmem:s16+$0x41D0]  }
0x5b0: {  	v0 =	vld.idx.msk [tilespmem:v0+s5+$0x0], $0xffff  }
0x5b1: {  	[tilespmem:s25+$0xC9D0] =	vst v11;
	v10 =	vld.idx.msk [tilespmem:v10+s5+$0x0], $0xffff  }
0x5b2: {  	[tilespmem:s16+$0xC130] =	vst v12;
	v11 =	vld.idx.msk [tilespmem:v13+s5+$0x0], $0xffff  }
0x5b3: {  	v12 =	vld.idx.msk [tilespmem:v15+s5+$0x0], $0xffff  }
0x5b4: {  	v13 =	vld [tilespmem:s16+$0x4500]  }
0x5b5: {  	v15 =	vld [tilespmem:s16+$0x4510]  }
0x5b6: {  	v20 =	vld [tilespmem:s16+$0x4520];
	[tilespmem:s16+$0xC1C0] =	vst v0  }
0x5b7: {  	v21 =	vld [tilespmem:s16+$0x41E0];
	[tilespmem:s4+$0xC100] =	vst v10  }
0x5b8: {  	v10 =	vld.idx.msk [tilespmem:v16+s5+$0x0], $0xffff;
	[tilespmem:s25+$0xC9E0] =	vst v11  }
0x5b9: {  	[tilespmem:s16+$0xC140] =	vst v12;
	v11 =	vld.idx.msk [tilespmem:v19+s5+$0x0], $0xffff  }
0x5ba: {  	s30 =	sadd.s32 $0x1, s30;
	v16 =	vld.idx.msk [tilespmem:v18+s5+$0x0], $0xffff  }
0x5bb: {  	s4 =	sand.u32 $0x3, s30;
	v18 =	vld [tilespmem:s16+$0x4530]  }
0x5bc: {  	s4 =	sshll.u32 s4, $0x8;
	v12 =	vld [tilespmem:s16+$0x4540]  }
0x5bd: {  	s14 =	sadd.s32 s4, s26;
	s26 =	smov.u32 s1;
	v0 =	vld [tilespmem:s16+$0x4550]  }
0x5be: {  	s13 =	sor.u32 $0xC00, s14;
	s15 =	sor.u32 $0xC10, s14;
	s28 =	sadd.s32 $0x80, s14;
	[tilespmem:s16+$0xC1D0] =	vst v10;
	v19 =	vld [tilespmem:s16+$0x41F0]  }
0x5bf: {  	s21 =	sor.u32 $0xC20, s14;
	s4 =	sor.u32 $0xC30, s14;
	s23 =	sor.u32 $0xC00, s28;
	v21 =	vld.idx.msk [tilespmem:v21+s5+$0x0], $0xffff;
	[tilespmem:s25+$0xC9F0] =	vst v11  }
0x5c0: {  	s22 =	sor.u32 $0xC40, s14;
	s6 =	sor.u32 $0xC50, s14;
	s20 =	sor.u32 $0xC60, s14;
	[tilespmem:s16+$0xC150] =	vst v16;
	v16 =	vld [tilespmem:s23+$0x4100]  }
0x5c1: {  	s14 =	sor.u32 $0xC70, s14;
	v14 =	vld.idx.msk [tilespmem:v14+s5+$0x0], $0xffff  }
0x5c2: {  	v11 =	vld [tilespmem:s16+$0x4560]  }
0x5c3: {  	v10 =	vld [tilespmem:s16+$0x4570]  }
0x5c4: {  	v22 =	vld [tilespmem:s16+$0x4900]  }
0x5c5: {  	v23 =	vld.idx.msk [tilespmem:v7+s5+$0x0], $0xffff  }
0x5c6: {  	[tilespmem:s16+$0xC1E0] =	vst v21;
	v21 =	vld [tilespmem:s16+$0x4580]  }
0x5c7: {  	[tilespmem:s16+$0xC160] =	vst v14;
	v14 =	vld.idx.msk [tilespmem:v19+s5+$0x0], $0xffff  }
0x5c8: {  	v16 =	vld.idx.msk [tilespmem:v16+s5+$0x0], $0xffff  }
0x5c9: {  	v17 =	vld.idx.msk [tilespmem:v17+s5+$0x0], $0xffff;
	v7 =	vmov v22  }
0x5ca: {  	v19 =	vld [tilespmem:s16+$0x4910]  }
0x5cb: {  	v22 =	vld [tilespmem:s16+$0x4920];
	[tilespmem:s25+$0xC900] =	vst v23  }
0x5cc: {  	v23 =	vld.idx.msk [tilespmem:v8+s5+$0x0], $0xffff  }
0x5cd: {  	[tilespmem:s16+$0xC1F0] =	vst v14;
	v14 =	vld [tilespmem:s16+$0x4590]  }
0x5ce: {  	v21 =	vld.idx.msk [tilespmem:v21+s5+$0x0], $0xffff;
	[tilespmem:s23+$0xC100] =	vst v16;
	s23 =	sor.u32 $0xC10, s28  }
0x5cf: {  	[tilespmem:s16+$0xC170] =	vst v17;
	v16 =	vld [tilespmem:s23+$0x4100];
	v8 =	vmov v19  }
0x5d0: {  	v13 =	vld.idx.msk [tilespmem:v13+s5+$0x0], $0xffff  }
0x5d1: {  	v17 =	vld [tilespmem:s16+$0x4930]  }
0x5d2: {  	v19 =	vld [tilespmem:s16+$0x4940];
	[tilespmem:s25+$0xC910] =	vst v23  }
0x5d3: {  	v23 =	vld.idx.msk [tilespmem:v1+s5+$0x0], $0xffff;
	v1 =	vmov v22  }
0x5d4: {  	v22 =	vld [tilespmem:s16+$0x4950]  }
0x5d5: {  	[tilespmem:s16+$0xC580] =	vst v21;
	v21 =	vld [tilespmem:s16+$0x45A0]  }
0x5d6: {  	[tilespmem:s16+$0xC500] =	vst v13;
	v13 =	vld.idx.msk [tilespmem:v14+s5+$0x0], $0xffff  }
0x5d7: {  	v14 =	vld.idx.msk [tilespmem:v16+s5+$0x0], $0xffff  }
0x5d8: {  	v15 =	vld.idx.msk [tilespmem:v15+s5+$0x0], $0xffff  }
0x5d9: {  	v16 =	vld [tilespmem:s16+$0x4960];
	[tilespmem:s25+$0xC920] =	vst v23  }
0x5da: {  	v23 =	vld.idx.msk [tilespmem:v6+s5+$0x0], $0xffff;
	v6 =	vmov v17  }
0x5db: {  	v17 =	vld [tilespmem:s16+$0x4970]  }
0x5dc: {  	[tilespmem:s16+$0xC590] =	vst v13;
	v13 =	vld [tilespmem:s16+$0x45B0]  }
0x5dd: {  	v21 =	vld.idx.msk [tilespmem:v21+s5+$0x0], $0xffff;
	[tilespmem:s23+$0xC100] =	vst v14;
	s23 =	sor.u32 $0xC20, s28  }
0x5de: {  	[tilespmem:s16+$0xC510] =	vst v15;
	v14 =	vld [tilespmem:s23+$0x4100]  }
0x5df: {  	v15 =	vld.idx.msk [tilespmem:v20+s5+$0x0], $0xffff  }
0x5e0: {  	[tilespmem:s25+$0xC930] =	vst v23;
	v20 =	vld [tilespmem:s11+$0x4100]  }
0x5e1: {  	v23 =	vld.idx.msk [tilespmem:v4+s5+$0x0], $0xffff;
	v4 =	vmov v19  }
0x5e2: {  	v19 =	vld [tilespmem:s7+$0x4100]  }
0x5e3: {  	v9 =	vld.idx.msk [tilespmem:v9+s5+$0x0], $0xffff  }
0x5e4: {  	[tilespmem:s16+$0xC5A0] =	vst v21;
	v21 =	vld [tilespmem:s16+$0x45C0]  }
0x5e5: {  	[tilespmem:s16+$0xC520] =	vst v15;
	v13 =	vld.idx.msk [tilespmem:v13+s5+$0x0], $0xffff  }
0x5e6: {  	v14 =	vld.idx.msk [tilespmem:v14+s5+$0x0], $0xffff  }
0x5e7: {  	v15 =	vld.idx.msk [tilespmem:v18+s5+$0x0], $0xffff;
	[tilespmem:s25+$0xC940] =	vst v23  }
0x5e8: {  	v18 =	vld.idx.msk [tilespmem:v3+s5+$0x0], $0xffff;
	v3 =	vmov v22  }
0x5e9: {  	v20 =	vld.idx.msk [tilespmem:v20+s5+$0x0], $0xffff;
	[tilespmem:s2+$0xC100] =	vst v9;
	s2 =	smov.u32 s0;
	s0 =	smov.u32 s3;
	s3 =	smov.u32 s20  }
0x5ea: {  	v9 =	vld.idx.msk [tilespmem:v19+s5+$0x0], $0xffff  }
0x5eb: {  	[tilespmem:s16+$0xC5B0] =	vst v13;
	v13 =	vld [tilespmem:s16+$0x45D0]  }
0x5ec: {  	s20 =	sor.u32 $0xC30, s28;
	v19 =	vld.idx.msk [tilespmem:v21+s5+$0x0], $0xffff;
	[tilespmem:s23+$0xC100] =	vst v14  }
0x5ed: {  	[tilespmem:s16+$0xC530] =	vst v15;
	v14 =	vld [tilespmem:s20+$0x4100]  }
0x5ee: {  	v12 =	vld.idx.msk [tilespmem:v12+s5+$0x0], $0xffff;
	[tilespmem:s25+$0xC950] =	vst v18  }
0x5ef: {  	v15 =	vld.idx.msk [tilespmem:v5+s5+$0x0], $0xffff;
	[tilespmem:s11+$0xC100] =	vst v20;
	v5 =	vmov v16;
	s11 =	smov.u32 s15  }
0x5f0: {  	v16 =	vld [tilespmem:s19+$0x4100];
	[tilespmem:s7+$0xC100] =	vst v9;
	s7 =	smov.u32 s18;
	s18 =	smov.u32 s22  }
0x5f1: {  	v9 =	vld [tilespmem:s8+$0x4100]  }
0x5f2: {  	[tilespmem:s16+$0xC5C0] =	vst v19;
	v18 =	vld [tilespmem:s16+$0x45E0]  }
0x5f3: {  	v13 =	vld.idx.msk [tilespmem:v13+s5+$0x0], $0xffff  }
0x5f4: {  	[tilespmem:s16+$0xC540] =	vst v12;
	v12 =	vld [tilespmem:s24+$0x4100]  }
0x5f5: {  	[tilespmem:s25+$0xC960] =	vst v15;
	v14 =	vld.idx.msk [tilespmem:v14+s5+$0x0], $0xffff  }
0x5f6: {  	v0 =	vld.idx.msk [tilespmem:v0+s5+$0x0], $0xffff  }
0x5f7: {  	v15 =	vld.idx.msk [tilespmem:v2+s5+$0x0], $0xffff;
	v2 =	vmov v17  }
0x5f8: {  	v16 =	vld.idx.msk [tilespmem:v16+s5+$0x0], $0xffff  }
0x5f9: {  	[tilespmem:s16+$0xC5D0] =	vst v13;
	v17 =	vld [tilespmem:s16+$0x45F0]  }
0x5fa: {  	v13 =	vld.idx.msk [tilespmem:v18+s5+$0x0], $0xffff  }
0x5fb: {  	s15 =	sor.u32 $0xC40, s28;
	[tilespmem:s20+$0xC100] =	vst v14;
	v9 =	vld.idx.msk [tilespmem:v9+s5+$0x0], $0xffff  }
0x5fc: {  	[tilespmem:s16+$0xC550] =	vst v0;
	v14 =	vld [tilespmem:s15+$0x4100]  }
0x5fd: {  	v0 =	vld.idx.msk [tilespmem:v11+s5+$0x0], $0xffff;
	[tilespmem:s25+$0xC970] =	vst v15;
	s25 =	smov.u32 s16  }
0x5fe: {  	v15 =	vld [tilespmem:s13+$0x4100];
	[tilespmem:s19+$0xC100] =	vst v16;
	s19 =	smov.u32 s21  }
0x5ff: {  	v11 =	vld [tilespmem:s10+$0x4100]  }
0x600: {  	[tilespmem:s25+$0xC5E0] =	vst v13;
	v13 =	vld [tilespmem:s25+$0x4980]  }
0x601: {  	v16 =	vld.idx.msk [tilespmem:v17+s5+$0x0], $0xffff;
	[tilespmem:s8+$0xC100] =	vst v9;
	s8 =	smov.u32 s9;
	s9 =	smov.u32 s6  }
0x602: {  	v9 =	vld [tilespmem:s2+$0x4100]  }
.Ltmp6:
0x603: {  	[tilespmem:s25+$0xC560] =	vst v0;
	v0 =	vld.idx.msk [tilespmem:v12+s5+$0x0], $0xffff;
	(pc) =	sbr.rel @p0 .LBB2_9-.Ltmp6, $4  }
0x604: {  	v12 =	vld.idx.msk [tilespmem:v14+s5+$0x0], $0xffff  }
0x605: {  	v14 =	vld.idx.msk [tilespmem:v10+s5+$0x0], $0xffff  }
0x606: {  	v10 =	vld.idx.msk [tilespmem:v15+s5+$0x0], $0xffff  }
0x607: {  	s17 =	sadd.s32 $0x100, s17;
	s1 =	sadd.s32 $0x400, s1;
	[tilespmem:s25+$0xC5F0] =	vst v16;
	v15 =	vld [tilespmem:s25+$0x4990]  }
0x608: {  	_ =	sdelay $0x3  }
0x609: {  	v13 =	vld.idx.msk [tilespmem:v13+s5+$0x0], $0xffff  }
0x60a: {  	[tilespmem:s25+$0xC570] =	vst v14  }
0x60b: {  	v7 =	vld.idx.msk [tilespmem:v7+s5+$0x0], $0xffff;
	_ =	sdelay $0x1  }
0x60c: {  	v39 =	vld [tilespmem:s25+$0x49A0]  }
0x60d: {  	[tilespmem:s25+$0xC980] =	vst v13  }
0x60e: {  	v15 =	vld.idx.msk [tilespmem:v15+s5+$0x0], $0xffff  }
0x60f: {  	[tilespmem:s25+$0xC900] =	vst v7  }
0x610: {  	v7 =	vld.idx.msk [tilespmem:v8+s5+$0x0], $0xffff;
	_ =	sdelay $0x1  }
0x611: {  	v40 =	vld [tilespmem:s25+$0x49B0]  }
0x612: {  	[tilespmem:s25+$0xC990] =	vst v15  }
0x613: {  	v13 =	vld.idx.msk [tilespmem:v39+s5+$0x0], $0xffff  }
0x614: {  	[tilespmem:s25+$0xC910] =	vst v7  }
0x615: {  	v1 =	vld.idx.msk [tilespmem:v1+s5+$0x0], $0xffff;
	_ =	sdelay $0x1  }
0x616: {  	v41 =	vld [tilespmem:s25+$0x49C0]  }
0x617: {  	[tilespmem:s25+$0xC9A0] =	vst v13  }
0x618: {  	v13 =	vld.idx.msk [tilespmem:v40+s5+$0x0], $0xffff  }
0x619: {  	[tilespmem:s25+$0xC920] =	vst v1  }
0x61a: {  	v1 =	vld.idx.msk [tilespmem:v6+s5+$0x0], $0xffff;
	_ =	sdelay $0x1  }
0x61b: {  	v42 =	vld [tilespmem:s25+$0x49D0]  }
0x61c: {  	[tilespmem:s25+$0xC9B0] =	vst v13  }
0x61d: {  	v43 =	vld.idx.msk [tilespmem:v41+s5+$0x0], $0xffff  }
0x61e: {  	[tilespmem:s25+$0xC930] =	vst v1  }
0x61f: {  	v1 =	vld.idx.msk [tilespmem:v4+s5+$0x0], $0xffff;
	_ =	sdelay $0x1  }
0x620: {  	v44 =	vld [tilespmem:s25+$0x49E0]  }
0x621: {  	[tilespmem:s25+$0xC9C0] =	vst v43  }
0x622: {  	v6 =	vld.idx.msk [tilespmem:v42+s5+$0x0], $0xffff  }
0x623: {  	[tilespmem:s25+$0xC940] =	vst v1  }
0x624: {  	v1 =	vld.idx.msk [tilespmem:v3+s5+$0x0], $0xffff;
	_ =	sdelay $0x1  }
0x625: {  	v45 =	vld [tilespmem:s25+$0x49F0]  }
0x626: {  	[tilespmem:s25+$0xC9D0] =	vst v6  }
0x627: {  	v4 =	vld.idx.msk [tilespmem:v44+s5+$0x0], $0xffff  }
0x628: {  	[tilespmem:s25+$0xC950] =	vst v1  }
0x629: {  	v1 =	vld.idx.msk [tilespmem:v5+s5+$0x0], $0xffff;
	_ =	sdelay $0x2  }
0x62a: {  	[tilespmem:s25+$0xC9E0] =	vst v4  }
0x62b: {  	s1 =	sadd.s32 $0x1, s30;
	v3 =	vld.idx.msk [tilespmem:v45+s5+$0x0], $0xffff  }
0x62c: {  	s1 =	sand.u32 $0x3, s1;
	[tilespmem:s25+$0xC960] =	vst v1  }
0x62d: {  	s1 =	sshll.u32 s1, $0x8;
	v1 =	vld.idx.msk [tilespmem:v2+s5+$0x0], $0xffff  }
0x62e: {  	s1 =	sadd.s32 s1, s26  }
0x62f: {  	s6 =	sadd.s32 $0x80, s1  }
0x630: {  	s12 =	sor.u32 $0xC00, s6;
	[tilespmem:s25+$0xC9F0] =	vst v3  }
0x631: {  	v46 =	vld [tilespmem:s12+$0x4100]  }
0x632: {  	s16 =	sor.u32 $0xC00, s1;
	[tilespmem:s25+$0xC970] =	vst v1  }
0x633: {  	v1 =	vld [tilespmem:s16+$0x4100];
	_ =	sdelay $0x5  }
0x634: {  	v2 =	vld.idx.msk [tilespmem:v46+s5+$0x0], $0xffff;
	_ =	sdelay $0x1  }
0x635: {  	v1 =	vld.idx.msk [tilespmem:v1+s5+$0x0], $0xffff;
	_ =	sdelay $0x2  }
0x636: {  	s20 =	sor.u32 $0xC10, s6;
	[tilespmem:s12+$0xC100] =	vst v2  }
0x637: {  	[tilespmem:s13+$0xC100] =	vst v10;
	v2 =	vld [tilespmem:s20+$0x4100]  }
0x638: {  	s21 =	sor.u32 $0xC10, s1;
	v47 =	vld [tilespmem:s11+$0x4100];
	[tilespmem:s16+$0xC100] =	vst v1  }
0x639: {  	v48 =	vld [tilespmem:s21+$0x4100];
	_ =	sdelay $0x5  }
0x63a: {  	v2 =	vld.idx.msk [tilespmem:v2+s5+$0x0], $0xffff  }
0x63b: {  	v1 =	vld.idx.msk [tilespmem:v47+s5+$0x0], $0xffff  }
0x63c: {  	v3 =	vld.idx.msk [tilespmem:v48+s5+$0x0], $0xffff;
	_ =	sdelay $0x2  }
0x63d: {  	s22 =	sor.u32 $0xC20, s6;
	[tilespmem:s20+$0xC100] =	vst v2  }
0x63e: {  	[tilespmem:s11+$0xC100] =	vst v1;
	v2 =	vld [tilespmem:s22+$0x4100]  }
0x63f: {  	s23 =	sor.u32 $0xC20, s1;
	v1 =	vld [tilespmem:s19+$0x4100];
	[tilespmem:s21+$0xC100] =	vst v3  }
0x640: {  	v3 =	vld [tilespmem:s23+$0x4100];
	_ =	sdelay $0x5  }
0x641: {  	v2 =	vld.idx.msk [tilespmem:v2+s5+$0x0], $0xffff  }
0x642: {  	v1 =	vld.idx.msk [tilespmem:v1+s5+$0x0], $0xffff  }
0x643: {  	v3 =	vld.idx.msk [tilespmem:v3+s5+$0x0], $0xffff;
	_ =	sdelay $0x2  }
0x644: {  	s25 =	sor.u32 $0xC30, s6;
	[tilespmem:s22+$0xC100] =	vst v2  }
0x645: {  	[tilespmem:s19+$0xC100] =	vst v1;
	v2 =	vld [tilespmem:s25+$0x4100]  }
0x646: {  	s26 =	sor.u32 $0xC30, s1;
	v1 =	vld [tilespmem:s4+$0x4100];
	[tilespmem:s23+$0xC100] =	vst v3  }
0x647: {  	v3 =	vld [tilespmem:s26+$0x4100];
	_ =	sdelay $0x4  }
0x648: {  	v49 =	vld.idx.msk [tilespmem:v11+s5+$0x0], $0xffff  }
0x649: {  	v2 =	vld.idx.msk [tilespmem:v2+s5+$0x0], $0xffff  }
0x64a: {  	v1 =	vld.idx.msk [tilespmem:v1+s5+$0x0], $0xffff  }
0x64b: {  	v3 =	vld.idx.msk [tilespmem:v3+s5+$0x0], $0xffff;
	_ =	sdelay $0x1  }
0x64c: {  	[tilespmem:s10+$0xC100] =	vst v49  }
0x64d: {  	s30 =	sor.u32 $0xC40, s6;
	v50 =	vld [tilespmem:s7+$0x4100];
	[tilespmem:s25+$0xC100] =	vst v2  }
0x64e: {  	[tilespmem:s4+$0xC100] =	vst v1;
	v2 =	vld [tilespmem:s30+$0x4100]  }
0x64f: {  	s13 =	sor.u32 $0xC40, s1;
	v51 =	vld [tilespmem:s18+$0x4100];
	[tilespmem:s26+$0xC100] =	vst v3  }
0x650: {  	v52 =	vld [tilespmem:s13+$0x4100];
	_ =	sdelay $0x4  }
0x651: {  	v1 =	vld.idx.msk [tilespmem:v50+s5+$0x0], $0xffff  }
0x652: {  	v2 =	vld.idx.msk [tilespmem:v2+s5+$0x0], $0xffff  }
0x653: {  	v3 =	vld.idx.msk [tilespmem:v51+s5+$0x0], $0xffff  }
0x654: {  	[tilespmem:s15+$0xC100] =	vst v12;
	s16 =	sor.u32 $0xC50, s28;
	v4 =	vld.idx.msk [tilespmem:v52+s5+$0x0], $0xffff  }
0x655: {  	v53 =	vld [tilespmem:s16+$0x4100]  }
0x656: {  	[tilespmem:s7+$0xC100] =	vst v1  }
0x657: {  	s17 =	sor.u32 $0xC50, s6;
	v55 =	vld [tilespmem:s8+$0x4100];
	[tilespmem:s30+$0xC100] =	vst v2  }
0x658: {  	[tilespmem:s18+$0xC100] =	vst v3;
	v54 =	vld [tilespmem:s17+$0x4100]  }
0x659: {  	s19 =	sor.u32 $0xC50, s1;
	v3 =	vld [tilespmem:s9+$0x4100];
	[tilespmem:s13+$0xC100] =	vst v4  }
0x65a: {  	v4 =	vld [tilespmem:s19+$0x4100];
	_ =	sdelay $0x2  }
0x65b: {  	v5 =	vld.idx.msk [tilespmem:v53+s5+$0x0], $0xffff;
	_ =	sdelay $0x1  }
0x65c: {  	v2 =	vld.idx.msk [tilespmem:v55+s5+$0x0], $0xffff  }
0x65d: {  	v1 =	vld.idx.msk [tilespmem:v54+s5+$0x0], $0xffff  }
0x65e: {  	v3 =	vld.idx.msk [tilespmem:v3+s5+$0x0], $0xffff  }
0x65f: {  	s20 =	sor.u32 $0xC60, s28;
	[tilespmem:s16+$0xC100] =	vst v5;
	v4 =	vld.idx.msk [tilespmem:v4+s5+$0x0], $0xffff  }
0x660: {  	v5 =	vld [tilespmem:s20+$0x4100]  }
0x661: {  	[tilespmem:s8+$0xC100] =	vst v2  }
0x662: {  	s21 =	sor.u32 $0xC60, s6;
	v2 =	vld [tilespmem:s0+$0x4100];
	[tilespmem:s17+$0xC100] =	vst v1  }
0x663: {  	[tilespmem:s9+$0xC100] =	vst v3;
	v1 =	vld [tilespmem:s21+$0x4100]  }
0x664: {  	s22 =	sor.u32 $0xC60, s1;
	v3 =	vld [tilespmem:s3+$0x4100];
	[tilespmem:s19+$0xC100] =	vst v4  }
0x665: {  	v4 =	vld [tilespmem:s22+$0x4100];
	_ =	sdelay $0x2  }
0x666: {  	v5 =	vld.idx.msk [tilespmem:v5+s5+$0x0], $0xffff  }
0x667: {  	v56 =	vld.idx.msk [tilespmem:v9+s5+$0x0], $0xffff  }
0x668: {  	v2 =	vld.idx.msk [tilespmem:v2+s5+$0x0], $0xffff  }
0x669: {  	v1 =	vld.idx.msk [tilespmem:v1+s5+$0x0], $0xffff  }
0x66a: {  	v3 =	vld.idx.msk [tilespmem:v3+s5+$0x0], $0xffff  }
0x66b: {  	[tilespmem:s20+$0xC100] =	vst v5;
	s23 =	sor.u32 $0xC70, s28;
	v4 =	vld.idx.msk [tilespmem:v4+s5+$0x0], $0xffff  }
0x66c: {  	[tilespmem:s2+$0xC100] =	vst v56;
	v5 =	vld [tilespmem:s23+$0x4100]  }
0x66d: {  	v57 =	vld [tilespmem:s29+$0x4100];
	[tilespmem:s0+$0xC100] =	vst v2  }
0x66e: {  	s25 =	sor.u32 $0xC70, s6;
	v59 =	vld [tilespmem:s31+$0x4100];
	[tilespmem:s21+$0xC100] =	vst v1  }
0x66f: {  	[tilespmem:s3+$0xC100] =	vst v3;
	v58 =	vld [tilespmem:s25+$0x4100]  }
0x670: {  	s26 =	sor.u32 $0xC70, s1;
	v60 =	vld [tilespmem:s14+$0x4100];
	[tilespmem:s22+$0xC100] =	vst v4  }
0x671: {  	v61 =	vld [tilespmem:s26+$0x4100];
	_ =	sdelay $0x2  }
0x672: {  	v5 =	vld.idx.msk [tilespmem:v5+s5+$0x0], $0xffff  }
0x673: {  	v1 =	vld.idx.msk [tilespmem:v57+s5+$0x0], $0xffff  }
0x674: {  	v3 =	vld.idx.msk [tilespmem:v59+s5+$0x0], $0xffff  }
0x675: {  	v2 =	vld.idx.msk [tilespmem:v58+s5+$0x0], $0xffff  }
0x676: {  	[tilespmem:s24+$0xC100] =	vst v0;
	v62 =	vld.idx.msk [tilespmem:v60+s5+$0x0], $0xffff  }
0x677: {  	[tilespmem:s23+$0xC100] =	vst v5;
	v63 =	vld.idx.msk [tilespmem:v61+s5+$0x0], $0xffff  }
0x678: {  	[tilespmem:s29+$0xC100] =	vst v1  }
0x679: {  	[tilespmem:s31+$0xC100] =	vst v3  }
0x67a: {  	[tilespmem:s25+$0xC100] =	vst v2  }
0x67b: {  	s2 =	rddreg [dreg:$0xc];
	[tilespmem:s14+$0xC100] =	vst v62  }
0x67c: {  	s29 =	rddreg [dreg:$0xb];
	[tilespmem:s26+$0xC100] =	vst v63  }
0x67d: {  	s15 =	rddreg [dreg:$0x9]  }
0x67e: {  	p0 =	seq.s32 s15, $0x17  }
.Ltmp7:
0x67f: {  	s28 =	rddreg [dreg:$0x2];
	(pc) =	sbr.rel @p0 .LBB2_12-.Ltmp7, $4  }
0x680: {  	s1 =	sadd.s32 s2, s28  }
0x681: {  	s1 =	sadd.s32 s29, s1  }
0x682: {  	s31 =	simm.s32 $0xC100;
	s30 =	sadd.s32 $0x800, s1  }
0x683: {  	[hbm4b:s30+s5] =	stream.linear.scatter [tilespmem:s31], [sflag:$0x4], $0x4000, $0x38;
	[tilespmem:$0x10100] =	vst v63  }
0x684: {  	s0 =	rddreg [dreg:$0xa]  }
0x685: {  	s14 =	rddreg [dreg:$0x4];
	s0 =	sadd.s32 $0x3, s0  }
.Ltmp8:
0x686: {  	s1 =	sshrl.u32 s0, $0x4;
	s0 =	sshll.u32 s0, $0xB;
	(pc) =	sbr.rel .LBB2_2-.Ltmp8, $4  }
0x687: {  	s2 =	rddreg [dreg:$0x0];
	s1 =	sadd.s32 s14, s1;
	s0 =	sand.u32 $0x7800, s0  }
0x688: {  	s1 =	sshll.u32 s1, $0xF;
	s0 =	sadd.s32 s2, s0  }
0x689: {  	s31 =	simm.s32 $0x4100;
	s15 =	sadd.s32 $0x1, s15;
	s0 =	sadd.s32 s1, s0  }
0x68a: {  	[tilespmem:s31], [sflag:$0x2] =	stream.linear.gather [hbm4b:s0+s5], $0x4000, $0x38;
	[tilespmem:$0x10100] =	vst v63  }
.LBB2_13:
0x68b: {  	_ =	sfence.sel $0x180000  }
0x68c: {  	[bflag:$0x0] =	sbarrier.arrive $0xFFFF  }
0x68d: {  	_ =	strace $0x90000047  }
0x68e: {  	s0 =	stileid.u32;
	[bflag:$0x2] =	sbarrier.arrive $0xFFFF  }
0x68f: {  	p0 =	sne.s32 s0, $0x0;
	s0 =	rddreg [dreg:$0x3]  }
0x690: {  	s0 =	sadd.s32 @!p0 $0x100000, s0  }
0x691: {  	[sflag:s0] =	ssyncadd.tile.s32 @!p0 $0x1;
	_ =	shalt  }
.Lfunc_end2:
_tile_overlayer_lowered:
.L_overlay_start_2:
0x692: {  	(tag) =	ssettag $0x2  }
0x693: {  	s0 =	rddreg [dreg:$0x0];
	s2 =	stileid.u32  }
0x694: {  	s1 =	rddreg [dreg:$0x1];
	p0 =	sne.s32 s2, $0x0  }
0x695: {  	s3 =	rddreg [dreg:$0x2];
	[bflag:$0x3] =	sbarrier.arrive $0xFFFF;
	s2 =	simm.s32 @!p0 $0x1C05  }
0x696: {  	[timem:s3], [sflag:s2] =	dma.local @!p0 [hbm:s0], s1  }
0x697: {  	s0 =	simm.s32 @!p0 $0x5  }
0x698: {  	_ =	swait.ge @!p0 [sflag:s0], s1  }
0x699: {  	s1 =	ssub.s32 @!p0 $0x0, s1;
	[sflag:s0] =	ssyncset.done @!p0 $0x0  }
0x69a: {  	[sflag:s0] =	ssyncadd.s32 @!p0 s1  }
0x69b: {  	[bflag:$0x3] =	sbarrier.arrive $0xFFFF  }
0x69c: {  	_ =	shalt  }

</sc_bundles>
